<compile_context>
chip_gen: v7x
topology: tpu7x:2x2x1
jax: 0.10.2.dev20260603
libtpu: 0.0.44.dev20260713+nightly
codegen_flags: <defaults>
</compile_context>

<pallas_src>
import functools

import jax
import jax.numpy as jnp
from jax import lax
from jax.experimental import pallas as pl
from jax.experimental.pallas import tpu as pltpu
from jax.experimental.pallas import tpu_sc as plsc

VOCAB = 1_000_000
EMB = 64
BATCH = 4096
SEQ = 200

NC, NS = 2, 16
NW = NC * NS
WB = BATCH // NW

DT_BLK = 2048
DT_GRID = 245
PACKED_ROWS = DT_GRID * DT_BLK
KSPLIT = 244 * DT_BLK
VLO = VOCAB // 2

_MESH = plsc.VectorSubcoreMesh(core_axis_name="c", subcore_axis_name="s")


def _detile_kernel(src_l, src_r, dst):
    dst[:, 0:64] = src_l[...].T
    dst[:, 64:128] = src_r[...].T


_detile = pl.pallas_call(
    _detile_kernel,
    grid=(DT_GRID,),
    in_specs=[
        pl.BlockSpec((EMB, DT_BLK), lambda i: (0, i)),
        pl.BlockSpec((EMB, DT_BLK), lambda i: (0, i + KSPLIT // DT_BLK)),
    ],
    out_specs=pl.BlockSpec((DT_BLK, 128), lambda i: (i, 0)),
    out_shape=jax.ShapeDtypeStruct((PACKED_ROWS, 128), jnp.float32),
)


def _fmt_kernel(src, dst):
    for w in range(NW):
        x = src[0, w]
        dst[0, :, w, :, 0:64] = x[:, 0:64].T.reshape(EMB // 8, 8, 64)
        dst[0, :, w, :, 64:128] = x[:, 64:128].T.reshape(EMB // 8, 8, 64)


_fmt = pl.pallas_call(
    _fmt_kernel,
    grid=(SEQ,),
    in_specs=[pl.BlockSpec((1, NW, EMB, WB), lambda s: (s, 0, 0, 0))],
    out_specs=pl.BlockSpec((1, EMB // 8, NW, 8, WB), lambda s: (s, 0, 0, 0, 0)),
    out_shape=jax.ShapeDtypeStruct((SEQ, EMB // 8, NW, 8, WB), jnp.float32),
)


@functools.partial(
    pl.kernel,
    mesh=_MESH,
    out_type=jax.ShapeDtypeStruct((SEQ, NW, EMB, WB), jnp.float32),
    scratch_types=[
        pltpu.VMEM((SEQ, WB), jnp.int32),
        pltpu.VMEM((4, 2, 64, EMB), jnp.float32),
    ] + [pltpu.SemaphoreType.DMA] * 8,
    compiler_params=pltpu.CompilerParams(use_tc_tiling_on_sc=False),
)
def _gather(idxT, tab, out, idx_v, rows_v, *sems):
    sem_g = sems[:4]
    sem_o = sems[4:]
    wid = lax.axis_index("s") * NC + lax.axis_index("c")

    pltpu.sync_copy(idxT.at[:, pl.ds(wid * WB, WB)], idx_v)

    @pl.loop(0, SEQ)
    def _(s):
        for g in range(8):
            v = idx_v[s, pl.ds(16 * g, 16)]
            idx_v[s, pl.ds(16 * g, 16)] = jnp.where(
                v < VLO, v + v, v + v - (2 * KSPLIT - 1))

    def gather(s, b):
        for h in range(2):
            pltpu.async_copy(tab.at[idx_v.at[s, pl.ds(64 * h, 64)]],
                             rows_v.at[b, h], sem_g[b])

    def wait_gather(s, b):
        for h in range(2):
            pltpu.make_async_copy(tab.at[idx_v.at[s, pl.ds(64 * h, 64)]],
                                  rows_v.at[b, h], sem_g[b]).wait()

    def put(s, b):
        for h in range(2):
            pltpu.async_copy(rows_v.at[b, h],
                             out.at[s, wid, :, pl.ds(64 * h, 64)], sem_o[b])

    def wait_put(s, b):
        for h in range(2):
            pltpu.make_async_copy(rows_v.at[b, h],
                                  out.at[s, wid, :, pl.ds(64 * h, 64)],
                                  sem_o[b]).wait()

    for s in range(2):
        gather(s, s)

    @pl.loop(0, SEQ, step=4)
    def _(s0):
        for d in range(4):
            s = s0 + d
            b = d % 4
            b2 = (d + 2) % 4
            nxt = s + 2

            @pl.when(jnp.logical_and(nxt < SEQ, nxt >= 4))
            def _():
                wait_put(nxt - 4, b2)
                gather(nxt, b2)

            @pl.when(jnp.logical_and(nxt < SEQ, nxt < 4))
            def _():
                gather(nxt, b2)

            wait_gather(s, b)
            put(s, b)

    for s in range(SEQ - 4, SEQ):
        wait_put(s, s % 4)


@jax.jit
def kernel(in_idx, token_emb):
    tabT = token_emb.T
    packed = _detile(tabT, tabT)
    tab_rm = packed.reshape(2 * PACKED_ROWS, EMB)
    g = _gather(in_idx.T.astype(jnp.int32), tab_rm)
    P = _fmt(g)
    return jnp.transpose(P, (2, 4, 0, 1, 3)).reshape(BATCH, SEQ, EMB)

# --- scband reference (transcript-rebuilt; emitter-appended) ---
"""Pipeline reference for scband-dummy-gptmodel-18614388261225 (READ-ONLY COPY).

The authoritative reference and input builder live on the scoring server;
editing this copy changes nothing except your own understanding.
"""

import jax, jax.numpy as jnp
import numpy as np

VOCAB_SIZE = 1000000
EMB_DIM = 64
BATCH = 4096
SEQ = 200


def setup_inputs(seed: int = 0) -> dict:
    key = jax.random.key(seed)
    k_idx, k_tab = jax.random.split(key)
    in_idx = jax.random.randint(k_idx, (BATCH, SEQ), 0, VOCAB_SIZE, dtype=jnp.int64 if jax.config.jax_enable_x64 else jnp.int32)
    token_emb = jax.random.normal(k_tab, (VOCAB_SIZE, EMB_DIM), dtype=jnp.float32) * 0.02
    return {"in_idx": in_idx, "token_emb": token_emb}


def reference(in_idx, token_emb):
    # DummyGPTModel forward: token embedding lookup
    # nn.Embedding(vocab_size, emb_dim)(in_idx) == table[in_idx]
    out = jnp.take(token_emb, in_idx, axis=0)
    return out

if __name__ == "__main__":
    import jax
    _d = setup_inputs()
    print(jax.jit(kernel)(*tuple(_d.values())))

</pallas_src>

<mosaic_0001>
#map = affine_map<(d0, d1) -> (0, 0)>
#map1 = affine_map<(d0, d1) -> (0, 0, 0, 0)>
module attributes {stable_mosaic.version = 14 : i64} {
  func.func @_gather(%arg0: i32, %arg1: i32, %arg2: memref<200x4096xi32, #tpu.memory_space<hbm>>, %arg3: memref<1003520x64xf32, #tpu.memory_space<hbm>>, %arg4: memref<200x32x64x128xf32, #tpu.memory_space<hbm>>, %arg5: memref<200x128xi32, #tpu.memory_space<vmem>>, %arg6: memref<4x2x64x64xf32, #tpu.memory_space<vmem>>, %arg7: memref<!tpu.dma_semaphore, #tpu.memory_space<semaphore_mem>>, %arg8: memref<!tpu.dma_semaphore, #tpu.memory_space<semaphore_mem>>, %arg9: memref<!tpu.dma_semaphore, #tpu.memory_space<semaphore_mem>>, %arg10: memref<!tpu.dma_semaphore, #tpu.memory_space<semaphore_mem>>, %arg11: memref<!tpu.dma_semaphore, #tpu.memory_space<semaphore_mem>>, %arg12: memref<!tpu.dma_semaphore, #tpu.memory_space<semaphore_mem>>, %arg13: memref<!tpu.dma_semaphore, #tpu.memory_space<semaphore_mem>>, %arg14: memref<!tpu.dma_semaphore, #tpu.memory_space<semaphore_mem>>) attributes {dimension_semantics = [#tpu.dimension_semantics<core_parallel>, #tpu.dimension_semantics<subcore_parallel>], iteration_bounds = array<i64: 2, 16>, scalar_prefetch = 0 : i64, scratch_operands = 10 : i64, tpu.core_type = #tpu.core_type<sc_vector_subcore>, window_params = [{transform_indices = #map}, {transform_indices = #map}, {transform_indices = #map1}]} {
    %mul3A = arith.constant 2 : i32
    %mul3A_0 = arith.muli %arg1, %mul3A : i32
    %add3A = arith.addi %mul3A_0, %arg0 : i32
    %mul3A_1 = arith.constant 128 : i32
    %mul3A_2 = arith.muli %add3A, %mul3A_1 : i32
    "tpu.region"() ({
      %run_scoped3A = tpu.sem_alloc : memref<!tpu.dma_semaphore, #tpu.memory_space<semaphore_mem>>
      %dma_start3A_214 = arith.constant 0 : i32
      %dma_start3A_215 = tpu.memref_slice %arg2[%dma_start3A_214, %mul3A_2] : memref<200x4096xi32, #tpu.memory_space<hbm>> -> memref<200x128xi32, #tpu.memory_space<hbm>>
      %dma_start3A_216 = arith.constant 0 : i32
      %dma_start3A_217 = tpu.memref_slice %arg2[%dma_start3A_216, %mul3A_2] : memref<200x4096xi32, #tpu.memory_space<hbm>> -> memref<200x128xi32, #tpu.memory_space<hbm>>
      tpu.enqueue_dma source(%dma_start3A_217 : memref<200x128xi32, #tpu.memory_space<hbm>>) target(%arg5 : memref<200x128xi32, #tpu.memory_space<vmem>>) target_semaphore(%run_scoped3A : memref<!tpu.dma_semaphore, #tpu.memory_space<semaphore_mem>>)
      %dma_wait3A_218 = arith.constant 0 : i32
      %dma_wait3A_219 = tpu.memref_slice %arg2[%dma_wait3A_218, %mul3A_2] : memref<200x4096xi32, #tpu.memory_space<hbm>> -> memref<200x128xi32, #tpu.memory_space<hbm>>
      %dma_wait3A_220 = arith.constant 0 : i32
      %dma_wait3A_221 = tpu.memref_slice %arg2[%dma_wait3A_220, %mul3A_2] : memref<200x4096xi32, #tpu.memory_space<hbm>> -> memref<200x128xi32, #tpu.memory_space<hbm>>
      tpu.wait_dma2 semaphore(%run_scoped3A : memref<!tpu.dma_semaphore, #tpu.memory_space<semaphore_mem>>) src(%dma_wait3A_221 : memref<200x128xi32, #tpu.memory_space<hbm>>) dst(%arg5 : memref<200x128xi32, #tpu.memory_space<vmem>>)
      tpu.yield
    }) : () -> ()
    %scan3A = arith.constant 0 : i32
    %scan3A_3 = arith.constant 200 : i32
    %scan3A_4 = arith.addi %scan3A, %scan3A_3 : i32
    %scan3A_5 = arith.constant 1 : i32
    scf.for %scan3A_214 = %scan3A to %scan3A_4 step %scan3A_5  : i32 {
      %mul3A_215 = arith.constant 1 : i32
      %mul3A_216 = arith.muli %scan3A_214, %mul3A_215 : i32
      %add3A_217 = arith.constant 0 : i32
      %add3A_218 = arith.addi %add3A_217, %mul3A_216 : i32
      %get3A = arith.index_cast %add3A_218 : i32 to index
      %get3A_219 = arith.constant 0 : index
      %get3A_220 = tpu.vector_load %arg5[%get3A, %get3A_219] {strides = array<i32>} : memref<200x128xi32, #tpu.memory_space<vmem>>, vector<1x16xi32>,
      %get3A_221 = vector.shape_cast %get3A_220 : vector<1x16xi32> to vector<16xi32>
      %lt3A = arith.constant 500000 : i32
      %lt3A_222 = vector.broadcast %lt3A : i32 to vector<16xi32>
      %lt3A_223 = arith.cmpi slt, %get3A_221, %lt3A_222 : vector<16xi32>
      %add3A_224 = arith.addi %get3A_221, %get3A_221 : vector<16xi32>
      %add3A_225 = arith.addi %get3A_221, %get3A_221 : vector<16xi32>
      %sub3A = arith.constant 999423 : i32
      %sub3A_226 = vector.broadcast %sub3A : i32 to vector<16xi32>
      %sub3A_227 = arith.subi %add3A_225, %sub3A_226 : vector<16xi32>
      %select_n3A = arith.select %lt3A_223, %add3A_224, %sub3A_227 : vector<16xi1>, vector<16xi32>
      %swap3A = arith.index_cast %add3A_218 : i32 to index
      %swap3A_228 = arith.constant 0 : index
      %swap3A_229 = tpu.vector_load %arg5[%swap3A, %swap3A_228] {strides = array<i32>} : memref<200x128xi32, #tpu.memory_space<vmem>>, vector<1x16xi32>,
      %swap3A_230 = vector.shape_cast %swap3A_229 : vector<1x16xi32> to vector<16xi32>
      %swap3A_231 = vector.shape_cast %select_n3A : vector<16xi32> to vector<1x16xi32>
      tpu.vector_store %arg5[%swap3A, %swap3A_228], %swap3A_231 {strides = array<i32>} : memref<200x128xi32, #tpu.memory_space<vmem>>, vector<1x16xi32>,
      %get3A_232 = arith.index_cast %add3A_218 : i32 to index
      %get3A_233 = arith.constant 16 : index
      %get3A_234 = tpu.vector_load %arg5[%get3A_232, %get3A_233] {strides = array<i32>} : memref<200x128xi32, #tpu.memory_space<vmem>>, vector<1x16xi32>,
      %get3A_235 = vector.shape_cast %get3A_234 : vector<1x16xi32> to vector<16xi32>
      %lt3A_236 = arith.constant 500000 : i32
      %lt3A_237 = vector.broadcast %lt3A_236 : i32 to vector<16xi32>
      %lt3A_238 = arith.cmpi slt, %get3A_235, %lt3A_237 : vector<16xi32>
      %add3A_239 = arith.addi %get3A_235, %get3A_235 : vector<16xi32>
      %add3A_240 = arith.addi %get3A_235, %get3A_235 : vector<16xi32>
      %sub3A_241 = arith.constant 999423 : i32
      %sub3A_242 = vector.broadcast %sub3A_241 : i32 to vector<16xi32>
      %sub3A_243 = arith.subi %add3A_240, %sub3A_242 : vector<16xi32>
      %select_n3A_244 = arith.select %lt3A_238, %add3A_239, %sub3A_243 : vector<16xi1>, vector<16xi32>
      %swap3A_245 = arith.index_cast %add3A_218 : i32 to index
      %swap3A_246 = arith.constant 16 : index
      %swap3A_247 = tpu.vector_load %arg5[%swap3A_245, %swap3A_246] {strides = array<i32>} : memref<200x128xi32, #tpu.memory_space<vmem>>, vector<1x16xi32>,
      %swap3A_248 = vector.shape_cast %swap3A_247 : vector<1x16xi32> to vector<16xi32>
      %swap3A_249 = vector.shape_cast %select_n3A_244 : vector<16xi32> to vector<1x16xi32>
      tpu.vector_store %arg5[%swap3A_245, %swap3A_246], %swap3A_249 {strides = array<i32>} : memref<200x128xi32, #tpu.memory_space<vmem>>, vector<1x16xi32>,
      %get3A_250 = arith.index_cast %add3A_218 : i32 to index
      %get3A_251 = arith.constant 32 : index
      %get3A_252 = tpu.vector_load %arg5[%get3A_250, %get3A_251] {strides = array<i32>} : memref<200x128xi32, #tpu.memory_space<vmem>>, vector<1x16xi32>,
      %get3A_253 = vector.shape_cast %get3A_252 : vector<1x16xi32> to vector<16xi32>
      %lt3A_254 = arith.constant 500000 : i32
      %lt3A_255 = vector.broadcast %lt3A_254 : i32 to vector<16xi32>
      %lt3A_256 = arith.cmpi slt, %get3A_253, %lt3A_255 : vector<16xi32>
      %add3A_257 = arith.addi %get3A_253, %get3A_253 : vector<16xi32>
      %add3A_258 = arith.addi %get3A_253, %get3A_253 : vector<16xi32>
      %sub3A_259 = arith.constant 999423 : i32
      %sub3A_260 = vector.broadcast %sub3A_259 : i32 to vector<16xi32>
      %sub3A_261 = arith.subi %add3A_258, %sub3A_260 : vector<16xi32>
      %select_n3A_262 = arith.select %lt3A_256, %add3A_257, %sub3A_261 : vector<16xi1>, vector<16xi32>
      %swap3A_263 = arith.index_cast %add3A_218 : i32 to index
      %swap3A_264 = arith.constant 32 : index
      %swap3A_265 = tpu.vector_load %arg5[%swap3A_263, %swap3A_264] {strides = array<i32>} : memref<200x128xi32, #tpu.memory_space<vmem>>, vector<1x16xi32>,
      %swap3A_266 = vector.shape_cast %swap3A_265 : vector<1x16xi32> to vector<16xi32>
      %swap3A_267 = vector.shape_cast %select_n3A_262 : vector<16xi32> to vector<1x16xi32>
      tpu.vector_store %arg5[%swap3A_263, %swap3A_264], %swap3A_267 {strides = array<i32>} : memref<200x128xi32, #tpu.memory_space<vmem>>, vector<1x16xi32>,
      %get3A_268 = arith.index_cast %add3A_218 : i32 to index
      %get3A_269 = arith.constant 48 : index
      %get3A_270 = tpu.vector_load %arg5[%get3A_268, %get3A_269] {strides = array<i32>} : memref<200x128xi32, #tpu.memory_space<vmem>>, vector<1x16xi32>,
      %get3A_271 = vector.shape_cast %get3A_270 : vector<1x16xi32> to vector<16xi32>
      %lt3A_272 = arith.constant 500000 : i32
      %lt3A_273 = vector.broadcast %lt3A_272 : i32 to vector<16xi32>
      %lt3A_274 = arith.cmpi slt, %get3A_271, %lt3A_273 : vector<16xi32>
      %add3A_275 = arith.addi %get3A_271, %get3A_271 : vector<16xi32>
      %add3A_276 = arith.addi %get3A_271, %get3A_271 : vector<16xi32>
      %sub3A_277 = arith.constant 999423 : i32
      %sub3A_278 = vector.broadcast %sub3A_277 : i32 to vector<16xi32>
      %sub3A_279 = arith.subi %add3A_276, %sub3A_278 : vector<16xi32>
      %select_n3A_280 = arith.select %lt3A_274, %add3A_275, %sub3A_279 : vector<16xi1>, vector<16xi32>
      %swap3A_281 = arith.index_cast %add3A_218 : i32 to index
      %swap3A_282 = arith.constant 48 : index
      %swap3A_283 = tpu.vector_load %arg5[%swap3A_281, %swap3A_282] {strides = array<i32>} : memref<200x128xi32, #tpu.memory_space<vmem>>, vector<1x16xi32>,
      %swap3A_284 = vector.shape_cast %swap3A_283 : vector<1x16xi32> to vector<16xi32>
      %swap3A_285 = vector.shape_cast %select_n3A_280 : vector<16xi32> to vector<1x16xi32>
      tpu.vector_store %arg5[%swap3A_281, %swap3A_282], %swap3A_285 {strides = array<i32>} : memref<200x128xi32, #tpu.memory_space<vmem>>, vector<1x16xi32>,
      %get3A_286 = arith.index_cast %add3A_218 : i32 to index
      %get3A_287 = arith.constant 64 : index
      %get3A_288 = tpu.vector_load %arg5[%get3A_286, %get3A_287] {strides = array<i32>} : memref<200x128xi32, #tpu.memory_space<vmem>>, vector<1x16xi32>,
      %get3A_289 = vector.shape_cast %get3A_288 : vector<1x16xi32> to vector<16xi32>
      %lt3A_290 = arith.constant 500000 : i32
      %lt3A_291 = vector.broadcast %lt3A_290 : i32 to vector<16xi32>
      %lt3A_292 = arith.cmpi slt, %get3A_289, %lt3A_291 : vector<16xi32>
      %add3A_293 = arith.addi %get3A_289, %get3A_289 : vector<16xi32>
      %add3A_294 = arith.addi %get3A_289, %get3A_289 : vector<16xi32>
      %sub3A_295 = arith.constant 999423 : i32
      %sub3A_296 = vector.broadcast %sub3A_295 : i32 to vector<16xi32>
      %sub3A_297 = arith.subi %add3A_294, %sub3A_296 : vector<16xi32>
      %select_n3A_298 = arith.select %lt3A_292, %add3A_293, %sub3A_297 : vector<16xi1>, vector<16xi32>
      %swap3A_299 = arith.index_cast %add3A_218 : i32 to index
      %swap3A_300 = arith.constant 64 : index
      %swap3A_301 = tpu.vector_load %arg5[%swap3A_299, %swap3A_300] {strides = array<i32>} : memref<200x128xi32, #tpu.memory_space<vmem>>, vector<1x16xi32>,
      %swap3A_302 = vector.shape_cast %swap3A_301 : vector<1x16xi32> to vector<16xi32>
      %swap3A_303 = vector.shape_cast %select_n3A_298 : vector<16xi32> to vector<1x16xi32>
      tpu.vector_store %arg5[%swap3A_299, %swap3A_300], %swap3A_303 {strides = array<i32>} : memref<200x128xi32, #tpu.memory_space<vmem>>, vector<1x16xi32>,
      %get3A_304 = arith.index_cast %add3A_218 : i32 to index
      %get3A_305 = arith.constant 80 : index
      %get3A_306 = tpu.vector_load %arg5[%get3A_304, %get3A_305] {strides = array<i32>} : memref<200x128xi32, #tpu.memory_space<vmem>>, vector<1x16xi32>,
      %get3A_307 = vector.shape_cast %get3A_306 : vector<1x16xi32> to vector<16xi32>
      %lt3A_308 = arith.constant 500000 : i32
      %lt3A_309 = vector.broadcast %lt3A_308 : i32 to vector<16xi32>
      %lt3A_310 = arith.cmpi slt, %get3A_307, %lt3A_309 : vector<16xi32>
      %add3A_311 = arith.addi %get3A_307, %get3A_307 : vector<16xi32>
      %add3A_312 = arith.addi %get3A_307, %get3A_307 : vector<16xi32>
      %sub3A_313 = arith.constant 999423 : i32
      %sub3A_314 = vector.broadcast %sub3A_313 : i32 to vector<16xi32>
      %sub3A_315 = arith.subi %add3A_312, %sub3A_314 : vector<16xi32>
      %select_n3A_316 = arith.select %lt3A_310, %add3A_311, %sub3A_315 : vector<16xi1>, vector<16xi32>
      %swap3A_317 = arith.index_cast %add3A_218 : i32 to index
      %swap3A_318 = arith.constant 80 : index
      %swap3A_319 = tpu.vector_load %arg5[%swap3A_317, %swap3A_318] {strides = array<i32>} : memref<200x128xi32, #tpu.memory_space<vmem>>, vector<1x16xi32>,
      %swap3A_320 = vector.shape_cast %swap3A_319 : vector<1x16xi32> to vector<16xi32>
      %swap3A_321 = vector.shape_cast %select_n3A_316 : vector<16xi32> to vector<1x16xi32>
      tpu.vector_store %arg5[%swap3A_317, %swap3A_318], %swap3A_321 {strides = array<i32>} : memref<200x128xi32, #tpu.memory_space<vmem>>, vector<1x16xi32>,
      %get3A_322 = arith.index_cast %add3A_218 : i32 to index
      %get3A_323 = arith.constant 96 : index
      %get3A_324 = tpu.vector_load %arg5[%get3A_322, %get3A_323] {strides = array<i32>} : memref<200x128xi32, #tpu.memory_space<vmem>>, vector<1x16xi32>,
      %get3A_325 = vector.shape_cast %get3A_324 : vector<1x16xi32> to vector<16xi32>
      %lt3A_326 = arith.constant 500000 : i32
      %lt3A_327 = vector.broadcast %lt3A_326 : i32 to vector<16xi32>
      %lt3A_328 = arith.cmpi slt, %get3A_325, %lt3A_327 : vector<16xi32>
      %add3A_329 = arith.addi %get3A_325, %get3A_325 : vector<16xi32>
      %add3A_330 = arith.addi %get3A_325, %get3A_325 : vector<16xi32>
      %sub3A_331 = arith.constant 999423 : i32
      %sub3A_332 = vector.broadcast %sub3A_331 : i32 to vector<16xi32>
      %sub3A_333 = arith.subi %add3A_330, %sub3A_332 : vector<16xi32>
      %select_n3A_334 = arith.select %lt3A_328, %add3A_329, %sub3A_333 : vector<16xi1>, vector<16xi32>
      %swap3A_335 = arith.index_cast %add3A_218 : i32 to index
      %swap3A_336 = arith.constant 96 : index
      %swap3A_337 = tpu.vector_load %arg5[%swap3A_335, %swap3A_336] {strides = array<i32>} : memref<200x128xi32, #tpu.memory_space<vmem>>, vector<1x16xi32>,
      %swap3A_338 = vector.shape_cast %swap3A_337 : vector<1x16xi32> to vector<16xi32>
      %swap3A_339 = vector.shape_cast %select_n3A_334 : vector<16xi32> to vector<1x16xi32>
      tpu.vector_store %arg5[%swap3A_335, %swap3A_336], %swap3A_339 {strides = array<i32>} : memref<200x128xi32, #tpu.memory_space<vmem>>, vector<1x16xi32>,
      %get3A_340 = arith.index_cast %add3A_218 : i32 to index
      %get3A_341 = arith.constant 112 : index
      %get3A_342 = tpu.vector_load %arg5[%get3A_340, %get3A_341] {strides = array<i32>} : memref<200x128xi32, #tpu.memory_space<vmem>>, vector<1x16xi32>,
      %get3A_343 = vector.shape_cast %get3A_342 : vector<1x16xi32> to vector<16xi32>
      %lt3A_344 = arith.constant 500000 : i32
      %lt3A_345 = vector.broadcast %lt3A_344 : i32 to vector<16xi32>
      %lt3A_346 = arith.cmpi slt, %get3A_343, %lt3A_345 : vector<16xi32>
      %add3A_347 = arith.addi %get3A_343, %get3A_343 : vector<16xi32>
      %add3A_348 = arith.addi %get3A_343, %get3A_343 : vector<16xi32>
      %sub3A_349 = arith.constant 999423 : i32
      %sub3A_350 = vector.broadcast %sub3A_349 : i32 to vector<16xi32>
      %sub3A_351 = arith.subi %add3A_348, %sub3A_350 : vector<16xi32>
      %select_n3A_352 = arith.select %lt3A_346, %add3A_347, %sub3A_351 : vector<16xi1>, vector<16xi32>
      %swap3A_353 = arith.index_cast %add3A_218 : i32 to index
      %swap3A_354 = arith.constant 112 : index
      %swap3A_355 = tpu.vector_load %arg5[%swap3A_353, %swap3A_354] {strides = array<i32>} : memref<200x128xi32, #tpu.memory_space<vmem>>, vector<1x16xi32>,
      %swap3A_356 = vector.shape_cast %swap3A_355 : vector<1x16xi32> to vector<16xi32>
      %swap3A_357 = vector.shape_cast %select_n3A_352 : vector<16xi32> to vector<1x16xi32>
      tpu.vector_store %arg5[%swap3A_353, %swap3A_354], %swap3A_357 {strides = array<i32>} : memref<200x128xi32, #tpu.memory_space<vmem>>, vector<1x16xi32>,
    }
    %scan3A_6 = arith.constant 200 : i32
    %dma_start3A = arith.constant 0 : i32
    %dma_start3A_7 = arith.constant 0 : i32
    %dma_start3A_8 = arith.constant 0 : i32
    %dma_start3A_9 = arith.constant 0 : i32
    %dma_start3A_10 = arith.constant 0 : i32
    %dma_start3A_11 = tpu.memref_slice %arg6[%dma_start3A_7, %dma_start3A_8, %dma_start3A_9, %dma_start3A_10] : memref<4x2x64x64xf32, #tpu.memory_space<vmem>> -> memref<1x1x64x64xf32, #tpu.memory_space<vmem>>
    %dma_start3A_12 = tpu.memref_squeeze %dma_start3A_11 : memref<1x1x64x64xf32, #tpu.memory_space<vmem>> -> memref<64x64xf32, #tpu.memory_space<vmem>>
    %dma_start3A_13 = arith.constant 0 : i32
    %dma_start3A_14 = tpu.memref_slice %arg5[%dma_start3A, %dma_start3A_13] : memref<200x128xi32, #tpu.memory_space<vmem>> -> memref<1x64xi32, #tpu.memory_space<vmem>>
    %dma_start3A_15 = tpu.memref_squeeze %dma_start3A_14 : memref<1x64xi32, #tpu.memory_space<vmem>> -> memref<64xi32, #tpu.memory_space<vmem>>
    %dma_start3A_16 = arith.constant 0 : i32
    %dma_start3A_17 = arith.constant 0 : i32
    %dma_start3A_18 = tpu.memref_slice %arg3[%dma_start3A_16, %dma_start3A_17] : memref<1003520x64xf32, #tpu.memory_space<hbm>> -> memref<1003520x64xf32, #tpu.memory_space<hbm>>
    tpu.enqueue_indirect_dma source(%dma_start3A_18 : memref<1003520x64xf32, #tpu.memory_space<hbm>>) target(%dma_start3A_12 : memref<64x64xf32, #tpu.memory_space<vmem>>) offsets(%dma_start3A_15 : memref<64xi32, #tpu.memory_space<vmem>>) semaphore(%arg7 : memref<!tpu.dma_semaphore, #tpu.memory_space<semaphore_mem>>)
    %dma_start3A_19 = arith.constant 0 : i32
    %dma_start3A_20 = arith.constant 0 : i32
    %dma_start3A_21 = arith.constant 1 : i32
    %dma_start3A_22 = arith.constant 0 : i32
    %dma_start3A_23 = arith.constant 0 : i32
    %dma_start3A_24 = tpu.memref_slice %arg6[%dma_start3A_20, %dma_start3A_21, %dma_start3A_22, %dma_start3A_23] : memref<4x2x64x64xf32, #tpu.memory_space<vmem>> -> memref<1x1x64x64xf32, #tpu.memory_space<vmem>>
    %dma_start3A_25 = tpu.memref_squeeze %dma_start3A_24 : memref<1x1x64x64xf32, #tpu.memory_space<vmem>> -> memref<64x64xf32, #tpu.memory_space<vmem>>
    %dma_start3A_26 = arith.constant 64 : i32
    %dma_start3A_27 = tpu.memref_slice %arg5[%dma_start3A_19, %dma_start3A_26] : memref<200x128xi32, #tpu.memory_space<vmem>> -> memref<1x64xi32, #tpu.memory_space<vmem>>
    %dma_start3A_28 = tpu.memref_squeeze %dma_start3A_27 : memref<1x64xi32, #tpu.memory_space<vmem>> -> memref<64xi32, #tpu.memory_space<vmem>>
    %dma_start3A_29 = arith.constant 0 : i32
    %dma_start3A_30 = arith.constant 0 : i32
    %dma_start3A_31 = tpu.memref_slice %arg3[%dma_start3A_29, %dma_start3A_30] : memref<1003520x64xf32, #tpu.memory_space<hbm>> -> memref<1003520x64xf32, #tpu.memory_space<hbm>>
    tpu.enqueue_indirect_dma source(%dma_start3A_31 : memref<1003520x64xf32, #tpu.memory_space<hbm>>) target(%dma_start3A_25 : memref<64x64xf32, #tpu.memory_space<vmem>>) offsets(%dma_start3A_28 : memref<64xi32, #tpu.memory_space<vmem>>) semaphore(%arg7 : memref<!tpu.dma_semaphore, #tpu.memory_space<semaphore_mem>>)
    %dma_start3A_32 = arith.constant 1 : i32
    %dma_start3A_33 = arith.constant 1 : i32
    %dma_start3A_34 = arith.constant 0 : i32
    %dma_start3A_35 = arith.constant 0 : i32
    %dma_start3A_36 = arith.constant 0 : i32
    %dma_start3A_37 = tpu.memref_slice %arg6[%dma_start3A_33, %dma_start3A_34, %dma_start3A_35, %dma_start3A_36] : memref<4x2x64x64xf32, #tpu.memory_space<vmem>> -> memref<1x1x64x64xf32, #tpu.memory_space<vmem>>
    %dma_start3A_38 = tpu.memref_squeeze %dma_start3A_37 : memref<1x1x64x64xf32, #tpu.memory_space<vmem>> -> memref<64x64xf32, #tpu.memory_space<vmem>>
    %dma_start3A_39 = arith.constant 0 : i32
    %dma_start3A_40 = tpu.memref_slice %arg5[%dma_start3A_32, %dma_start3A_39] : memref<200x128xi32, #tpu.memory_space<vmem>> -> memref<1x64xi32, #tpu.memory_space<vmem>>
    %dma_start3A_41 = tpu.memref_squeeze %dma_start3A_40 : memref<1x64xi32, #tpu.memory_space<vmem>> -> memref<64xi32, #tpu.memory_space<vmem>>
    %dma_start3A_42 = arith.constant 0 : i32
    %dma_start3A_43 = arith.constant 0 : i32
    %dma_start3A_44 = tpu.memref_slice %arg3[%dma_start3A_42, %dma_start3A_43] : memref<1003520x64xf32, #tpu.memory_space<hbm>> -> memref<1003520x64xf32, #tpu.memory_space<hbm>>
    tpu.enqueue_indirect_dma source(%dma_start3A_44 : memref<1003520x64xf32, #tpu.memory_space<hbm>>) target(%dma_start3A_38 : memref<64x64xf32, #tpu.memory_space<vmem>>) offsets(%dma_start3A_41 : memref<64xi32, #tpu.memory_space<vmem>>) semaphore(%arg8 : memref<!tpu.dma_semaphore, #tpu.memory_space<semaphore_mem>>)
    %dma_start3A_45 = arith.constant 1 : i32
    %dma_start3A_46 = arith.constant 1 : i32
    %dma_start3A_47 = arith.constant 1 : i32
    %dma_start3A_48 = arith.constant 0 : i32
    %dma_start3A_49 = arith.constant 0 : i32
    %dma_start3A_50 = tpu.memref_slice %arg6[%dma_start3A_46, %dma_start3A_47, %dma_start3A_48, %dma_start3A_49] : memref<4x2x64x64xf32, #tpu.memory_space<vmem>> -> memref<1x1x64x64xf32, #tpu.memory_space<vmem>>
    %dma_start3A_51 = tpu.memref_squeeze %dma_start3A_50 : memref<1x1x64x64xf32, #tpu.memory_space<vmem>> -> memref<64x64xf32, #tpu.memory_space<vmem>>
    %dma_start3A_52 = arith.constant 64 : i32
    %dma_start3A_53 = tpu.memref_slice %arg5[%dma_start3A_45, %dma_start3A_52] : memref<200x128xi32, #tpu.memory_space<vmem>> -> memref<1x64xi32, #tpu.memory_space<vmem>>
    %dma_start3A_54 = tpu.memref_squeeze %dma_start3A_53 : memref<1x64xi32, #tpu.memory_space<vmem>> -> memref<64xi32, #tpu.memory_space<vmem>>
    %dma_start3A_55 = arith.constant 0 : i32
    %dma_start3A_56 = arith.constant 0 : i32
    %dma_start3A_57 = tpu.memref_slice %arg3[%dma_start3A_55, %dma_start3A_56] : memref<1003520x64xf32, #tpu.memory_space<hbm>> -> memref<1003520x64xf32, #tpu.memory_space<hbm>>
    tpu.enqueue_indirect_dma source(%dma_start3A_57 : memref<1003520x64xf32, #tpu.memory_space<hbm>>) target(%dma_start3A_51 : memref<64x64xf32, #tpu.memory_space<vmem>>) offsets(%dma_start3A_54 : memref<64xi32, #tpu.memory_space<vmem>>) semaphore(%arg8 : memref<!tpu.dma_semaphore, #tpu.memory_space<semaphore_mem>>)
    %scan3A_58 = arith.constant 0 : i32
    %scan3A_59 = arith.constant 50 : i32
    %scan3A_60 = arith.addi %scan3A_58, %scan3A_59 : i32
    %scan3A_61 = arith.constant 1 : i32
    scf.for %scan3A_214 = %scan3A_58 to %scan3A_60 step %scan3A_61  : i32 {
      %mul3A_215 = arith.constant 4 : i32
      %mul3A_216 = arith.muli %scan3A_214, %mul3A_215 : i32
      %add3A_217 = arith.constant 0 : i32
      %add3A_218 = arith.addi %add3A_217, %mul3A_216 : i32
      %add3A_219 = arith.constant 0 : i32
      %add3A_220 = arith.addi %add3A_218, %add3A_219 : i32
      %add3A_221 = arith.constant 2 : i32
      %add3A_222 = arith.addi %add3A_220, %add3A_221 : i32
      %lt3A = arith.constant 200 : i32
      %lt3A_223 = arith.cmpi slt, %add3A_222, %lt3A : i32
      %ge3A = arith.constant 4 : i32
      %ge3A_224 = arith.cmpi sge, %add3A_222, %ge3A : i32
      %and3A = arith.andi %lt3A_223, %ge3A_224 : i1
      %convert_element_type3A = arith.extui %and3A : i1 to i32
      %cond3A = arith.constant 0 : i32
      %cond3A_225 = arith.cmpi ne, %convert_element_type3A, %cond3A : i32
      scf.if %cond3A_225 {
        %sub3A = arith.constant 4 : i32
        %sub3A_534 = arith.subi %add3A_222, %sub3A : i32
        %dma_wait3A_535 = arith.constant 2 : i32
        %dma_wait3A_536 = arith.constant 0 : i32
        %dma_wait3A_537 = arith.constant 0 : i32
        %dma_wait3A_538 = arith.constant 0 : i32
        %dma_wait3A_539 = tpu.memref_slice %arg6[%dma_wait3A_535, %dma_wait3A_536, %dma_wait3A_537, %dma_wait3A_538] : memref<4x2x64x64xf32, #tpu.memory_space<vmem>> -> memref<1x1x64x64xf32, #tpu.memory_space<vmem>>
        %dma_wait3A_540 = tpu.memref_squeeze %dma_wait3A_539 : memref<1x1x64x64xf32, #tpu.memory_space<vmem>> -> memref<64x64xf32, #tpu.memory_space<vmem>>
        %dma_wait3A_541 = arith.constant 0 : i32
        %dma_wait3A_542 = arith.constant 0 : i32
        %dma_wait3A_543 = tpu.memref_slice %arg4[%sub3A_534, %add3A, %dma_wait3A_541, %dma_wait3A_542] : memref<200x32x64x128xf32, #tpu.memory_space<hbm>> -> memref<1x1x64x64xf32, #tpu.memory_space<hbm>>
        %dma_wait3A_544 = tpu.memref_squeeze %dma_wait3A_543 : memref<1x1x64x64xf32, #tpu.memory_space<hbm>> -> memref<64x64xf32, #tpu.memory_space<hbm>>
        %dma_wait3A_545 = arith.constant 0 : i32
        %dma_wait3A_546 = arith.constant 0 : i32
        %dma_wait3A_547 = tpu.memref_slice %arg4[%sub3A_534, %add3A, %dma_wait3A_545, %dma_wait3A_546] : memref<200x32x64x128xf32, #tpu.memory_space<hbm>> -> memref<1x1x64x64xf32, #tpu.memory_space<hbm>>
        %dma_wait3A_548 = tpu.memref_squeeze %dma_wait3A_547 : memref<1x1x64x64xf32, #tpu.memory_space<hbm>> -> memref<64x64xf32, #tpu.memory_space<hbm>>
        %dma_wait3A_549 = arith.constant 0 : i32
        %dma_wait3A_550 = arith.constant 0 : i32
        %dma_wait3A_551 = tpu.memref_slice %arg6[%dma_wait3A_535, %dma_wait3A_536, %dma_wait3A_549, %dma_wait3A_550] : memref<4x2x64x64xf32, #tpu.memory_space<vmem>> -> memref<1x1x64x64xf32, #tpu.memory_space<vmem>>
        %dma_wait3A_552 = tpu.memref_squeeze %dma_wait3A_551 : memref<1x1x64x64xf32, #tpu.memory_space<vmem>> -> memref<64x64xf32, #tpu.memory_space<vmem>>
        tpu.wait_dma2 semaphore(%arg13 : memref<!tpu.dma_semaphore, #tpu.memory_space<semaphore_mem>>) src(%dma_wait3A_552 : memref<64x64xf32, #tpu.memory_space<vmem>>) dst(%dma_wait3A_548 : memref<64x64xf32, #tpu.memory_space<hbm>>)
        %dma_wait3A_553 = arith.constant 2 : i32
        %dma_wait3A_554 = arith.constant 1 : i32
        %dma_wait3A_555 = arith.constant 0 : i32
        %dma_wait3A_556 = arith.constant 0 : i32
        %dma_wait3A_557 = tpu.memref_slice %arg6[%dma_wait3A_553, %dma_wait3A_554, %dma_wait3A_555, %dma_wait3A_556] : memref<4x2x64x64xf32, #tpu.memory_space<vmem>> -> memref<1x1x64x64xf32, #tpu.memory_space<vmem>>
        %dma_wait3A_558 = tpu.memref_squeeze %dma_wait3A_557 : memref<1x1x64x64xf32, #tpu.memory_space<vmem>> -> memref<64x64xf32, #tpu.memory_space<vmem>>
        %dma_wait3A_559 = arith.constant 0 : i32
        %dma_wait3A_560 = arith.constant 64 : i32
        %dma_wait3A_561 = tpu.memref_slice %arg4[%sub3A_534, %add3A, %dma_wait3A_559, %dma_wait3A_560] : memref<200x32x64x128xf32, #tpu.memory_space<hbm>> -> memref<1x1x64x64xf32, #tpu.memory_space<hbm>>
        %dma_wait3A_562 = tpu.memref_squeeze %dma_wait3A_561 : memref<1x1x64x64xf32, #tpu.memory_space<hbm>> -> memref<64x64xf32, #tpu.memory_space<hbm>>
        %dma_wait3A_563 = arith.constant 0 : i32
        %dma_wait3A_564 = arith.constant 64 : i32
        %dma_wait3A_565 = tpu.memref_slice %arg4[%sub3A_534, %add3A, %dma_wait3A_563, %dma_wait3A_564] : memref<200x32x64x128xf32, #tpu.memory_space<hbm>> -> memref<1x1x64x64xf32, #tpu.memory_space<hbm>>
        %dma_wait3A_566 = tpu.memref_squeeze %dma_wait3A_565 : memref<1x1x64x64xf32, #tpu.memory_space<hbm>> -> memref<64x64xf32, #tpu.memory_space<hbm>>
        %dma_wait3A_567 = arith.constant 0 : i32
        %dma_wait3A_568 = arith.constant 0 : i32
        %dma_wait3A_569 = tpu.memref_slice %arg6[%dma_wait3A_553, %dma_wait3A_554, %dma_wait3A_567, %dma_wait3A_568] : memref<4x2x64x64xf32, #tpu.memory_space<vmem>> -> memref<1x1x64x64xf32, #tpu.memory_space<vmem>>
        %dma_wait3A_570 = tpu.memref_squeeze %dma_wait3A_569 : memref<1x1x64x64xf32, #tpu.memory_space<vmem>> -> memref<64x64xf32, #tpu.memory_space<vmem>>
        tpu.wait_dma2 semaphore(%arg13 : memref<!tpu.dma_semaphore, #tpu.memory_space<semaphore_mem>>) src(%dma_wait3A_570 : memref<64x64xf32, #tpu.memory_space<vmem>>) dst(%dma_wait3A_566 : memref<64x64xf32, #tpu.memory_space<hbm>>)
        %dma_start3A_571 = arith.constant 2 : i32
        %dma_start3A_572 = arith.constant 0 : i32
        %dma_start3A_573 = arith.constant 0 : i32
        %dma_start3A_574 = arith.constant 0 : i32
        %dma_start3A_575 = tpu.memref_slice %arg6[%dma_start3A_571, %dma_start3A_572, %dma_start3A_573, %dma_start3A_574] : memref<4x2x64x64xf32, #tpu.memory_space<vmem>> -> memref<1x1x64x64xf32, #tpu.memory_space<vmem>>
        %dma_start3A_576 = tpu.memref_squeeze %dma_start3A_575 : memref<1x1x64x64xf32, #tpu.memory_space<vmem>> -> memref<64x64xf32, #tpu.memory_space<vmem>>
        %dma_start3A_577 = arith.constant 0 : i32
        %dma_start3A_578 = tpu.memref_slice %arg5[%add3A_222, %dma_start3A_577] : memref<200x128xi32, #tpu.memory_space<vmem>> -> memref<1x64xi32, #tpu.memory_space<vmem>>
        %dma_start3A_579 = tpu.memref_squeeze %dma_start3A_578 : memref<1x64xi32, #tpu.memory_space<vmem>> -> memref<64xi32, #tpu.memory_space<vmem>>
        %dma_start3A_580 = arith.constant 0 : i32
        %dma_start3A_581 = arith.constant 0 : i32
        %dma_start3A_582 = tpu.memref_slice %arg3[%dma_start3A_580, %dma_start3A_581] : memref<1003520x64xf32, #tpu.memory_space<hbm>> -> memref<1003520x64xf32, #tpu.memory_space<hbm>>
        tpu.enqueue_indirect_dma source(%dma_start3A_582 : memref<1003520x64xf32, #tpu.memory_space<hbm>>) target(%dma_start3A_576 : memref<64x64xf32, #tpu.memory_space<vmem>>) offsets(%dma_start3A_579 : memref<64xi32, #tpu.memory_space<vmem>>) semaphore(%arg9 : memref<!tpu.dma_semaphore, #tpu.memory_space<semaphore_mem>>)
        %dma_start3A_583 = arith.constant 2 : i32
        %dma_start3A_584 = arith.constant 1 : i32
        %dma_start3A_585 = arith.constant 0 : i32
        %dma_start3A_586 = arith.constant 0 : i32
        %dma_start3A_587 = tpu.memref_slice %arg6[%dma_start3A_583, %dma_start3A_584, %dma_start3A_585, %dma_start3A_586] : memref<4x2x64x64xf32, #tpu.memory_space<vmem>> -> memref<1x1x64x64xf32, #tpu.memory_space<vmem>>
        %dma_start3A_588 = tpu.memref_squeeze %dma_start3A_587 : memref<1x1x64x64xf32, #tpu.memory_space<vmem>> -> memref<64x64xf32, #tpu.memory_space<vmem>>
        %dma_start3A_589 = arith.constant 64 : i32
        %dma_start3A_590 = tpu.memref_slice %arg5[%add3A_222, %dma_start3A_589] : memref<200x128xi32, #tpu.memory_space<vmem>> -> memref<1x64xi32, #tpu.memory_space<vmem>>
        %dma_start3A_591 = tpu.memref_squeeze %dma_start3A_590 : memref<1x64xi32, #tpu.memory_space<vmem>> -> memref<64xi32, #tpu.memory_space<vmem>>
        %dma_start3A_592 = arith.constant 0 : i32
        %dma_start3A_593 = arith.constant 0 : i32
        %dma_start3A_594 = tpu.memref_slice %arg3[%dma_start3A_592, %dma_start3A_593] : memref<1003520x64xf32, #tpu.memory_space<hbm>> -> memref<1003520x64xf32, #tpu.memory_space<hbm>>
        tpu.enqueue_indirect_dma source(%dma_start3A_594 : memref<1003520x64xf32, #tpu.memory_space<hbm>>) target(%dma_start3A_588 : memref<64x64xf32, #tpu.memory_space<vmem>>) offsets(%dma_start3A_591 : memref<64xi32, #tpu.memory_space<vmem>>) semaphore(%arg9 : memref<!tpu.dma_semaphore, #tpu.memory_space<semaphore_mem>>)
      } else {
      }
      %lt3A_226 = arith.constant 200 : i32
      %lt3A_227 = arith.cmpi slt, %add3A_222, %lt3A_226 : i32
      %lt3A_228 = arith.constant 4 : i32
      %lt3A_229 = arith.cmpi slt, %add3A_222, %lt3A_228 : i32
      %and3A_230 = arith.andi %lt3A_227, %lt3A_229 : i1
      %convert_element_type3A_231 = arith.extui %and3A_230 : i1 to i32
      %cond3A_232 = arith.constant 0 : i32
      %cond3A_233 = arith.cmpi ne, %convert_element_type3A_231, %cond3A_232 : i32
      scf.if %cond3A_233 {
        %dma_start3A_534 = arith.constant 2 : i32
        %dma_start3A_535 = arith.constant 0 : i32
        %dma_start3A_536 = arith.constant 0 : i32
        %dma_start3A_537 = arith.constant 0 : i32
        %dma_start3A_538 = tpu.memref_slice %arg6[%dma_start3A_534, %dma_start3A_535, %dma_start3A_536, %dma_start3A_537] : memref<4x2x64x64xf32, #tpu.memory_space<vmem>> -> memref<1x1x64x64xf32, #tpu.memory_space<vmem>>
        %dma_start3A_539 = tpu.memref_squeeze %dma_start3A_538 : memref<1x1x64x64xf32, #tpu.memory_space<vmem>> -> memref<64x64xf32, #tpu.memory_space<vmem>>
        %dma_start3A_540 = arith.constant 0 : i32
        %dma_start3A_541 = tpu.memref_slice %arg5[%add3A_222, %dma_start3A_540] : memref<200x128xi32, #tpu.memory_space<vmem>> -> memref<1x64xi32, #tpu.memory_space<vmem>>
        %dma_start3A_542 = tpu.memref_squeeze %dma_start3A_541 : memref<1x64xi32, #tpu.memory_space<vmem>> -> memref<64xi32, #tpu.memory_space<vmem>>
        %dma_start3A_543 = arith.constant 0 : i32
        %dma_start3A_544 = arith.constant 0 : i32
        %dma_start3A_545 = tpu.memref_slice %arg3[%dma_start3A_543, %dma_start3A_544] : memref<1003520x64xf32, #tpu.memory_space<hbm>> -> memref<1003520x64xf32, #tpu.memory_space<hbm>>
        tpu.enqueue_indirect_dma source(%dma_start3A_545 : memref<1003520x64xf32, #tpu.memory_space<hbm>>) target(%dma_start3A_539 : memref<64x64xf32, #tpu.memory_space<vmem>>) offsets(%dma_start3A_542 : memref<64xi32, #tpu.memory_space<vmem>>) semaphore(%arg9 : memref<!tpu.dma_semaphore, #tpu.memory_space<semaphore_mem>>)
        %dma_start3A_546 = arith.constant 2 : i32
        %dma_start3A_547 = arith.constant 1 : i32
        %dma_start3A_548 = arith.constant 0 : i32
        %dma_start3A_549 = arith.constant 0 : i32
        %dma_start3A_550 = tpu.memref_slice %arg6[%dma_start3A_546, %dma_start3A_547, %dma_start3A_548, %dma_start3A_549] : memref<4x2x64x64xf32, #tpu.memory_space<vmem>> -> memref<1x1x64x64xf32, #tpu.memory_space<vmem>>
        %dma_start3A_551 = tpu.memref_squeeze %dma_start3A_550 : memref<1x1x64x64xf32, #tpu.memory_space<vmem>> -> memref<64x64xf32, #tpu.memory_space<vmem>>
        %dma_start3A_552 = arith.constant 64 : i32
        %dma_start3A_553 = tpu.memref_slice %arg5[%add3A_222, %dma_start3A_552] : memref<200x128xi32, #tpu.memory_space<vmem>> -> memref<1x64xi32, #tpu.memory_space<vmem>>
        %dma_start3A_554 = tpu.memref_squeeze %dma_start3A_553 : memref<1x64xi32, #tpu.memory_space<vmem>> -> memref<64xi32, #tpu.memory_space<vmem>>
        %dma_start3A_555 = arith.constant 0 : i32
        %dma_start3A_556 = arith.constant 0 : i32
        %dma_start3A_557 = tpu.memref_slice %arg3[%dma_start3A_555, %dma_start3A_556] : memref<1003520x64xf32, #tpu.memory_space<hbm>> -> memref<1003520x64xf32, #tpu.memory_space<hbm>>
        tpu.enqueue_indirect_dma source(%dma_start3A_557 : memref<1003520x64xf32, #tpu.memory_space<hbm>>) target(%dma_start3A_551 : memref<64x64xf32, #tpu.memory_space<vmem>>) offsets(%dma_start3A_554 : memref<64xi32, #tpu.memory_space<vmem>>) semaphore(%arg9 : memref<!tpu.dma_semaphore, #tpu.memory_space<semaphore_mem>>)
      } else {
      }
      %dma_wait3A_234 = arith.constant 0 : i32
      %dma_wait3A_235 = arith.constant 0 : i32
      %dma_wait3A_236 = arith.constant 0 : i32
      %dma_wait3A_237 = arith.constant 0 : i32
      %dma_wait3A_238 = tpu.memref_slice %arg6[%dma_wait3A_234, %dma_wait3A_235, %dma_wait3A_236, %dma_wait3A_237] : memref<4x2x64x64xf32, #tpu.memory_space<vmem>> -> memref<1x1x64x64xf32, #tpu.memory_space<vmem>>
      %dma_wait3A_239 = tpu.memref_squeeze %dma_wait3A_238 : memref<1x1x64x64xf32, #tpu.memory_space<vmem>> -> memref<64x64xf32, #tpu.memory_space<vmem>>
      %dma_wait3A_240 = arith.constant 0 : i32
      %dma_wait3A_241 = tpu.memref_slice %arg5[%add3A_220, %dma_wait3A_240] : memref<200x128xi32, #tpu.memory_space<vmem>> -> memref<1x64xi32, #tpu.memory_space<vmem>>
      %dma_wait3A_242 = tpu.memref_squeeze %dma_wait3A_241 : memref<1x64xi32, #tpu.memory_space<vmem>> -> memref<64xi32, #tpu.memory_space<vmem>>
      %dma_wait3A_243 = arith.constant 0 : i32
      %dma_wait3A_244 = arith.constant 0 : i32
      %dma_wait3A_245 = tpu.memref_slice %arg3[%dma_wait3A_243, %dma_wait3A_244] : memref<1003520x64xf32, #tpu.memory_space<hbm>> -> memref<1003520x64xf32, #tpu.memory_space<hbm>>
      tpu.wait_indirect_dma semaphore(%arg7 : memref<!tpu.dma_semaphore, #tpu.memory_space<semaphore_mem>>) src(%dma_wait3A_245 : memref<1003520x64xf32, #tpu.memory_space<hbm>>) dst(%dma_wait3A_239 : memref<64x64xf32, #tpu.memory_space<vmem>>)
      %dma_wait3A_246 = arith.constant 0 : i32
      %dma_wait3A_247 = arith.constant 1 : i32
      %dma_wait3A_248 = arith.constant 0 : i32
      %dma_wait3A_249 = arith.constant 0 : i32
      %dma_wait3A_250 = tpu.memref_slice %arg6[%dma_wait3A_246, %dma_wait3A_247, %dma_wait3A_248, %dma_wait3A_249] : memref<4x2x64x64xf32, #tpu.memory_space<vmem>> -> memref<1x1x64x64xf32, #tpu.memory_space<vmem>>
      %dma_wait3A_251 = tpu.memref_squeeze %dma_wait3A_250 : memref<1x1x64x64xf32, #tpu.memory_space<vmem>> -> memref<64x64xf32, #tpu.memory_space<vmem>>
      %dma_wait3A_252 = arith.constant 64 : i32
      %dma_wait3A_253 = tpu.memref_slice %arg5[%add3A_220, %dma_wait3A_252] : memref<200x128xi32, #tpu.memory_space<vmem>> -> memref<1x64xi32, #tpu.memory_space<vmem>>
      %dma_wait3A_254 = tpu.memref_squeeze %dma_wait3A_253 : memref<1x64xi32, #tpu.memory_space<vmem>> -> memref<64xi32, #tpu.memory_space<vmem>>
      %dma_wait3A_255 = arith.constant 0 : i32
      %dma_wait3A_256 = arith.constant 0 : i32
      %dma_wait3A_257 = tpu.memref_slice %arg3[%dma_wait3A_255, %dma_wait3A_256] : memref<1003520x64xf32, #tpu.memory_space<hbm>> -> memref<1003520x64xf32, #tpu.memory_space<hbm>>
      tpu.wait_indirect_dma semaphore(%arg7 : memref<!tpu.dma_semaphore, #tpu.memory_space<semaphore_mem>>) src(%dma_wait3A_257 : memref<1003520x64xf32, #tpu.memory_space<hbm>>) dst(%dma_wait3A_251 : memref<64x64xf32, #tpu.memory_space<vmem>>)
      %dma_start3A_258 = arith.constant 0 : i32
      %dma_start3A_259 = arith.constant 0 : i32
      %dma_start3A_260 = arith.constant 0 : i32
      %dma_start3A_261 = arith.constant 0 : i32
      %dma_start3A_262 = tpu.memref_slice %arg6[%dma_start3A_258, %dma_start3A_259, %dma_start3A_260, %dma_start3A_261] : memref<4x2x64x64xf32, #tpu.memory_space<vmem>> -> memref<1x1x64x64xf32, #tpu.memory_space<vmem>>
      %dma_start3A_263 = tpu.memref_squeeze %dma_start3A_262 : memref<1x1x64x64xf32, #tpu.memory_space<vmem>> -> memref<64x64xf32, #tpu.memory_space<vmem>>
      %dma_start3A_264 = arith.constant 0 : i32
      %dma_start3A_265 = arith.constant 0 : i32
      %dma_start3A_266 = tpu.memref_slice %arg4[%add3A_220, %add3A, %dma_start3A_264, %dma_start3A_265] : memref<200x32x64x128xf32, #tpu.memory_space<hbm>> -> memref<1x1x64x64xf32, #tpu.memory_space<hbm>>
      %dma_start3A_267 = tpu.memref_squeeze %dma_start3A_266 : memref<1x1x64x64xf32, #tpu.memory_space<hbm>> -> memref<64x64xf32, #tpu.memory_space<hbm>>
      %dma_start3A_268 = arith.constant 0 : i32
      %dma_start3A_269 = arith.constant 0 : i32
      %dma_start3A_270 = tpu.memref_slice %arg4[%add3A_220, %add3A, %dma_start3A_268, %dma_start3A_269] : memref<200x32x64x128xf32, #tpu.memory_space<hbm>> -> memref<1x1x64x64xf32, #tpu.memory_space<hbm>>
      %dma_start3A_271 = tpu.memref_squeeze %dma_start3A_270 : memref<1x1x64x64xf32, #tpu.memory_space<hbm>> -> memref<64x64xf32, #tpu.memory_space<hbm>>
      %dma_start3A_272 = arith.constant 0 : i32
      %dma_start3A_273 = arith.constant 0 : i32
      %dma_start3A_274 = tpu.memref_slice %arg6[%dma_start3A_258, %dma_start3A_259, %dma_start3A_272, %dma_start3A_273] : memref<4x2x64x64xf32, #tpu.memory_space<vmem>> -> memref<1x1x64x64xf32, #tpu.memory_space<vmem>>
      %dma_start3A_275 = tpu.memref_squeeze %dma_start3A_274 : memref<1x1x64x64xf32, #tpu.memory_space<vmem>> -> memref<64x64xf32, #tpu.memory_space<vmem>>
      tpu.enqueue_dma source(%dma_start3A_275 : memref<64x64xf32, #tpu.memory_space<vmem>>) target(%dma_start3A_271 : memref<64x64xf32, #tpu.memory_space<hbm>>) target_semaphore(%arg11 : memref<!tpu.dma_semaphore, #tpu.memory_space<semaphore_mem>>)
      %dma_start3A_276 = arith.constant 0 : i32
      %dma_start3A_277 = arith.constant 1 : i32
      %dma_start3A_278 = arith.constant 0 : i32
      %dma_start3A_279 = arith.constant 0 : i32
      %dma_start3A_280 = tpu.memref_slice %arg6[%dma_start3A_276, %dma_start3A_277, %dma_start3A_278, %dma_start3A_279] : memref<4x2x64x64xf32, #tpu.memory_space<vmem>> -> memref<1x1x64x64xf32, #tpu.memory_space<vmem>>
      %dma_start3A_281 = tpu.memref_squeeze %dma_start3A_280 : memref<1x1x64x64xf32, #tpu.memory_space<vmem>> -> memref<64x64xf32, #tpu.memory_space<vmem>>
      %dma_start3A_282 = arith.constant 0 : i32
      %dma_start3A_283 = arith.constant 64 : i32
      %dma_start3A_284 = tpu.memref_slice %arg4[%add3A_220, %add3A, %dma_start3A_282, %dma_start3A_283] : memref<200x32x64x128xf32, #tpu.memory_space<hbm>> -> memref<1x1x64x64xf32, #tpu.memory_space<hbm>>
      %dma_start3A_285 = tpu.memref_squeeze %dma_start3A_284 : memref<1x1x64x64xf32, #tpu.memory_space<hbm>> -> memref<64x64xf32, #tpu.memory_space<hbm>>
      %dma_start3A_286 = arith.constant 0 : i32
      %dma_start3A_287 = arith.constant 64 : i32
      %dma_start3A_288 = tpu.memref_slice %arg4[%add3A_220, %add3A, %dma_start3A_286, %dma_start3A_287] : memref<200x32x64x128xf32, #tpu.memory_space<hbm>> -> memref<1x1x64x64xf32, #tpu.memory_space<hbm>>
      %dma_start3A_289 = tpu.memref_squeeze %dma_start3A_288 : memref<1x1x64x64xf32, #tpu.memory_space<hbm>> -> memref<64x64xf32, #tpu.memory_space<hbm>>
      %dma_start3A_290 = arith.constant 0 : i32
      %dma_start3A_291 = arith.constant 0 : i32
      %dma_start3A_292 = tpu.memref_slice %arg6[%dma_start3A_276, %dma_start3A_277, %dma_start3A_290, %dma_start3A_291] : memref<4x2x64x64xf32, #tpu.memory_space<vmem>> -> memref<1x1x64x64xf32, #tpu.memory_space<vmem>>
      %dma_start3A_293 = tpu.memref_squeeze %dma_start3A_292 : memref<1x1x64x64xf32, #tpu.memory_space<vmem>> -> memref<64x64xf32, #tpu.memory_space<vmem>>
      tpu.enqueue_dma source(%dma_start3A_293 : memref<64x64xf32, #tpu.memory_space<vmem>>) target(%dma_start3A_289 : memref<64x64xf32, #tpu.memory_space<hbm>>) target_semaphore(%arg11 : memref<!tpu.dma_semaphore, #tpu.memory_space<semaphore_mem>>)
      %add3A_294 = arith.constant 1 : i32
      %add3A_295 = arith.addi %add3A_218, %add3A_294 : i32
      %add3A_296 = arith.constant 2 : i32
      %add3A_297 = arith.addi %add3A_295, %add3A_296 : i32
      %lt3A_298 = arith.constant 200 : i32
      %lt3A_299 = arith.cmpi slt, %add3A_297, %lt3A_298 : i32
      %ge3A_300 = arith.constant 4 : i32
      %ge3A_301 = arith.cmpi sge, %add3A_297, %ge3A_300 : i32
      %and3A_302 = arith.andi %lt3A_299, %ge3A_301 : i1
      %convert_element_type3A_303 = arith.extui %and3A_302 : i1 to i32
      %cond3A_304 = arith.constant 0 : i32
      %cond3A_305 = arith.cmpi ne, %convert_element_type3A_303, %cond3A_304 : i32
      scf.if %cond3A_305 {
        %sub3A = arith.constant 4 : i32
        %sub3A_534 = arith.subi %add3A_297, %sub3A : i32
        %dma_wait3A_535 = arith.constant 3 : i32
        %dma_wait3A_536 = arith.constant 0 : i32
        %dma_wait3A_537 = arith.constant 0 : i32
        %dma_wait3A_538 = arith.constant 0 : i32
        %dma_wait3A_539 = tpu.memref_slice %arg6[%dma_wait3A_535, %dma_wait3A_536, %dma_wait3A_537, %dma_wait3A_538] : memref<4x2x64x64xf32, #tpu.memory_space<vmem>> -> memref<1x1x64x64xf32, #tpu.memory_space<vmem>>
        %dma_wait3A_540 = tpu.memref_squeeze %dma_wait3A_539 : memref<1x1x64x64xf32, #tpu.memory_space<vmem>> -> memref<64x64xf32, #tpu.memory_space<vmem>>
        %dma_wait3A_541 = arith.constant 0 : i32
        %dma_wait3A_542 = arith.constant 0 : i32
        %dma_wait3A_543 = tpu.memref_slice %arg4[%sub3A_534, %add3A, %dma_wait3A_541, %dma_wait3A_542] : memref<200x32x64x128xf32, #tpu.memory_space<hbm>> -> memref<1x1x64x64xf32, #tpu.memory_space<hbm>>
        %dma_wait3A_544 = tpu.memref_squeeze %dma_wait3A_543 : memref<1x1x64x64xf32, #tpu.memory_space<hbm>> -> memref<64x64xf32, #tpu.memory_space<hbm>>
        %dma_wait3A_545 = arith.constant 0 : i32
        %dma_wait3A_546 = arith.constant 0 : i32
        %dma_wait3A_547 = tpu.memref_slice %arg4[%sub3A_534, %add3A, %dma_wait3A_545, %dma_wait3A_546] : memref<200x32x64x128xf32, #tpu.memory_space<hbm>> -> memref<1x1x64x64xf32, #tpu.memory_space<hbm>>
        %dma_wait3A_548 = tpu.memref_squeeze %dma_wait3A_547 : memref<1x1x64x64xf32, #tpu.memory_space<hbm>> -> memref<64x64xf32, #tpu.memory_space<hbm>>
        %dma_wait3A_549 = arith.constant 0 : i32
        %dma_wait3A_550 = arith.constant 0 : i32
        %dma_wait3A_551 = tpu.memref_slice %arg6[%dma_wait3A_535, %dma_wait3A_536, %dma_wait3A_549, %dma_wait3A_550] : memref<4x2x64x64xf32, #tpu.memory_space<vmem>> -> memref<1x1x64x64xf32, #tpu.memory_space<vmem>>
        %dma_wait3A_552 = tpu.memref_squeeze %dma_wait3A_551 : memref<1x1x64x64xf32, #tpu.memory_space<vmem>> -> memref<64x64xf32, #tpu.memory_space<vmem>>
        tpu.wait_dma2 semaphore(%arg14 : memref<!tpu.dma_semaphore, #tpu.memory_space<semaphore_mem>>) src(%dma_wait3A_552 : memref<64x64xf32, #tpu.memory_space<vmem>>) dst(%dma_wait3A_548 : memref<64x64xf32, #tpu.memory_space<hbm>>)
        %dma_wait3A_553 = arith.constant 3 : i32
        %dma_wait3A_554 = arith.constant 1 : i32
        %dma_wait3A_555 = arith.constant 0 : i32
        %dma_wait3A_556 = arith.constant 0 : i32
        %dma_wait3A_557 = tpu.memref_slice %arg6[%dma_wait3A_553, %dma_wait3A_554, %dma_wait3A_555, %dma_wait3A_556] : memref<4x2x64x64xf32, #tpu.memory_space<vmem>> -> memref<1x1x64x64xf32, #tpu.memory_space<vmem>>
        %dma_wait3A_558 = tpu.memref_squeeze %dma_wait3A_557 : memref<1x1x64x64xf32, #tpu.memory_space<vmem>> -> memref<64x64xf32, #tpu.memory_space<vmem>>
        %dma_wait3A_559 = arith.constant 0 : i32
        %dma_wait3A_560 = arith.constant 64 : i32
        %dma_wait3A_561 = tpu.memref_slice %arg4[%sub3A_534, %add3A, %dma_wait3A_559, %dma_wait3A_560] : memref<200x32x64x128xf32, #tpu.memory_space<hbm>> -> memref<1x1x64x64xf32, #tpu.memory_space<hbm>>
        %dma_wait3A_562 = tpu.memref_squeeze %dma_wait3A_561 : memref<1x1x64x64xf32, #tpu.memory_space<hbm>> -> memref<64x64xf32, #tpu.memory_space<hbm>>
        %dma_wait3A_563 = arith.constant 0 : i32
        %dma_wait3A_564 = arith.constant 64 : i32
        %dma_wait3A_565 = tpu.memref_slice %arg4[%sub3A_534, %add3A, %dma_wait3A_563, %dma_wait3A_564] : memref<200x32x64x128xf32, #tpu.memory_space<hbm>> -> memref<1x1x64x64xf32, #tpu.memory_space<hbm>>
        %dma_wait3A_566 = tpu.memref_squeeze %dma_wait3A_565 : memref<1x1x64x64xf32, #tpu.memory_space<hbm>> -> memref<64x64xf32, #tpu.memory_space<hbm>>
        %dma_wait3A_567 = arith.constant 0 : i32
        %dma_wait3A_568 = arith.constant 0 : i32
        %dma_wait3A_569 = tpu.memref_slice %arg6[%dma_wait3A_553, %dma_wait3A_554, %dma_wait3A_567, %dma_wait3A_568] : memref<4x2x64x64xf32, #tpu.memory_space<vmem>> -> memref<1x1x64x64xf32, #tpu.memory_space<vmem>>
        %dma_wait3A_570 = tpu.memref_squeeze %dma_wait3A_569 : memref<1x1x64x64xf32, #tpu.memory_space<vmem>> -> memref<64x64xf32, #tpu.memory_space<vmem>>
        tpu.wait_dma2 semaphore(%arg14 : memref<!tpu.dma_semaphore, #tpu.memory_space<semaphore_mem>>) src(%dma_wait3A_570 : memref<64x64xf32, #tpu.memory_space<vmem>>) dst(%dma_wait3A_566 : memref<64x64xf32, #tpu.memory_space<hbm>>)
        %dma_start3A_571 = arith.constant 3 : i32
        %dma_start3A_572 = arith.constant 0 : i32
        %dma_start3A_573 = arith.constant 0 : i32
        %dma_start3A_574 = arith.constant 0 : i32
        %dma_start3A_575 = tpu.memref_slice %arg6[%dma_start3A_571, %dma_start3A_572, %dma_start3A_573, %dma_start3A_574] : memref<4x2x64x64xf32, #tpu.memory_space<vmem>> -> memref<1x1x64x64xf32, #tpu.memory_space<vmem>>
        %dma_start3A_576 = tpu.memref_squeeze %dma_start3A_575 : memref<1x1x64x64xf32, #tpu.memory_space<vmem>> -> memref<64x64xf32, #tpu.memory_space<vmem>>
        %dma_start3A_577 = arith.constant 0 : i32
        %dma_start3A_578 = tpu.memref_slice %arg5[%add3A_297, %dma_start3A_577] : memref<200x128xi32, #tpu.memory_space<vmem>> -> memref<1x64xi32, #tpu.memory_space<vmem>>
        %dma_start3A_579 = tpu.memref_squeeze %dma_start3A_578 : memref<1x64xi32, #tpu.memory_space<vmem>> -> memref<64xi32, #tpu.memory_space<vmem>>
        %dma_start3A_580 = arith.constant 0 : i32
        %dma_start3A_581 = arith.constant 0 : i32
        %dma_start3A_582 = tpu.memref_slice %arg3[%dma_start3A_580, %dma_start3A_581] : memref<1003520x64xf32, #tpu.memory_space<hbm>> -> memref<1003520x64xf32, #tpu.memory_space<hbm>>
        tpu.enqueue_indirect_dma source(%dma_start3A_582 : memref<1003520x64xf32, #tpu.memory_space<hbm>>) target(%dma_start3A_576 : memref<64x64xf32, #tpu.memory_space<vmem>>) offsets(%dma_start3A_579 : memref<64xi32, #tpu.memory_space<vmem>>) semaphore(%arg10 : memref<!tpu.dma_semaphore, #tpu.memory_space<semaphore_mem>>)
        %dma_start3A_583 = arith.constant 3 : i32
        %dma_start3A_584 = arith.constant 1 : i32
        %dma_start3A_585 = arith.constant 0 : i32
        %dma_start3A_586 = arith.constant 0 : i32
        %dma_start3A_587 = tpu.memref_slice %arg6[%dma_start3A_583, %dma_start3A_584, %dma_start3A_585, %dma_start3A_586] : memref<4x2x64x64xf32, #tpu.memory_space<vmem>> -> memref<1x1x64x64xf32, #tpu.memory_space<vmem>>
        %dma_start3A_588 = tpu.memref_squeeze %dma_start3A_587 : memref<1x1x64x64xf32, #tpu.memory_space<vmem>> -> memref<64x64xf32, #tpu.memory_space<vmem>>
        %dma_start3A_589 = arith.constant 64 : i32
        %dma_start3A_590 = tpu.memref_slice %arg5[%add3A_297, %dma_start3A_589] : memref<200x128xi32, #tpu.memory_space<vmem>> -> memref<1x64xi32, #tpu.memory_space<vmem>>
        %dma_start3A_591 = tpu.memref_squeeze %dma_start3A_590 : memref<1x64xi32, #tpu.memory_space<vmem>> -> memref<64xi32, #tpu.memory_space<vmem>>
        %dma_start3A_592 = arith.constant 0 : i32
        %dma_start3A_593 = arith.constant 0 : i32
        %dma_start3A_594 = tpu.memref_slice %arg3[%dma_start3A_592, %dma_start3A_593] : memref<1003520x64xf32, #tpu.memory_space<hbm>> -> memref<1003520x64xf32, #tpu.memory_space<hbm>>
        tpu.enqueue_indirect_dma source(%dma_start3A_594 : memref<1003520x64xf32, #tpu.memory_space<hbm>>) target(%dma_start3A_588 : memref<64x64xf32, #tpu.memory_space<vmem>>) offsets(%dma_start3A_591 : memref<64xi32, #tpu.memory_space<vmem>>) semaphore(%arg10 : memref<!tpu.dma_semaphore, #tpu.memory_space<semaphore_mem>>)
      } else {
      }
      %lt3A_306 = arith.constant 200 : i32
      %lt3A_307 = arith.cmpi slt, %add3A_297, %lt3A_306 : i32
      %lt3A_308 = arith.constant 4 : i32
      %lt3A_309 = arith.cmpi slt, %add3A_297, %lt3A_308 : i32
      %and3A_310 = arith.andi %lt3A_307, %lt3A_309 : i1
      %convert_element_type3A_311 = arith.extui %and3A_310 : i1 to i32
      %cond3A_312 = arith.constant 0 : i32
      %cond3A_313 = arith.cmpi ne, %convert_element_type3A_311, %cond3A_312 : i32
      scf.if %cond3A_313 {
        %dma_start3A_534 = arith.constant 3 : i32
        %dma_start3A_535 = arith.constant 0 : i32
        %dma_start3A_536 = arith.constant 0 : i32
        %dma_start3A_537 = arith.constant 0 : i32
        %dma_start3A_538 = tpu.memref_slice %arg6[%dma_start3A_534, %dma_start3A_535, %dma_start3A_536, %dma_start3A_537] : memref<4x2x64x64xf32, #tpu.memory_space<vmem>> -> memref<1x1x64x64xf32, #tpu.memory_space<vmem>>
        %dma_start3A_539 = tpu.memref_squeeze %dma_start3A_538 : memref<1x1x64x64xf32, #tpu.memory_space<vmem>> -> memref<64x64xf32, #tpu.memory_space<vmem>>
        %dma_start3A_540 = arith.constant 0 : i32
        %dma_start3A_541 = tpu.memref_slice %arg5[%add3A_297, %dma_start3A_540] : memref<200x128xi32, #tpu.memory_space<vmem>> -> memref<1x64xi32, #tpu.memory_space<vmem>>
        %dma_start3A_542 = tpu.memref_squeeze %dma_start3A_541 : memref<1x64xi32, #tpu.memory_space<vmem>> -> memref<64xi32, #tpu.memory_space<vmem>>
        %dma_start3A_543 = arith.constant 0 : i32
        %dma_start3A_544 = arith.constant 0 : i32
        %dma_start3A_545 = tpu.memref_slice %arg3[%dma_start3A_543, %dma_start3A_544] : memref<1003520x64xf32, #tpu.memory_space<hbm>> -> memref<1003520x64xf32, #tpu.memory_space<hbm>>
        tpu.enqueue_indirect_dma source(%dma_start3A_545 : memref<1003520x64xf32, #tpu.memory_space<hbm>>) target(%dma_start3A_539 : memref<64x64xf32, #tpu.memory_space<vmem>>) offsets(%dma_start3A_542 : memref<64xi32, #tpu.memory_space<vmem>>) semaphore(%arg10 : memref<!tpu.dma_semaphore, #tpu.memory_space<semaphore_mem>>)
        %dma_start3A_546 = arith.constant 3 : i32
        %dma_start3A_547 = arith.constant 1 : i32
        %dma_start3A_548 = arith.constant 0 : i32
        %dma_start3A_549 = arith.constant 0 : i32
        %dma_start3A_550 = tpu.memref_slice %arg6[%dma_start3A_546, %dma_start3A_547, %dma_start3A_548, %dma_start3A_549] : memref<4x2x64x64xf32, #tpu.memory_space<vmem>> -> memref<1x1x64x64xf32, #tpu.memory_space<vmem>>
        %dma_start3A_551 = tpu.memref_squeeze %dma_start3A_550 : memref<1x1x64x64xf32, #tpu.memory_space<vmem>> -> memref<64x64xf32, #tpu.memory_space<vmem>>
        %dma_start3A_552 = arith.constant 64 : i32
        %dma_start3A_553 = tpu.memref_slice %arg5[%add3A_297, %dma_start3A_552] : memref<200x128xi32, #tpu.memory_space<vmem>> -> memref<1x64xi32, #tpu.memory_space<vmem>>
        %dma_start3A_554 = tpu.memref_squeeze %dma_start3A_553 : memref<1x64xi32, #tpu.memory_space<vmem>> -> memref<64xi32, #tpu.memory_space<vmem>>
        %dma_start3A_555 = arith.constant 0 : i32
        %dma_start3A_556 = arith.constant 0 : i32
        %dma_start3A_557 = tpu.memref_slice %arg3[%dma_start3A_555, %dma_start3A_556] : memref<1003520x64xf32, #tpu.memory_space<hbm>> -> memref<1003520x64xf32, #tpu.memory_space<hbm>>
        tpu.enqueue_indirect_dma source(%dma_start3A_557 : memref<1003520x64xf32, #tpu.memory_space<hbm>>) target(%dma_start3A_551 : memref<64x64xf32, #tpu.memory_space<vmem>>) offsets(%dma_start3A_554 : memref<64xi32, #tpu.memory_space<vmem>>) semaphore(%arg10 : memref<!tpu.dma_semaphore, #tpu.memory_space<semaphore_mem>>)
      } else {
      }
      %dma_wait3A_314 = arith.constant 1 : i32
      %dma_wait3A_315 = arith.constant 0 : i32
      %dma_wait3A_316 = arith.constant 0 : i32
      %dma_wait3A_317 = arith.constant 0 : i32
      %dma_wait3A_318 = tpu.memref_slice %arg6[%dma_wait3A_314, %dma_wait3A_315, %dma_wait3A_316, %dma_wait3A_317] : memref<4x2x64x64xf32, #tpu.memory_space<vmem>> -> memref<1x1x64x64xf32, #tpu.memory_space<vmem>>
      %dma_wait3A_319 = tpu.memref_squeeze %dma_wait3A_318 : memref<1x1x64x64xf32, #tpu.memory_space<vmem>> -> memref<64x64xf32, #tpu.memory_space<vmem>>
      %dma_wait3A_320 = arith.constant 0 : i32
      %dma_wait3A_321 = tpu.memref_slice %arg5[%add3A_295, %dma_wait3A_320] : memref<200x128xi32, #tpu.memory_space<vmem>> -> memref<1x64xi32, #tpu.memory_space<vmem>>
      %dma_wait3A_322 = tpu.memref_squeeze %dma_wait3A_321 : memref<1x64xi32, #tpu.memory_space<vmem>> -> memref<64xi32, #tpu.memory_space<vmem>>
      %dma_wait3A_323 = arith.constant 0 : i32
      %dma_wait3A_324 = arith.constant 0 : i32
      %dma_wait3A_325 = tpu.memref_slice %arg3[%dma_wait3A_323, %dma_wait3A_324] : memref<1003520x64xf32, #tpu.memory_space<hbm>> -> memref<1003520x64xf32, #tpu.memory_space<hbm>>
      tpu.wait_indirect_dma semaphore(%arg8 : memref<!tpu.dma_semaphore, #tpu.memory_space<semaphore_mem>>) src(%dma_wait3A_325 : memref<1003520x64xf32, #tpu.memory_space<hbm>>) dst(%dma_wait3A_319 : memref<64x64xf32, #tpu.memory_space<vmem>>)
      %dma_wait3A_326 = arith.constant 1 : i32
      %dma_wait3A_327 = arith.constant 1 : i32
      %dma_wait3A_328 = arith.constant 0 : i32
      %dma_wait3A_329 = arith.constant 0 : i32
      %dma_wait3A_330 = tpu.memref_slice %arg6[%dma_wait3A_326, %dma_wait3A_327, %dma_wait3A_328, %dma_wait3A_329] : memref<4x2x64x64xf32, #tpu.memory_space<vmem>> -> memref<1x1x64x64xf32, #tpu.memory_space<vmem>>
      %dma_wait3A_331 = tpu.memref_squeeze %dma_wait3A_330 : memref<1x1x64x64xf32, #tpu.memory_space<vmem>> -> memref<64x64xf32, #tpu.memory_space<vmem>>
      %dma_wait3A_332 = arith.constant 64 : i32
      %dma_wait3A_333 = tpu.memref_slice %arg5[%add3A_295, %dma_wait3A_332] : memref<200x128xi32, #tpu.memory_space<vmem>> -> memref<1x64xi32, #tpu.memory_space<vmem>>
      %dma_wait3A_334 = tpu.memref_squeeze %dma_wait3A_333 : memref<1x64xi32, #tpu.memory_space<vmem>> -> memref<64xi32, #tpu.memory_space<vmem>>
      %dma_wait3A_335 = arith.constant 0 : i32
      %dma_wait3A_336 = arith.constant 0 : i32
      %dma_wait3A_337 = tpu.memref_slice %arg3[%dma_wait3A_335, %dma_wait3A_336] : memref<1003520x64xf32, #tpu.memory_space<hbm>> -> memref<1003520x64xf32, #tpu.memory_space<hbm>>
      tpu.wait_indirect_dma semaphore(%arg8 : memref<!tpu.dma_semaphore, #tpu.memory_space<semaphore_mem>>) src(%dma_wait3A_337 : memref<1003520x64xf32, #tpu.memory_space<hbm>>) dst(%dma_wait3A_331 : memref<64x64xf32, #tpu.memory_space<vmem>>)
      %dma_start3A_338 = arith.constant 1 : i32
      %dma_start3A_339 = arith.constant 0 : i32
      %dma_start3A_340 = arith.constant 0 : i32
      %dma_start3A_341 = arith.constant 0 : i32
      %dma_start3A_342 = tpu.memref_slice %arg6[%dma_start3A_338, %dma_start3A_339, %dma_start3A_340, %dma_start3A_341] : memref<4x2x64x64xf32, #tpu.memory_space<vmem>> -> memref<1x1x64x64xf32, #tpu.memory_space<vmem>>
      %dma_start3A_343 = tpu.memref_squeeze %dma_start3A_342 : memref<1x1x64x64xf32, #tpu.memory_space<vmem>> -> memref<64x64xf32, #tpu.memory_space<vmem>>
      %dma_start3A_344 = arith.constant 0 : i32
      %dma_start3A_345 = arith.constant 0 : i32
      %dma_start3A_346 = tpu.memref_slice %arg4[%add3A_295, %add3A, %dma_start3A_344, %dma_start3A_345] : memref<200x32x64x128xf32, #tpu.memory_space<hbm>> -> memref<1x1x64x64xf32, #tpu.memory_space<hbm>>
      %dma_start3A_347 = tpu.memref_squeeze %dma_start3A_346 : memref<1x1x64x64xf32, #tpu.memory_space<hbm>> -> memref<64x64xf32, #tpu.memory_space<hbm>>
      %dma_start3A_348 = arith.constant 0 : i32
      %dma_start3A_349 = arith.constant 0 : i32
      %dma_start3A_350 = tpu.memref_slice %arg4[%add3A_295, %add3A, %dma_start3A_348, %dma_start3A_349] : memref<200x32x64x128xf32, #tpu.memory_space<hbm>> -> memref<1x1x64x64xf32, #tpu.memory_space<hbm>>
      %dma_start3A_351 = tpu.memref_squeeze %dma_start3A_350 : memref<1x1x64x64xf32, #tpu.memory_space<hbm>> -> memref<64x64xf32, #tpu.memory_space<hbm>>
      %dma_start3A_352 = arith.constant 0 : i32
      %dma_start3A_353 = arith.constant 0 : i32
      %dma_start3A_354 = tpu.memref_slice %arg6[%dma_start3A_338, %dma_start3A_339, %dma_start3A_352, %dma_start3A_353] : memref<4x2x64x64xf32, #tpu.memory_space<vmem>> -> memref<1x1x64x64xf32, #tpu.memory_space<vmem>>
      %dma_start3A_355 = tpu.memref_squeeze %dma_start3A_354 : memref<1x1x64x64xf32, #tpu.memory_space<vmem>> -> memref<64x64xf32, #tpu.memory_space<vmem>>
      tpu.enqueue_dma source(%dma_start3A_355 : memref<64x64xf32, #tpu.memory_space<vmem>>) target(%dma_start3A_351 : memref<64x64xf32, #tpu.memory_space<hbm>>) target_semaphore(%arg12 : memref<!tpu.dma_semaphore, #tpu.memory_space<semaphore_mem>>)
      %dma_start3A_356 = arith.constant 1 : i32
      %dma_start3A_357 = arith.constant 1 : i32
      %dma_start3A_358 = arith.constant 0 : i32
      %dma_start3A_359 = arith.constant 0 : i32
      %dma_start3A_360 = tpu.memref_slice %arg6[%dma_start3A_356, %dma_start3A_357, %dma_start3A_358, %dma_start3A_359] : memref<4x2x64x64xf32, #tpu.memory_space<vmem>> -> memref<1x1x64x64xf32, #tpu.memory_space<vmem>>
      %dma_start3A_361 = tpu.memref_squeeze %dma_start3A_360 : memref<1x1x64x64xf32, #tpu.memory_space<vmem>> -> memref<64x64xf32, #tpu.memory_space<vmem>>
      %dma_start3A_362 = arith.constant 0 : i32
      %dma_start3A_363 = arith.constant 64 : i32
      %dma_start3A_364 = tpu.memref_slice %arg4[%add3A_295, %add3A, %dma_start3A_362, %dma_start3A_363] : memref<200x32x64x128xf32, #tpu.memory_space<hbm>> -> memref<1x1x64x64xf32, #tpu.memory_space<hbm>>
      %dma_start3A_365 = tpu.memref_squeeze %dma_start3A_364 : memref<1x1x64x64xf32, #tpu.memory_space<hbm>> -> memref<64x64xf32, #tpu.memory_space<hbm>>
      %dma_start3A_366 = arith.constant 0 : i32
      %dma_start3A_367 = arith.constant 64 : i32
      %dma_start3A_368 = tpu.memref_slice %arg4[%add3A_295, %add3A, %dma_start3A_366, %dma_start3A_367] : memref<200x32x64x128xf32, #tpu.memory_space<hbm>> -> memref<1x1x64x64xf32, #tpu.memory_space<hbm>>
      %dma_start3A_369 = tpu.memref_squeeze %dma_start3A_368 : memref<1x1x64x64xf32, #tpu.memory_space<hbm>> -> memref<64x64xf32, #tpu.memory_space<hbm>>
      %dma_start3A_370 = arith.constant 0 : i32
      %dma_start3A_371 = arith.constant 0 : i32
      %dma_start3A_372 = tpu.memref_slice %arg6[%dma_start3A_356, %dma_start3A_357, %dma_start3A_370, %dma_start3A_371] : memref<4x2x64x64xf32, #tpu.memory_space<vmem>> -> memref<1x1x64x64xf32, #tpu.memory_space<vmem>>
      %dma_start3A_373 = tpu.memref_squeeze %dma_start3A_372 : memref<1x1x64x64xf32, #tpu.memory_space<vmem>> -> memref<64x64xf32, #tpu.memory_space<vmem>>
      tpu.enqueue_dma source(%dma_start3A_373 : memref<64x64xf32, #tpu.memory_space<vmem>>) target(%dma_start3A_369 : memref<64x64xf32, #tpu.memory_space<hbm>>) target_semaphore(%arg12 : memref<!tpu.dma_semaphore, #tpu.memory_space<semaphore_mem>>)
      %add3A_374 = arith.constant 2 : i32
      %add3A_375 = arith.addi %add3A_218, %add3A_374 : i32
      %add3A_376 = arith.constant 2 : i32
      %add3A_377 = arith.addi %add3A_375, %add3A_376 : i32
      %lt3A_378 = arith.constant 200 : i32
      %lt3A_379 = arith.cmpi slt, %add3A_377, %lt3A_378 : i32
      %ge3A_380 = arith.constant 4 : i32
      %ge3A_381 = arith.cmpi sge, %add3A_377, %ge3A_380 : i32
      %and3A_382 = arith.andi %lt3A_379, %ge3A_381 : i1
      %convert_element_type3A_383 = arith.extui %and3A_382 : i1 to i32
      %cond3A_384 = arith.constant 0 : i32
      %cond3A_385 = arith.cmpi ne, %convert_element_type3A_383, %cond3A_384 : i32
      scf.if %cond3A_385 {
        %sub3A = arith.constant 4 : i32
        %sub3A_534 = arith.subi %add3A_377, %sub3A : i32
        %dma_wait3A_535 = arith.constant 0 : i32
        %dma_wait3A_536 = arith.constant 0 : i32
        %dma_wait3A_537 = arith.constant 0 : i32
        %dma_wait3A_538 = arith.constant 0 : i32
        %dma_wait3A_539 = tpu.memref_slice %arg6[%dma_wait3A_535, %dma_wait3A_536, %dma_wait3A_537, %dma_wait3A_538] : memref<4x2x64x64xf32, #tpu.memory_space<vmem>> -> memref<1x1x64x64xf32, #tpu.memory_space<vmem>>
        %dma_wait3A_540 = tpu.memref_squeeze %dma_wait3A_539 : memref<1x1x64x64xf32, #tpu.memory_space<vmem>> -> memref<64x64xf32, #tpu.memory_space<vmem>>
        %dma_wait3A_541 = arith.constant 0 : i32
        %dma_wait3A_542 = arith.constant 0 : i32
        %dma_wait3A_543 = tpu.memref_slice %arg4[%sub3A_534, %add3A, %dma_wait3A_541, %dma_wait3A_542] : memref<200x32x64x128xf32, #tpu.memory_space<hbm>> -> memref<1x1x64x64xf32, #tpu.memory_space<hbm>>
        %dma_wait3A_544 = tpu.memref_squeeze %dma_wait3A_543 : memref<1x1x64x64xf32, #tpu.memory_space<hbm>> -> memref<64x64xf32, #tpu.memory_space<hbm>>
        %dma_wait3A_545 = arith.constant 0 : i32
        %dma_wait3A_546 = arith.constant 0 : i32
        %dma_wait3A_547 = tpu.memref_slice %arg4[%sub3A_534, %add3A, %dma_wait3A_545, %dma_wait3A_546] : memref<200x32x64x128xf32, #tpu.memory_space<hbm>> -> memref<1x1x64x64xf32, #tpu.memory_space<hbm>>
        %dma_wait3A_548 = tpu.memref_squeeze %dma_wait3A_547 : memref<1x1x64x64xf32, #tpu.memory_space<hbm>> -> memref<64x64xf32, #tpu.memory_space<hbm>>
        %dma_wait3A_549 = arith.constant 0 : i32
        %dma_wait3A_550 = arith.constant 0 : i32
        %dma_wait3A_551 = tpu.memref_slice %arg6[%dma_wait3A_535, %dma_wait3A_536, %dma_wait3A_549, %dma_wait3A_550] : memref<4x2x64x64xf32, #tpu.memory_space<vmem>> -> memref<1x1x64x64xf32, #tpu.memory_space<vmem>>
        %dma_wait3A_552 = tpu.memref_squeeze %dma_wait3A_551 : memref<1x1x64x64xf32, #tpu.memory_space<vmem>> -> memref<64x64xf32, #tpu.memory_space<vmem>>
        tpu.wait_dma2 semaphore(%arg11 : memref<!tpu.dma_semaphore, #tpu.memory_space<semaphore_mem>>) src(%dma_wait3A_552 : memref<64x64xf32, #tpu.memory_space<vmem>>) dst(%dma_wait3A_548 : memref<64x64xf32, #tpu.memory_space<hbm>>)
        %dma_wait3A_553 = arith.constant 0 : i32
        %dma_wait3A_554 = arith.constant 1 : i32
        %dma_wait3A_555 = arith.constant 0 : i32
        %dma_wait3A_556 = arith.constant 0 : i32
        %dma_wait3A_557 = tpu.memref_slice %arg6[%dma_wait3A_553, %dma_wait3A_554, %dma_wait3A_555, %dma_wait3A_556] : memref<4x2x64x64xf32, #tpu.memory_space<vmem>> -> memref<1x1x64x64xf32, #tpu.memory_space<vmem>>
        %dma_wait3A_558 = tpu.memref_squeeze %dma_wait3A_557 : memref<1x1x64x64xf32, #tpu.memory_space<vmem>> -> memref<64x64xf32, #tpu.memory_space<vmem>>
        %dma_wait3A_559 = arith.constant 0 : i32
        %dma_wait3A_560 = arith.constant 64 : i32
        %dma_wait3A_561 = tpu.memref_slice %arg4[%sub3A_534, %add3A, %dma_wait3A_559, %dma_wait3A_560] : memref<200x32x64x128xf32, #tpu.memory_space<hbm>> -> memref<1x1x64x64xf32, #tpu.memory_space<hbm>>
        %dma_wait3A_562 = tpu.memref_squeeze %dma_wait3A_561 : memref<1x1x64x64xf32, #tpu.memory_space<hbm>> -> memref<64x64xf32, #tpu.memory_space<hbm>>
        %dma_wait3A_563 = arith.constant 0 : i32
        %dma_wait3A_564 = arith.constant 64 : i32
        %dma_wait3A_565 = tpu.memref_slice %arg4[%sub3A_534, %add3A, %dma_wait3A_563, %dma_wait3A_564] : memref<200x32x64x128xf32, #tpu.memory_space<hbm>> -> memref<1x1x64x64xf32, #tpu.memory_space<hbm>>
        %dma_wait3A_566 = tpu.memref_squeeze %dma_wait3A_565 : memref<1x1x64x64xf32, #tpu.memory_space<hbm>> -> memref<64x64xf32, #tpu.memory_space<hbm>>
        %dma_wait3A_567 = arith.constant 0 : i32
        %dma_wait3A_568 = arith.constant 0 : i32
        %dma_wait3A_569 = tpu.memref_slice %arg6[%dma_wait3A_553, %dma_wait3A_554, %dma_wait3A_567, %dma_wait3A_568] : memref<4x2x64x64xf32, #tpu.memory_space<vmem>> -> memref<1x1x64x64xf32, #tpu.memory_space<vmem>>
        %dma_wait3A_570 = tpu.memref_squeeze %dma_wait3A_569 : memref<1x1x64x64xf32, #tpu.memory_space<vmem>> -> memref<64x64xf32, #tpu.memory_space<vmem>>
        tpu.wait_dma2 semaphore(%arg11 : memref<!tpu.dma_semaphore, #tpu.memory_space<semaphore_mem>>) src(%dma_wait3A_570 : memref<64x64xf32, #tpu.memory_space<vmem>>) dst(%dma_wait3A_566 : memref<64x64xf32, #tpu.memory_space<hbm>>)
        %dma_start3A_571 = arith.constant 0 : i32
        %dma_start3A_572 = arith.constant 0 : i32
        %dma_start3A_573 = arith.constant 0 : i32
        %dma_start3A_574 = arith.constant 0 : i32
        %dma_start3A_575 = tpu.memref_slice %arg6[%dma_start3A_571, %dma_start3A_572, %dma_start3A_573, %dma_start3A_574] : memref<4x2x64x64xf32, #tpu.memory_space<vmem>> -> memref<1x1x64x64xf32, #tpu.memory_space<vmem>>
        %dma_start3A_576 = tpu.memref_squeeze %dma_start3A_575 : memref<1x1x64x64xf32, #tpu.memory_space<vmem>> -> memref<64x64xf32, #tpu.memory_space<vmem>>
        %dma_start3A_577 = arith.constant 0 : i32
        %dma_start3A_578 = tpu.memref_slice %arg5[%add3A_377, %dma_start3A_577] : memref<200x128xi32, #tpu.memory_space<vmem>> -> memref<1x64xi32, #tpu.memory_space<vmem>>
        %dma_start3A_579 = tpu.memref_squeeze %dma_start3A_578 : memref<1x64xi32, #tpu.memory_space<vmem>> -> memref<64xi32, #tpu.memory_space<vmem>>
        %dma_start3A_580 = arith.constant 0 : i32
        %dma_start3A_581 = arith.constant 0 : i32
        %dma_start3A_582 = tpu.memref_slice %arg3[%dma_start3A_580, %dma_start3A_581] : memref<1003520x64xf32, #tpu.memory_space<hbm>> -> memref<1003520x64xf32, #tpu.memory_space<hbm>>
        tpu.enqueue_indirect_dma source(%dma_start3A_582 : memref<1003520x64xf32, #tpu.memory_space<hbm>>) target(%dma_start3A_576 : memref<64x64xf32, #tpu.memory_space<vmem>>) offsets(%dma_start3A_579 : memref<64xi32, #tpu.memory_space<vmem>>) semaphore(%arg7 : memref<!tpu.dma_semaphore, #tpu.memory_space<semaphore_mem>>)
        %dma_start3A_583 = arith.constant 0 : i32
        %dma_start3A_584 = arith.constant 1 : i32
        %dma_start3A_585 = arith.constant 0 : i32
        %dma_start3A_586 = arith.constant 0 : i32
        %dma_start3A_587 = tpu.memref_slice %arg6[%dma_start3A_583, %dma_start3A_584, %dma_start3A_585, %dma_start3A_586] : memref<4x2x64x64xf32, #tpu.memory_space<vmem>> -> memref<1x1x64x64xf32, #tpu.memory_space<vmem>>
        %dma_start3A_588 = tpu.memref_squeeze %dma_start3A_587 : memref<1x1x64x64xf32, #tpu.memory_space<vmem>> -> memref<64x64xf32, #tpu.memory_space<vmem>>
        %dma_start3A_589 = arith.constant 64 : i32
        %dma_start3A_590 = tpu.memref_slice %arg5[%add3A_377, %dma_start3A_589] : memref<200x128xi32, #tpu.memory_space<vmem>> -> memref<1x64xi32, #tpu.memory_space<vmem>>
        %dma_start3A_591 = tpu.memref_squeeze %dma_start3A_590 : memref<1x64xi32, #tpu.memory_space<vmem>> -> memref<64xi32, #tpu.memory_space<vmem>>
        %dma_start3A_592 = arith.constant 0 : i32
        %dma_start3A_593 = arith.constant 0 : i32
        %dma_start3A_594 = tpu.memref_slice %arg3[%dma_start3A_592, %dma_start3A_593] : memref<1003520x64xf32, #tpu.memory_space<hbm>> -> memref<1003520x64xf32, #tpu.memory_space<hbm>>
        tpu.enqueue_indirect_dma source(%dma_start3A_594 : memref<1003520x64xf32, #tpu.memory_space<hbm>>) target(%dma_start3A_588 : memref<64x64xf32, #tpu.memory_space<vmem>>) offsets(%dma_start3A_591 : memref<64xi32, #tpu.memory_space<vmem>>) semaphore(%arg7 : memref<!tpu.dma_semaphore, #tpu.memory_space<semaphore_mem>>)
      } else {
      }
      %lt3A_386 = arith.constant 200 : i32
      %lt3A_387 = arith.cmpi slt, %add3A_377, %lt3A_386 : i32
      %lt3A_388 = arith.constant 4 : i32
      %lt3A_389 = arith.cmpi slt, %add3A_377, %lt3A_388 : i32
      %and3A_390 = arith.andi %lt3A_387, %lt3A_389 : i1
      %convert_element_type3A_391 = arith.extui %and3A_390 : i1 to i32
      %cond3A_392 = arith.constant 0 : i32
      %cond3A_393 = arith.cmpi ne, %convert_element_type3A_391, %cond3A_392 : i32
      scf.if %cond3A_393 {
        %dma_start3A_534 = arith.constant 0 : i32
        %dma_start3A_535 = arith.constant 0 : i32
        %dma_start3A_536 = arith.constant 0 : i32
        %dma_start3A_537 = arith.constant 0 : i32
        %dma_start3A_538 = tpu.memref_slice %arg6[%dma_start3A_534, %dma_start3A_535, %dma_start3A_536, %dma_start3A_537] : memref<4x2x64x64xf32, #tpu.memory_space<vmem>> -> memref<1x1x64x64xf32, #tpu.memory_space<vmem>>
        %dma_start3A_539 = tpu.memref_squeeze %dma_start3A_538 : memref<1x1x64x64xf32, #tpu.memory_space<vmem>> -> memref<64x64xf32, #tpu.memory_space<vmem>>
        %dma_start3A_540 = arith.constant 0 : i32
        %dma_start3A_541 = tpu.memref_slice %arg5[%add3A_377, %dma_start3A_540] : memref<200x128xi32, #tpu.memory_space<vmem>> -> memref<1x64xi32, #tpu.memory_space<vmem>>
        %dma_start3A_542 = tpu.memref_squeeze %dma_start3A_541 : memref<1x64xi32, #tpu.memory_space<vmem>> -> memref<64xi32, #tpu.memory_space<vmem>>
        %dma_start3A_543 = arith.constant 0 : i32
        %dma_start3A_544 = arith.constant 0 : i32
        %dma_start3A_545 = tpu.memref_slice %arg3[%dma_start3A_543, %dma_start3A_544] : memref<1003520x64xf32, #tpu.memory_space<hbm>> -> memref<1003520x64xf32, #tpu.memory_space<hbm>>
        tpu.enqueue_indirect_dma source(%dma_start3A_545 : memref<1003520x64xf32, #tpu.memory_space<hbm>>) target(%dma_start3A_539 : memref<64x64xf32, #tpu.memory_space<vmem>>) offsets(%dma_start3A_542 : memref<64xi32, #tpu.memory_space<vmem>>) semaphore(%arg7 : memref<!tpu.dma_semaphore, #tpu.memory_space<semaphore_mem>>)
        %dma_start3A_546 = arith.constant 0 : i32
        %dma_start3A_547 = arith.constant 1 : i32
        %dma_start3A_548 = arith.constant 0 : i32
        %dma_start3A_549 = arith.constant 0 : i32
        %dma_start3A_550 = tpu.memref_slice %arg6[%dma_start3A_546, %dma_start3A_547, %dma_start3A_548, %dma_start3A_549] : memref<4x2x64x64xf32, #tpu.memory_space<vmem>> -> memref<1x1x64x64xf32, #tpu.memory_space<vmem>>
        %dma_start3A_551 = tpu.memref_squeeze %dma_start3A_550 : memref<1x1x64x64xf32, #tpu.memory_space<vmem>> -> memref<64x64xf32, #tpu.memory_space<vmem>>
        %dma_start3A_552 = arith.constant 64 : i32
        %dma_start3A_553 = tpu.memref_slice %arg5[%add3A_377, %dma_start3A_552] : memref<200x128xi32, #tpu.memory_space<vmem>> -> memref<1x64xi32, #tpu.memory_space<vmem>>
        %dma_start3A_554 = tpu.memref_squeeze %dma_start3A_553 : memref<1x64xi32, #tpu.memory_space<vmem>> -> memref<64xi32, #tpu.memory_space<vmem>>
        %dma_start3A_555 = arith.constant 0 : i32
        %dma_start3A_556 = arith.constant 0 : i32
        %dma_start3A_557 = tpu.memref_slice %arg3[%dma_start3A_555, %dma_start3A_556] : memref<1003520x64xf32, #tpu.memory_space<hbm>> -> memref<1003520x64xf32, #tpu.memory_space<hbm>>
        tpu.enqueue_indirect_dma source(%dma_start3A_557 : memref<1003520x64xf32, #tpu.memory_space<hbm>>) target(%dma_start3A_551 : memref<64x64xf32, #tpu.memory_space<vmem>>) offsets(%dma_start3A_554 : memref<64xi32, #tpu.memory_space<vmem>>) semaphore(%arg7 : memref<!tpu.dma_semaphore, #tpu.memory_space<semaphore_mem>>)
      } else {
      }
      %dma_wait3A_394 = arith.constant 2 : i32
      %dma_wait3A_395 = arith.constant 0 : i32
      %dma_wait3A_396 = arith.constant 0 : i32
      %dma_wait3A_397 = arith.constant 0 : i32
      %dma_wait3A_398 = tpu.memref_slice %arg6[%dma_wait3A_394, %dma_wait3A_395, %dma_wait3A_396, %dma_wait3A_397] : memref<4x2x64x64xf32, #tpu.memory_space<vmem>> -> memref<1x1x64x64xf32, #tpu.memory_space<vmem>>
      %dma_wait3A_399 = tpu.memref_squeeze %dma_wait3A_398 : memref<1x1x64x64xf32, #tpu.memory_space<vmem>> -> memref<64x64xf32, #tpu.memory_space<vmem>>
      %dma_wait3A_400 = arith.constant 0 : i32
      %dma_wait3A_401 = tpu.memref_slice %arg5[%add3A_375, %dma_wait3A_400] : memref<200x128xi32, #tpu.memory_space<vmem>> -> memref<1x64xi32, #tpu.memory_space<vmem>>
      %dma_wait3A_402 = tpu.memref_squeeze %dma_wait3A_401 : memref<1x64xi32, #tpu.memory_space<vmem>> -> memref<64xi32, #tpu.memory_space<vmem>>
      %dma_wait3A_403 = arith.constant 0 : i32
      %dma_wait3A_404 = arith.constant 0 : i32
      %dma_wait3A_405 = tpu.memref_slice %arg3[%dma_wait3A_403, %dma_wait3A_404] : memref<1003520x64xf32, #tpu.memory_space<hbm>> -> memref<1003520x64xf32, #tpu.memory_space<hbm>>
      tpu.wait_indirect_dma semaphore(%arg9 : memref<!tpu.dma_semaphore, #tpu.memory_space<semaphore_mem>>) src(%dma_wait3A_405 : memref<1003520x64xf32, #tpu.memory_space<hbm>>) dst(%dma_wait3A_399 : memref<64x64xf32, #tpu.memory_space<vmem>>)
      %dma_wait3A_406 = arith.constant 2 : i32
      %dma_wait3A_407 = arith.constant 1 : i32
      %dma_wait3A_408 = arith.constant 0 : i32
      %dma_wait3A_409 = arith.constant 0 : i32
      %dma_wait3A_410 = tpu.memref_slice %arg6[%dma_wait3A_406, %dma_wait3A_407, %dma_wait3A_408, %dma_wait3A_409] : memref<4x2x64x64xf32, #tpu.memory_space<vmem>> -> memref<1x1x64x64xf32, #tpu.memory_space<vmem>>
      %dma_wait3A_411 = tpu.memref_squeeze %dma_wait3A_410 : memref<1x1x64x64xf32, #tpu.memory_space<vmem>> -> memref<64x64xf32, #tpu.memory_space<vmem>>
      %dma_wait3A_412 = arith.constant 64 : i32
      %dma_wait3A_413 = tpu.memref_slice %arg5[%add3A_375, %dma_wait3A_412] : memref<200x128xi32, #tpu.memory_space<vmem>> -> memref<1x64xi32, #tpu.memory_space<vmem>>
      %dma_wait3A_414 = tpu.memref_squeeze %dma_wait3A_413 : memref<1x64xi32, #tpu.memory_space<vmem>> -> memref<64xi32, #tpu.memory_space<vmem>>
      %dma_wait3A_415 = arith.constant 0 : i32
      %dma_wait3A_416 = arith.constant 0 : i32
      %dma_wait3A_417 = tpu.memref_slice %arg3[%dma_wait3A_415, %dma_wait3A_416] : memref<1003520x64xf32, #tpu.memory_space<hbm>> -> memref<1003520x64xf32, #tpu.memory_space<hbm>>
      tpu.wait_indirect_dma semaphore(%arg9 : memref<!tpu.dma_semaphore, #tpu.memory_space<semaphore_mem>>) src(%dma_wait3A_417 : memref<1003520x64xf32, #tpu.memory_space<hbm>>) dst(%dma_wait3A_411 : memref<64x64xf32, #tpu.memory_space<vmem>>)
      %dma_start3A_418 = arith.constant 2 : i32
      %dma_start3A_419 = arith.constant 0 : i32
      %dma_start3A_420 = arith.constant 0 : i32
      %dma_start3A_421 = arith.constant 0 : i32
      %dma_start3A_422 = tpu.memref_slice %arg6[%dma_start3A_418, %dma_start3A_419, %dma_start3A_420, %dma_start3A_421] : memref<4x2x64x64xf32, #tpu.memory_space<vmem>> -> memref<1x1x64x64xf32, #tpu.memory_space<vmem>>
      %dma_start3A_423 = tpu.memref_squeeze %dma_start3A_422 : memref<1x1x64x64xf32, #tpu.memory_space<vmem>> -> memref<64x64xf32, #tpu.memory_space<vmem>>
      %dma_start3A_424 = arith.constant 0 : i32
      %dma_start3A_425 = arith.constant 0 : i32
      %dma_start3A_426 = tpu.memref_slice %arg4[%add3A_375, %add3A, %dma_start3A_424, %dma_start3A_425] : memref<200x32x64x128xf32, #tpu.memory_space<hbm>> -> memref<1x1x64x64xf32, #tpu.memory_space<hbm>>
      %dma_start3A_427 = tpu.memref_squeeze %dma_start3A_426 : memref<1x1x64x64xf32, #tpu.memory_space<hbm>> -> memref<64x64xf32, #tpu.memory_space<hbm>>
      %dma_start3A_428 = arith.constant 0 : i32
      %dma_start3A_429 = arith.constant 0 : i32
      %dma_start3A_430 = tpu.memref_slice %arg4[%add3A_375, %add3A, %dma_start3A_428, %dma_start3A_429] : memref<200x32x64x128xf32, #tpu.memory_space<hbm>> -> memref<1x1x64x64xf32, #tpu.memory_space<hbm>>
      %dma_start3A_431 = tpu.memref_squeeze %dma_start3A_430 : memref<1x1x64x64xf32, #tpu.memory_space<hbm>> -> memref<64x64xf32, #tpu.memory_space<hbm>>
      %dma_start3A_432 = arith.constant 0 : i32
      %dma_start3A_433 = arith.constant 0 : i32
      %dma_start3A_434 = tpu.memref_slice %arg6[%dma_start3A_418, %dma_start3A_419, %dma_start3A_432, %dma_start3A_433] : memref<4x2x64x64xf32, #tpu.memory_space<vmem>> -> memref<1x1x64x64xf32, #tpu.memory_space<vmem>>
      %dma_start3A_435 = tpu.memref_squeeze %dma_start3A_434 : memref<1x1x64x64xf32, #tpu.memory_space<vmem>> -> memref<64x64xf32, #tpu.memory_space<vmem>>
      tpu.enqueue_dma source(%dma_start3A_435 : memref<64x64xf32, #tpu.memory_space<vmem>>) target(%dma_start3A_431 : memref<64x64xf32, #tpu.memory_space<hbm>>) target_semaphore(%arg13 : memref<!tpu.dma_semaphore, #tpu.memory_space<semaphore_mem>>)
      %dma_start3A_436 = arith.constant 2 : i32
      %dma_start3A_437 = arith.constant 1 : i32
      %dma_start3A_438 = arith.constant 0 : i32
      %dma_start3A_439 = arith.constant 0 : i32
      %dma_start3A_440 = tpu.memref_slice %arg6[%dma_start3A_436, %dma_start3A_437, %dma_start3A_438, %dma_start3A_439] : memref<4x2x64x64xf32, #tpu.memory_space<vmem>> -> memref<1x1x64x64xf32, #tpu.memory_space<vmem>>
      %dma_start3A_441 = tpu.memref_squeeze %dma_start3A_440 : memref<1x1x64x64xf32, #tpu.memory_space<vmem>> -> memref<64x64xf32, #tpu.memory_space<vmem>>
      %dma_start3A_442 = arith.constant 0 : i32
      %dma_start3A_443 = arith.constant 64 : i32
      %dma_start3A_444 = tpu.memref_slice %arg4[%add3A_375, %add3A, %dma_start3A_442, %dma_start3A_443] : memref<200x32x64x128xf32, #tpu.memory_space<hbm>> -> memref<1x1x64x64xf32, #tpu.memory_space<hbm>>
      %dma_start3A_445 = tpu.memref_squeeze %dma_start3A_444 : memref<1x1x64x64xf32, #tpu.memory_space<hbm>> -> memref<64x64xf32, #tpu.memory_space<hbm>>
      %dma_start3A_446 = arith.constant 0 : i32
      %dma_start3A_447 = arith.constant 64 : i32
      %dma_start3A_448 = tpu.memref_slice %arg4[%add3A_375, %add3A, %dma_start3A_446, %dma_start3A_447] : memref<200x32x64x128xf32, #tpu.memory_space<hbm>> -> memref<1x1x64x64xf32, #tpu.memory_space<hbm>>
      %dma_start3A_449 = tpu.memref_squeeze %dma_start3A_448 : memref<1x1x64x64xf32, #tpu.memory_space<hbm>> -> memref<64x64xf32, #tpu.memory_space<hbm>>
      %dma_start3A_450 = arith.constant 0 : i32
      %dma_start3A_451 = arith.constant 0 : i32
      %dma_start3A_452 = tpu.memref_slice %arg6[%dma_start3A_436, %dma_start3A_437, %dma_start3A_450, %dma_start3A_451] : memref<4x2x64x64xf32, #tpu.memory_space<vmem>> -> memref<1x1x64x64xf32, #tpu.memory_space<vmem>>
      %dma_start3A_453 = tpu.memref_squeeze %dma_start3A_452 : memref<1x1x64x64xf32, #tpu.memory_space<vmem>> -> memref<64x64xf32, #tpu.memory_space<vmem>>
      tpu.enqueue_dma source(%dma_start3A_453 : memref<64x64xf32, #tpu.memory_space<vmem>>) target(%dma_start3A_449 : memref<64x64xf32, #tpu.memory_space<hbm>>) target_semaphore(%arg13 : memref<!tpu.dma_semaphore, #tpu.memory_space<semaphore_mem>>)
      %add3A_454 = arith.constant 3 : i32
      %add3A_455 = arith.addi %add3A_218, %add3A_454 : i32
      %add3A_456 = arith.constant 2 : i32
      %add3A_457 = arith.addi %add3A_455, %add3A_456 : i32
      %lt3A_458 = arith.constant 200 : i32
      %lt3A_459 = arith.cmpi slt, %add3A_457, %lt3A_458 : i32
      %ge3A_460 = arith.constant 4 : i32
      %ge3A_461 = arith.cmpi sge, %add3A_457, %ge3A_460 : i32
      %and3A_462 = arith.andi %lt3A_459, %ge3A_461 : i1
      %convert_element_type3A_463 = arith.extui %and3A_462 : i1 to i32
      %cond3A_464 = arith.constant 0 : i32
      %cond3A_465 = arith.cmpi ne, %convert_element_type3A_463, %cond3A_464 : i32
      scf.if %cond3A_465 {
        %sub3A = arith.constant 4 : i32
        %sub3A_534 = arith.subi %add3A_457, %sub3A : i32
        %dma_wait3A_535 = arith.constant 1 : i32
        %dma_wait3A_536 = arith.constant 0 : i32
        %dma_wait3A_537 = arith.constant 0 : i32
        %dma_wait3A_538 = arith.constant 0 : i32
        %dma_wait3A_539 = tpu.memref_slice %arg6[%dma_wait3A_535, %dma_wait3A_536, %dma_wait3A_537, %dma_wait3A_538] : memref<4x2x64x64xf32, #tpu.memory_space<vmem>> -> memref<1x1x64x64xf32, #tpu.memory_space<vmem>>
        %dma_wait3A_540 = tpu.memref_squeeze %dma_wait3A_539 : memref<1x1x64x64xf32, #tpu.memory_space<vmem>> -> memref<64x64xf32, #tpu.memory_space<vmem>>
        %dma_wait3A_541 = arith.constant 0 : i32
        %dma_wait3A_542 = arith.constant 0 : i32
        %dma_wait3A_543 = tpu.memref_slice %arg4[%sub3A_534, %add3A, %dma_wait3A_541, %dma_wait3A_542] : memref<200x32x64x128xf32, #tpu.memory_space<hbm>> -> memref<1x1x64x64xf32, #tpu.memory_space<hbm>>
        %dma_wait3A_544 = tpu.memref_squeeze %dma_wait3A_543 : memref<1x1x64x64xf32, #tpu.memory_space<hbm>> -> memref<64x64xf32, #tpu.memory_space<hbm>>
        %dma_wait3A_545 = arith.constant 0 : i32
        %dma_wait3A_546 = arith.constant 0 : i32
        %dma_wait3A_547 = tpu.memref_slice %arg4[%sub3A_534, %add3A, %dma_wait3A_545, %dma_wait3A_546] : memref<200x32x64x128xf32, #tpu.memory_space<hbm>> -> memref<1x1x64x64xf32, #tpu.memory_space<hbm>>
        %dma_wait3A_548 = tpu.memref_squeeze %dma_wait3A_547 : memref<1x1x64x64xf32, #tpu.memory_space<hbm>> -> memref<64x64xf32, #tpu.memory_space<hbm>>
        %dma_wait3A_549 = arith.constant 0 : i32
        %dma_wait3A_550 = arith.constant 0 : i32
        %dma_wait3A_551 = tpu.memref_slice %arg6[%dma_wait3A_535, %dma_wait3A_536, %dma_wait3A_549, %dma_wait3A_550] : memref<4x2x64x64xf32, #tpu.memory_space<vmem>> -> memref<1x1x64x64xf32, #tpu.memory_space<vmem>>
        %dma_wait3A_552 = tpu.memref_squeeze %dma_wait3A_551 : memref<1x1x64x64xf32, #tpu.memory_space<vmem>> -> memref<64x64xf32, #tpu.memory_space<vmem>>
        tpu.wait_dma2 semaphore(%arg12 : memref<!tpu.dma_semaphore, #tpu.memory_space<semaphore_mem>>) src(%dma_wait3A_552 : memref<64x64xf32, #tpu.memory_space<vmem>>) dst(%dma_wait3A_548 : memref<64x64xf32, #tpu.memory_space<hbm>>)
        %dma_wait3A_553 = arith.constant 1 : i32
        %dma_wait3A_554 = arith.constant 1 : i32
        %dma_wait3A_555 = arith.constant 0 : i32
        %dma_wait3A_556 = arith.constant 0 : i32
        %dma_wait3A_557 = tpu.memref_slice %arg6[%dma_wait3A_553, %dma_wait3A_554, %dma_wait3A_555, %dma_wait3A_556] : memref<4x2x64x64xf32, #tpu.memory_space<vmem>> -> memref<1x1x64x64xf32, #tpu.memory_space<vmem>>
        %dma_wait3A_558 = tpu.memref_squeeze %dma_wait3A_557 : memref<1x1x64x64xf32, #tpu.memory_space<vmem>> -> memref<64x64xf32, #tpu.memory_space<vmem>>
        %dma_wait3A_559 = arith.constant 0 : i32
        %dma_wait3A_560 = arith.constant 64 : i32
        %dma_wait3A_561 = tpu.memref_slice %arg4[%sub3A_534, %add3A, %dma_wait3A_559, %dma_wait3A_560] : memref<200x32x64x128xf32, #tpu.memory_space<hbm>> -> memref<1x1x64x64xf32, #tpu.memory_space<hbm>>
        %dma_wait3A_562 = tpu.memref_squeeze %dma_wait3A_561 : memref<1x1x64x64xf32, #tpu.memory_space<hbm>> -> memref<64x64xf32, #tpu.memory_space<hbm>>
        %dma_wait3A_563 = arith.constant 0 : i32
        %dma_wait3A_564 = arith.constant 64 : i32
        %dma_wait3A_565 = tpu.memref_slice %arg4[%sub3A_534, %add3A, %dma_wait3A_563, %dma_wait3A_564] : memref<200x32x64x128xf32, #tpu.memory_space<hbm>> -> memref<1x1x64x64xf32, #tpu.memory_space<hbm>>
        %dma_wait3A_566 = tpu.memref_squeeze %dma_wait3A_565 : memref<1x1x64x64xf32, #tpu.memory_space<hbm>> -> memref<64x64xf32, #tpu.memory_space<hbm>>
        %dma_wait3A_567 = arith.constant 0 : i32
        %dma_wait3A_568 = arith.constant 0 : i32
        %dma_wait3A_569 = tpu.memref_slice %arg6[%dma_wait3A_553, %dma_wait3A_554, %dma_wait3A_567, %dma_wait3A_568] : memref<4x2x64x64xf32, #tpu.memory_space<vmem>> -> memref<1x1x64x64xf32, #tpu.memory_space<vmem>>
        %dma_wait3A_570 = tpu.memref_squeeze %dma_wait3A_569 : memref<1x1x64x64xf32, #tpu.memory_space<vmem>> -> memref<64x64xf32, #tpu.memory_space<vmem>>
        tpu.wait_dma2 semaphore(%arg12 : memref<!tpu.dma_semaphore, #tpu.memory_space<semaphore_mem>>) src(%dma_wait3A_570 : memref<64x64xf32, #tpu.memory_space<vmem>>) dst(%dma_wait3A_566 : memref<64x64xf32, #tpu.memory_space<hbm>>)
        %dma_start3A_571 = arith.constant 1 : i32
        %dma_start3A_572 = arith.constant 0 : i32
        %dma_start3A_573 = arith.constant 0 : i32
        %dma_start3A_574 = arith.constant 0 : i32
        %dma_start3A_575 = tpu.memref_slice %arg6[%dma_start3A_571, %dma_start3A_572, %dma_start3A_573, %dma_start3A_574] : memref<4x2x64x64xf32, #tpu.memory_space<vmem>> -> memref<1x1x64x64xf32, #tpu.memory_space<vmem>>
        %dma_start3A_576 = tpu.memref_squeeze %dma_start3A_575 : memref<1x1x64x64xf32, #tpu.memory_space<vmem>> -> memref<64x64xf32, #tpu.memory_space<vmem>>
        %dma_start3A_577 = arith.constant 0 : i32
        %dma_start3A_578 = tpu.memref_slice %arg5[%add3A_457, %dma_start3A_577] : memref<200x128xi32, #tpu.memory_space<vmem>> -> memref<1x64xi32, #tpu.memory_space<vmem>>
        %dma_start3A_579 = tpu.memref_squeeze %dma_start3A_578 : memref<1x64xi32, #tpu.memory_space<vmem>> -> memref<64xi32, #tpu.memory_space<vmem>>
        %dma_start3A_580 = arith.constant 0 : i32
        %dma_start3A_581 = arith.constant 0 : i32
        %dma_start3A_582 = tpu.memref_slice %arg3[%dma_start3A_580, %dma_start3A_581] : memref<1003520x64xf32, #tpu.memory_space<hbm>> -> memref<1003520x64xf32, #tpu.memory_space<hbm>>
        tpu.enqueue_indirect_dma source(%dma_start3A_582 : memref<1003520x64xf32, #tpu.memory_space<hbm>>) target(%dma_start3A_576 : memref<64x64xf32, #tpu.memory_space<vmem>>) offsets(%dma_start3A_579 : memref<64xi32, #tpu.memory_space<vmem>>) semaphore(%arg8 : memref<!tpu.dma_semaphore, #tpu.memory_space<semaphore_mem>>)
        %dma_start3A_583 = arith.constant 1 : i32
        %dma_start3A_584 = arith.constant 1 : i32
        %dma_start3A_585 = arith.constant 0 : i32
        %dma_start3A_586 = arith.constant 0 : i32
        %dma_start3A_587 = tpu.memref_slice %arg6[%dma_start3A_583, %dma_start3A_584, %dma_start3A_585, %dma_start3A_586] : memref<4x2x64x64xf32, #tpu.memory_space<vmem>> -> memref<1x1x64x64xf32, #tpu.memory_space<vmem>>
        %dma_start3A_588 = tpu.memref_squeeze %dma_start3A_587 : memref<1x1x64x64xf32, #tpu.memory_space<vmem>> -> memref<64x64xf32, #tpu.memory_space<vmem>>
        %dma_start3A_589 = arith.constant 64 : i32
        %dma_start3A_590 = tpu.memref_slice %arg5[%add3A_457, %dma_start3A_589] : memref<200x128xi32, #tpu.memory_space<vmem>> -> memref<1x64xi32, #tpu.memory_space<vmem>>
        %dma_start3A_591 = tpu.memref_squeeze %dma_start3A_590 : memref<1x64xi32, #tpu.memory_space<vmem>> -> memref<64xi32, #tpu.memory_space<vmem>>
        %dma_start3A_592 = arith.constant 0 : i32
        %dma_start3A_593 = arith.constant 0 : i32
        %dma_start3A_594 = tpu.memref_slice %arg3[%dma_start3A_592, %dma_start3A_593] : memref<1003520x64xf32, #tpu.memory_space<hbm>> -> memref<1003520x64xf32, #tpu.memory_space<hbm>>
        tpu.enqueue_indirect_dma source(%dma_start3A_594 : memref<1003520x64xf32, #tpu.memory_space<hbm>>) target(%dma_start3A_588 : memref<64x64xf32, #tpu.memory_space<vmem>>) offsets(%dma_start3A_591 : memref<64xi32, #tpu.memory_space<vmem>>) semaphore(%arg8 : memref<!tpu.dma_semaphore, #tpu.memory_space<semaphore_mem>>)
      } else {
      }
      %lt3A_466 = arith.constant 200 : i32
      %lt3A_467 = arith.cmpi slt, %add3A_457, %lt3A_466 : i32
      %lt3A_468 = arith.constant 4 : i32
      %lt3A_469 = arith.cmpi slt, %add3A_457, %lt3A_468 : i32
      %and3A_470 = arith.andi %lt3A_467, %lt3A_469 : i1
      %convert_element_type3A_471 = arith.extui %and3A_470 : i1 to i32
      %cond3A_472 = arith.constant 0 : i32
      %cond3A_473 = arith.cmpi ne, %convert_element_type3A_471, %cond3A_472 : i32
      scf.if %cond3A_473 {
        %dma_start3A_534 = arith.constant 1 : i32
        %dma_start3A_535 = arith.constant 0 : i32
        %dma_start3A_536 = arith.constant 0 : i32
        %dma_start3A_537 = arith.constant 0 : i32
        %dma_start3A_538 = tpu.memref_slice %arg6[%dma_start3A_534, %dma_start3A_535, %dma_start3A_536, %dma_start3A_537] : memref<4x2x64x64xf32, #tpu.memory_space<vmem>> -> memref<1x1x64x64xf32, #tpu.memory_space<vmem>>
        %dma_start3A_539 = tpu.memref_squeeze %dma_start3A_538 : memref<1x1x64x64xf32, #tpu.memory_space<vmem>> -> memref<64x64xf32, #tpu.memory_space<vmem>>
        %dma_start3A_540 = arith.constant 0 : i32
        %dma_start3A_541 = tpu.memref_slice %arg5[%add3A_457, %dma_start3A_540] : memref<200x128xi32, #tpu.memory_space<vmem>> -> memref<1x64xi32, #tpu.memory_space<vmem>>
        %dma_start3A_542 = tpu.memref_squeeze %dma_start3A_541 : memref<1x64xi32, #tpu.memory_space<vmem>> -> memref<64xi32, #tpu.memory_space<vmem>>
        %dma_start3A_543 = arith.constant 0 : i32
        %dma_start3A_544 = arith.constant 0 : i32
        %dma_start3A_545 = tpu.memref_slice %arg3[%dma_start3A_543, %dma_start3A_544] : memref<1003520x64xf32, #tpu.memory_space<hbm>> -> memref<1003520x64xf32, #tpu.memory_space<hbm>>
        tpu.enqueue_indirect_dma source(%dma_start3A_545 : memref<1003520x64xf32, #tpu.memory_space<hbm>>) target(%dma_start3A_539 : memref<64x64xf32, #tpu.memory_space<vmem>>) offsets(%dma_start3A_542 : memref<64xi32, #tpu.memory_space<vmem>>) semaphore(%arg8 : memref<!tpu.dma_semaphore, #tpu.memory_space<semaphore_mem>>)
        %dma_start3A_546 = arith.constant 1 : i32
        %dma_start3A_547 = arith.constant 1 : i32
        %dma_start3A_548 = arith.constant 0 : i32
        %dma_start3A_549 = arith.constant 0 : i32
        %dma_start3A_550 = tpu.memref_slice %arg6[%dma_start3A_546, %dma_start3A_547, %dma_start3A_548, %dma_start3A_549] : memref<4x2x64x64xf32, #tpu.memory_space<vmem>> -> memref<1x1x64x64xf32, #tpu.memory_space<vmem>>
        %dma_start3A_551 = tpu.memref_squeeze %dma_start3A_550 : memref<1x1x64x64xf32, #tpu.memory_space<vmem>> -> memref<64x64xf32, #tpu.memory_space<vmem>>
        %dma_start3A_552 = arith.constant 64 : i32
        %dma_start3A_553 = tpu.memref_slice %arg5[%add3A_457, %dma_start3A_552] : memref<200x128xi32, #tpu.memory_space<vmem>> -> memref<1x64xi32, #tpu.memory_space<vmem>>
        %dma_start3A_554 = tpu.memref_squeeze %dma_start3A_553 : memref<1x64xi32, #tpu.memory_space<vmem>> -> memref<64xi32, #tpu.memory_space<vmem>>
        %dma_start3A_555 = arith.constant 0 : i32
        %dma_start3A_556 = arith.constant 0 : i32
        %dma_start3A_557 = tpu.memref_slice %arg3[%dma_start3A_555, %dma_start3A_556] : memref<1003520x64xf32, #tpu.memory_space<hbm>> -> memref<1003520x64xf32, #tpu.memory_space<hbm>>
        tpu.enqueue_indirect_dma source(%dma_start3A_557 : memref<1003520x64xf32, #tpu.memory_space<hbm>>) target(%dma_start3A_551 : memref<64x64xf32, #tpu.memory_space<vmem>>) offsets(%dma_start3A_554 : memref<64xi32, #tpu.memory_space<vmem>>) semaphore(%arg8 : memref<!tpu.dma_semaphore, #tpu.memory_space<semaphore_mem>>)
      } else {
      }
      %dma_wait3A_474 = arith.constant 3 : i32
      %dma_wait3A_475 = arith.constant 0 : i32
      %dma_wait3A_476 = arith.constant 0 : i32
      %dma_wait3A_477 = arith.constant 0 : i32
      %dma_wait3A_478 = tpu.memref_slice %arg6[%dma_wait3A_474, %dma_wait3A_475, %dma_wait3A_476, %dma_wait3A_477] : memref<4x2x64x64xf32, #tpu.memory_space<vmem>> -> memref<1x1x64x64xf32, #tpu.memory_space<vmem>>
      %dma_wait3A_479 = tpu.memref_squeeze %dma_wait3A_478 : memref<1x1x64x64xf32, #tpu.memory_space<vmem>> -> memref<64x64xf32, #tpu.memory_space<vmem>>
      %dma_wait3A_480 = arith.constant 0 : i32
      %dma_wait3A_481 = tpu.memref_slice %arg5[%add3A_455, %dma_wait3A_480] : memref<200x128xi32, #tpu.memory_space<vmem>> -> memref<1x64xi32, #tpu.memory_space<vmem>>
      %dma_wait3A_482 = tpu.memref_squeeze %dma_wait3A_481 : memref<1x64xi32, #tpu.memory_space<vmem>> -> memref<64xi32, #tpu.memory_space<vmem>>
      %dma_wait3A_483 = arith.constant 0 : i32
      %dma_wait3A_484 = arith.constant 0 : i32
      %dma_wait3A_485 = tpu.memref_slice %arg3[%dma_wait3A_483, %dma_wait3A_484] : memref<1003520x64xf32, #tpu.memory_space<hbm>> -> memref<1003520x64xf32, #tpu.memory_space<hbm>>
      tpu.wait_indirect_dma semaphore(%arg10 : memref<!tpu.dma_semaphore, #tpu.memory_space<semaphore_mem>>) src(%dma_wait3A_485 : memref<1003520x64xf32, #tpu.memory_space<hbm>>) dst(%dma_wait3A_479 : memref<64x64xf32, #tpu.memory_space<vmem>>)
      %dma_wait3A_486 = arith.constant 3 : i32
      %dma_wait3A_487 = arith.constant 1 : i32
      %dma_wait3A_488 = arith.constant 0 : i32
      %dma_wait3A_489 = arith.constant 0 : i32
      %dma_wait3A_490 = tpu.memref_slice %arg6[%dma_wait3A_486, %dma_wait3A_487, %dma_wait3A_488, %dma_wait3A_489] : memref<4x2x64x64xf32, #tpu.memory_space<vmem>> -> memref<1x1x64x64xf32, #tpu.memory_space<vmem>>
      %dma_wait3A_491 = tpu.memref_squeeze %dma_wait3A_490 : memref<1x1x64x64xf32, #tpu.memory_space<vmem>> -> memref<64x64xf32, #tpu.memory_space<vmem>>
      %dma_wait3A_492 = arith.constant 64 : i32
      %dma_wait3A_493 = tpu.memref_slice %arg5[%add3A_455, %dma_wait3A_492] : memref<200x128xi32, #tpu.memory_space<vmem>> -> memref<1x64xi32, #tpu.memory_space<vmem>>
      %dma_wait3A_494 = tpu.memref_squeeze %dma_wait3A_493 : memref<1x64xi32, #tpu.memory_space<vmem>> -> memref<64xi32, #tpu.memory_space<vmem>>
      %dma_wait3A_495 = arith.constant 0 : i32
      %dma_wait3A_496 = arith.constant 0 : i32
      %dma_wait3A_497 = tpu.memref_slice %arg3[%dma_wait3A_495, %dma_wait3A_496] : memref<1003520x64xf32, #tpu.memory_space<hbm>> -> memref<1003520x64xf32, #tpu.memory_space<hbm>>
      tpu.wait_indirect_dma semaphore(%arg10 : memref<!tpu.dma_semaphore, #tpu.memory_space<semaphore_mem>>) src(%dma_wait3A_497 : memref<1003520x64xf32, #tpu.memory_space<hbm>>) dst(%dma_wait3A_491 : memref<64x64xf32, #tpu.memory_space<vmem>>)
      %dma_start3A_498 = arith.constant 3 : i32
      %dma_start3A_499 = arith.constant 0 : i32
      %dma_start3A_500 = arith.constant 0 : i32
      %dma_start3A_501 = arith.constant 0 : i32
      %dma_start3A_502 = tpu.memref_slice %arg6[%dma_start3A_498, %dma_start3A_499, %dma_start3A_500, %dma_start3A_501] : memref<4x2x64x64xf32, #tpu.memory_space<vmem>> -> memref<1x1x64x64xf32, #tpu.memory_space<vmem>>
      %dma_start3A_503 = tpu.memref_squeeze %dma_start3A_502 : memref<1x1x64x64xf32, #tpu.memory_space<vmem>> -> memref<64x64xf32, #tpu.memory_space<vmem>>
      %dma_start3A_504 = arith.constant 0 : i32
      %dma_start3A_505 = arith.constant 0 : i32
      %dma_start3A_506 = tpu.memref_slice %arg4[%add3A_455, %add3A, %dma_start3A_504, %dma_start3A_505] : memref<200x32x64x128xf32, #tpu.memory_space<hbm>> -> memref<1x1x64x64xf32, #tpu.memory_space<hbm>>
      %dma_start3A_507 = tpu.memref_squeeze %dma_start3A_506 : memref<1x1x64x64xf32, #tpu.memory_space<hbm>> -> memref<64x64xf32, #tpu.memory_space<hbm>>
      %dma_start3A_508 = arith.constant 0 : i32
      %dma_start3A_509 = arith.constant 0 : i32
      %dma_start3A_510 = tpu.memref_slice %arg4[%add3A_455, %add3A, %dma_start3A_508, %dma_start3A_509] : memref<200x32x64x128xf32, #tpu.memory_space<hbm>> -> memref<1x1x64x64xf32, #tpu.memory_space<hbm>>
      %dma_start3A_511 = tpu.memref_squeeze %dma_start3A_510 : memref<1x1x64x64xf32, #tpu.memory_space<hbm>> -> memref<64x64xf32, #tpu.memory_space<hbm>>
      %dma_start3A_512 = arith.constant 0 : i32
      %dma_start3A_513 = arith.constant 0 : i32
      %dma_start3A_514 = tpu.memref_slice %arg6[%dma_start3A_498, %dma_start3A_499, %dma_start3A_512, %dma_start3A_513] : memref<4x2x64x64xf32, #tpu.memory_space<vmem>> -> memref<1x1x64x64xf32, #tpu.memory_space<vmem>>
      %dma_start3A_515 = tpu.memref_squeeze %dma_start3A_514 : memref<1x1x64x64xf32, #tpu.memory_space<vmem>> -> memref<64x64xf32, #tpu.memory_space<vmem>>
      tpu.enqueue_dma source(%dma_start3A_515 : memref<64x64xf32, #tpu.memory_space<vmem>>) target(%dma_start3A_511 : memref<64x64xf32, #tpu.memory_space<hbm>>) target_semaphore(%arg14 : memref<!tpu.dma_semaphore, #tpu.memory_space<semaphore_mem>>)
      %dma_start3A_516 = arith.constant 3 : i32
      %dma_start3A_517 = arith.constant 1 : i32
      %dma_start3A_518 = arith.constant 0 : i32
      %dma_start3A_519 = arith.constant 0 : i32
      %dma_start3A_520 = tpu.memref_slice %arg6[%dma_start3A_516, %dma_start3A_517, %dma_start3A_518, %dma_start3A_519] : memref<4x2x64x64xf32, #tpu.memory_space<vmem>> -> memref<1x1x64x64xf32, #tpu.memory_space<vmem>>
      %dma_start3A_521 = tpu.memref_squeeze %dma_start3A_520 : memref<1x1x64x64xf32, #tpu.memory_space<vmem>> -> memref<64x64xf32, #tpu.memory_space<vmem>>
      %dma_start3A_522 = arith.constant 0 : i32
      %dma_start3A_523 = arith.constant 64 : i32
      %dma_start3A_524 = tpu.memref_slice %arg4[%add3A_455, %add3A, %dma_start3A_522, %dma_start3A_523] : memref<200x32x64x128xf32, #tpu.memory_space<hbm>> -> memref<1x1x64x64xf32, #tpu.memory_space<hbm>>
      %dma_start3A_525 = tpu.memref_squeeze %dma_start3A_524 : memref<1x1x64x64xf32, #tpu.memory_space<hbm>> -> memref<64x64xf32, #tpu.memory_space<hbm>>
      %dma_start3A_526 = arith.constant 0 : i32
      %dma_start3A_527 = arith.constant 64 : i32
      %dma_start3A_528 = tpu.memref_slice %arg4[%add3A_455, %add3A, %dma_start3A_526, %dma_start3A_527] : memref<200x32x64x128xf32, #tpu.memory_space<hbm>> -> memref<1x1x64x64xf32, #tpu.memory_space<hbm>>
      %dma_start3A_529 = tpu.memref_squeeze %dma_start3A_528 : memref<1x1x64x64xf32, #tpu.memory_space<hbm>> -> memref<64x64xf32, #tpu.memory_space<hbm>>
      %dma_start3A_530 = arith.constant 0 : i32
      %dma_start3A_531 = arith.constant 0 : i32
      %dma_start3A_532 = tpu.memref_slice %arg6[%dma_start3A_516, %dma_start3A_517, %dma_start3A_530, %dma_start3A_531] : memref<4x2x64x64xf32, #tpu.memory_space<vmem>> -> memref<1x1x64x64xf32, #tpu.memory_space<vmem>>
      %dma_start3A_533 = tpu.memref_squeeze %dma_start3A_532 : memref<1x1x64x64xf32, #tpu.memory_space<vmem>> -> memref<64x64xf32, #tpu.memory_space<vmem>>
      tpu.enqueue_dma source(%dma_start3A_533 : memref<64x64xf32, #tpu.memory_space<vmem>>) target(%dma_start3A_529 : memref<64x64xf32, #tpu.memory_space<hbm>>) target_semaphore(%arg14 : memref<!tpu.dma_semaphore, #tpu.memory_space<semaphore_mem>>)
    }
    %scan3A_62 = arith.constant 50 : i32
    %dma_wait3A = arith.constant 0 : i32
    %dma_wait3A_63 = arith.constant 0 : i32
    %dma_wait3A_64 = arith.constant 196 : i32
    %dma_wait3A_65 = arith.constant 0 : i32
    %dma_wait3A_66 = arith.constant 0 : i32
    %dma_wait3A_67 = tpu.memref_slice %arg6[%dma_wait3A, %dma_wait3A_63, %dma_wait3A_65, %dma_wait3A_66] : memref<4x2x64x64xf32, #tpu.memory_space<vmem>> -> memref<1x1x64x64xf32, #tpu.memory_space<vmem>>
    %dma_wait3A_68 = tpu.memref_squeeze %dma_wait3A_67 : memref<1x1x64x64xf32, #tpu.memory_space<vmem>> -> memref<64x64xf32, #tpu.memory_space<vmem>>
    %dma_wait3A_69 = arith.constant 0 : i32
    %dma_wait3A_70 = arith.constant 0 : i32
    %dma_wait3A_71 = tpu.memref_slice %arg4[%dma_wait3A_64, %add3A, %dma_wait3A_69, %dma_wait3A_70] : memref<200x32x64x128xf32, #tpu.memory_space<hbm>> -> memref<1x1x64x64xf32, #tpu.memory_space<hbm>>
    %dma_wait3A_72 = tpu.memref_squeeze %dma_wait3A_71 : memref<1x1x64x64xf32, #tpu.memory_space<hbm>> -> memref<64x64xf32, #tpu.memory_space<hbm>>
    %dma_wait3A_73 = arith.constant 0 : i32
    %dma_wait3A_74 = arith.constant 0 : i32
    %dma_wait3A_75 = tpu.memref_slice %arg4[%dma_wait3A_64, %add3A, %dma_wait3A_73, %dma_wait3A_74] : memref<200x32x64x128xf32, #tpu.memory_space<hbm>> -> memref<1x1x64x64xf32, #tpu.memory_space<hbm>>
    %dma_wait3A_76 = tpu.memref_squeeze %dma_wait3A_75 : memref<1x1x64x64xf32, #tpu.memory_space<hbm>> -> memref<64x64xf32, #tpu.memory_space<hbm>>
    %dma_wait3A_77 = arith.constant 0 : i32
    %dma_wait3A_78 = arith.constant 0 : i32
    %dma_wait3A_79 = tpu.memref_slice %arg6[%dma_wait3A, %dma_wait3A_63, %dma_wait3A_77, %dma_wait3A_78] : memref<4x2x64x64xf32, #tpu.memory_space<vmem>> -> memref<1x1x64x64xf32, #tpu.memory_space<vmem>>
    %dma_wait3A_80 = tpu.memref_squeeze %dma_wait3A_79 : memref<1x1x64x64xf32, #tpu.memory_space<vmem>> -> memref<64x64xf32, #tpu.memory_space<vmem>>
    tpu.wait_dma2 semaphore(%arg11 : memref<!tpu.dma_semaphore, #tpu.memory_space<semaphore_mem>>) src(%dma_wait3A_80 : memref<64x64xf32, #tpu.memory_space<vmem>>) dst(%dma_wait3A_76 : memref<64x64xf32, #tpu.memory_space<hbm>>)
    %dma_wait3A_81 = arith.constant 0 : i32
    %dma_wait3A_82 = arith.constant 1 : i32
    %dma_wait3A_83 = arith.constant 196 : i32
    %dma_wait3A_84 = arith.constant 0 : i32
    %dma_wait3A_85 = arith.constant 0 : i32
    %dma_wait3A_86 = tpu.memref_slice %arg6[%dma_wait3A_81, %dma_wait3A_82, %dma_wait3A_84, %dma_wait3A_85] : memref<4x2x64x64xf32, #tpu.memory_space<vmem>> -> memref<1x1x64x64xf32, #tpu.memory_space<vmem>>
    %dma_wait3A_87 = tpu.memref_squeeze %dma_wait3A_86 : memref<1x1x64x64xf32, #tpu.memory_space<vmem>> -> memref<64x64xf32, #tpu.memory_space<vmem>>
    %dma_wait3A_88 = arith.constant 0 : i32
    %dma_wait3A_89 = arith.constant 64 : i32
    %dma_wait3A_90 = tpu.memref_slice %arg4[%dma_wait3A_83, %add3A, %dma_wait3A_88, %dma_wait3A_89] : memref<200x32x64x128xf32, #tpu.memory_space<hbm>> -> memref<1x1x64x64xf32, #tpu.memory_space<hbm>>
    %dma_wait3A_91 = tpu.memref_squeeze %dma_wait3A_90 : memref<1x1x64x64xf32, #tpu.memory_space<hbm>> -> memref<64x64xf32, #tpu.memory_space<hbm>>
    %dma_wait3A_92 = arith.constant 0 : i32
    %dma_wait3A_93 = arith.constant 64 : i32
    %dma_wait3A_94 = tpu.memref_slice %arg4[%dma_wait3A_83, %add3A, %dma_wait3A_92, %dma_wait3A_93] : memref<200x32x64x128xf32, #tpu.memory_space<hbm>> -> memref<1x1x64x64xf32, #tpu.memory_space<hbm>>
    %dma_wait3A_95 = tpu.memref_squeeze %dma_wait3A_94 : memref<1x1x64x64xf32, #tpu.memory_space<hbm>> -> memref<64x64xf32, #tpu.memory_space<hbm>>
    %dma_wait3A_96 = arith.constant 0 : i32
    %dma_wait3A_97 = arith.constant 0 : i32
    %dma_wait3A_98 = tpu.memref_slice %arg6[%dma_wait3A_81, %dma_wait3A_82, %dma_wait3A_96, %dma_wait3A_97] : memref<4x2x64x64xf32, #tpu.memory_space<vmem>> -> memref<1x1x64x64xf32, #tpu.memory_space<vmem>>
    %dma_wait3A_99 = tpu.memref_squeeze %dma_wait3A_98 : memref<1x1x64x64xf32, #tpu.memory_space<vmem>> -> memref<64x64xf32, #tpu.memory_space<vmem>>
    tpu.wait_dma2 semaphore(%arg11 : memref<!tpu.dma_semaphore, #tpu.memory_space<semaphore_mem>>) src(%dma_wait3A_99 : memref<64x64xf32, #tpu.memory_space<vmem>>) dst(%dma_wait3A_95 : memref<64x64xf32, #tpu.memory_space<hbm>>)
    %dma_wait3A_100 = arith.constant 1 : i32
    %dma_wait3A_101 = arith.constant 0 : i32
    %dma_wait3A_102 = arith.constant 197 : i32
    %dma_wait3A_103 = arith.constant 0 : i32
    %dma_wait3A_104 = arith.constant 0 : i32
    %dma_wait3A_105 = tpu.memref_slice %arg6[%dma_wait3A_100, %dma_wait3A_101, %dma_wait3A_103, %dma_wait3A_104] : memref<4x2x64x64xf32, #tpu.memory_space<vmem>> -> memref<1x1x64x64xf32, #tpu.memory_space<vmem>>
    %dma_wait3A_106 = tpu.memref_squeeze %dma_wait3A_105 : memref<1x1x64x64xf32, #tpu.memory_space<vmem>> -> memref<64x64xf32, #tpu.memory_space<vmem>>
    %dma_wait3A_107 = arith.constant 0 : i32
    %dma_wait3A_108 = arith.constant 0 : i32
    %dma_wait3A_109 = tpu.memref_slice %arg4[%dma_wait3A_102, %add3A, %dma_wait3A_107, %dma_wait3A_108] : memref<200x32x64x128xf32, #tpu.memory_space<hbm>> -> memref<1x1x64x64xf32, #tpu.memory_space<hbm>>
    %dma_wait3A_110 = tpu.memref_squeeze %dma_wait3A_109 : memref<1x1x64x64xf32, #tpu.memory_space<hbm>> -> memref<64x64xf32, #tpu.memory_space<hbm>>
    %dma_wait3A_111 = arith.constant 0 : i32
    %dma_wait3A_112 = arith.constant 0 : i32
    %dma_wait3A_113 = tpu.memref_slice %arg4[%dma_wait3A_102, %add3A, %dma_wait3A_111, %dma_wait3A_112] : memref<200x32x64x128xf32, #tpu.memory_space<hbm>> -> memref<1x1x64x64xf32, #tpu.memory_space<hbm>>
    %dma_wait3A_114 = tpu.memref_squeeze %dma_wait3A_113 : memref<1x1x64x64xf32, #tpu.memory_space<hbm>> -> memref<64x64xf32, #tpu.memory_space<hbm>>
    %dma_wait3A_115 = arith.constant 0 : i32
    %dma_wait3A_116 = arith.constant 0 : i32
    %dma_wait3A_117 = tpu.memref_slice %arg6[%dma_wait3A_100, %dma_wait3A_101, %dma_wait3A_115, %dma_wait3A_116] : memref<4x2x64x64xf32, #tpu.memory_space<vmem>> -> memref<1x1x64x64xf32, #tpu.memory_space<vmem>>
    %dma_wait3A_118 = tpu.memref_squeeze %dma_wait3A_117 : memref<1x1x64x64xf32, #tpu.memory_space<vmem>> -> memref<64x64xf32, #tpu.memory_space<vmem>>
    tpu.wait_dma2 semaphore(%arg12 : memref<!tpu.dma_semaphore, #tpu.memory_space<semaphore_mem>>) src(%dma_wait3A_118 : memref<64x64xf32, #tpu.memory_space<vmem>>) dst(%dma_wait3A_114 : memref<64x64xf32, #tpu.memory_space<hbm>>)
    %dma_wait3A_119 = arith.constant 1 : i32
    %dma_wait3A_120 = arith.constant 1 : i32
    %dma_wait3A_121 = arith.constant 197 : i32
    %dma_wait3A_122 = arith.constant 0 : i32
    %dma_wait3A_123 = arith.constant 0 : i32
    %dma_wait3A_124 = tpu.memref_slice %arg6[%dma_wait3A_119, %dma_wait3A_120, %dma_wait3A_122, %dma_wait3A_123] : memref<4x2x64x64xf32, #tpu.memory_space<vmem>> -> memref<1x1x64x64xf32, #tpu.memory_space<vmem>>
    %dma_wait3A_125 = tpu.memref_squeeze %dma_wait3A_124 : memref<1x1x64x64xf32, #tpu.memory_space<vmem>> -> memref<64x64xf32, #tpu.memory_space<vmem>>
    %dma_wait3A_126 = arith.constant 0 : i32
    %dma_wait3A_127 = arith.constant 64 : i32
    %dma_wait3A_128 = tpu.memref_slice %arg4[%dma_wait3A_121, %add3A, %dma_wait3A_126, %dma_wait3A_127] : memref<200x32x64x128xf32, #tpu.memory_space<hbm>> -> memref<1x1x64x64xf32, #tpu.memory_space<hbm>>
    %dma_wait3A_129 = tpu.memref_squeeze %dma_wait3A_128 : memref<1x1x64x64xf32, #tpu.memory_space<hbm>> -> memref<64x64xf32, #tpu.memory_space<hbm>>
    %dma_wait3A_130 = arith.constant 0 : i32
    %dma_wait3A_131 = arith.constant 64 : i32
    %dma_wait3A_132 = tpu.memref_slice %arg4[%dma_wait3A_121, %add3A, %dma_wait3A_130, %dma_wait3A_131] : memref<200x32x64x128xf32, #tpu.memory_space<hbm>> -> memref<1x1x64x64xf32, #tpu.memory_space<hbm>>
    %dma_wait3A_133 = tpu.memref_squeeze %dma_wait3A_132 : memref<1x1x64x64xf32, #tpu.memory_space<hbm>> -> memref<64x64xf32, #tpu.memory_space<hbm>>
    %dma_wait3A_134 = arith.constant 0 : i32
    %dma_wait3A_135 = arith.constant 0 : i32
    %dma_wait3A_136 = tpu.memref_slice %arg6[%dma_wait3A_119, %dma_wait3A_120, %dma_wait3A_134, %dma_wait3A_135] : memref<4x2x64x64xf32, #tpu.memory_space<vmem>> -> memref<1x1x64x64xf32, #tpu.memory_space<vmem>>
    %dma_wait3A_137 = tpu.memref_squeeze %dma_wait3A_136 : memref<1x1x64x64xf32, #tpu.memory_space<vmem>> -> memref<64x64xf32, #tpu.memory_space<vmem>>
    tpu.wait_dma2 semaphore(%arg12 : memref<!tpu.dma_semaphore, #tpu.memory_space<semaphore_mem>>) src(%dma_wait3A_137 : memref<64x64xf32, #tpu.memory_space<vmem>>) dst(%dma_wait3A_133 : memref<64x64xf32, #tpu.memory_space<hbm>>)
    %dma_wait3A_138 = arith.constant 2 : i32
    %dma_wait3A_139 = arith.constant 0 : i32
    %dma_wait3A_140 = arith.constant 198 : i32
    %dma_wait3A_141 = arith.constant 0 : i32
    %dma_wait3A_142 = arith.constant 0 : i32
    %dma_wait3A_143 = tpu.memref_slice %arg6[%dma_wait3A_138, %dma_wait3A_139, %dma_wait3A_141, %dma_wait3A_142] : memref<4x2x64x64xf32, #tpu.memory_space<vmem>> -> memref<1x1x64x64xf32, #tpu.memory_space<vmem>>
    %dma_wait3A_144 = tpu.memref_squeeze %dma_wait3A_143 : memref<1x1x64x64xf32, #tpu.memory_space<vmem>> -> memref<64x64xf32, #tpu.memory_space<vmem>>
    %dma_wait3A_145 = arith.constant 0 : i32
    %dma_wait3A_146 = arith.constant 0 : i32
    %dma_wait3A_147 = tpu.memref_slice %arg4[%dma_wait3A_140, %add3A, %dma_wait3A_145, %dma_wait3A_146] : memref<200x32x64x128xf32, #tpu.memory_space<hbm>> -> memref<1x1x64x64xf32, #tpu.memory_space<hbm>>
    %dma_wait3A_148 = tpu.memref_squeeze %dma_wait3A_147 : memref<1x1x64x64xf32, #tpu.memory_space<hbm>> -> memref<64x64xf32, #tpu.memory_space<hbm>>
    %dma_wait3A_149 = arith.constant 0 : i32
    %dma_wait3A_150 = arith.constant 0 : i32
    %dma_wait3A_151 = tpu.memref_slice %arg4[%dma_wait3A_140, %add3A, %dma_wait3A_149, %dma_wait3A_150] : memref<200x32x64x128xf32, #tpu.memory_space<hbm>> -> memref<1x1x64x64xf32, #tpu.memory_space<hbm>>
    %dma_wait3A_152 = tpu.memref_squeeze %dma_wait3A_151 : memref<1x1x64x64xf32, #tpu.memory_space<hbm>> -> memref<64x64xf32, #tpu.memory_space<hbm>>
    %dma_wait3A_153 = arith.constant 0 : i32
    %dma_wait3A_154 = arith.constant 0 : i32
    %dma_wait3A_155 = tpu.memref_slice %arg6[%dma_wait3A_138, %dma_wait3A_139, %dma_wait3A_153, %dma_wait3A_154] : memref<4x2x64x64xf32, #tpu.memory_space<vmem>> -> memref<1x1x64x64xf32, #tpu.memory_space<vmem>>
    %dma_wait3A_156 = tpu.memref_squeeze %dma_wait3A_155 : memref<1x1x64x64xf32, #tpu.memory_space<vmem>> -> memref<64x64xf32, #tpu.memory_space<vmem>>
    tpu.wait_dma2 semaphore(%arg13 : memref<!tpu.dma_semaphore, #tpu.memory_space<semaphore_mem>>) src(%dma_wait3A_156 : memref<64x64xf32, #tpu.memory_space<vmem>>) dst(%dma_wait3A_152 : memref<64x64xf32, #tpu.memory_space<hbm>>)
    %dma_wait3A_157 = arith.constant 2 : i32
    %dma_wait3A_158 = arith.constant 1 : i32
    %dma_wait3A_159 = arith.constant 198 : i32
    %dma_wait3A_160 = arith.constant 0 : i32
    %dma_wait3A_161 = arith.constant 0 : i32
    %dma_wait3A_162 = tpu.memref_slice %arg6[%dma_wait3A_157, %dma_wait3A_158, %dma_wait3A_160, %dma_wait3A_161] : memref<4x2x64x64xf32, #tpu.memory_space<vmem>> -> memref<1x1x64x64xf32, #tpu.memory_space<vmem>>
    %dma_wait3A_163 = tpu.memref_squeeze %dma_wait3A_162 : memref<1x1x64x64xf32, #tpu.memory_space<vmem>> -> memref<64x64xf32, #tpu.memory_space<vmem>>
    %dma_wait3A_164 = arith.constant 0 : i32
    %dma_wait3A_165 = arith.constant 64 : i32
    %dma_wait3A_166 = tpu.memref_slice %arg4[%dma_wait3A_159, %add3A, %dma_wait3A_164, %dma_wait3A_165] : memref<200x32x64x128xf32, #tpu.memory_space<hbm>> -> memref<1x1x64x64xf32, #tpu.memory_space<hbm>>
    %dma_wait3A_167 = tpu.memref_squeeze %dma_wait3A_166 : memref<1x1x64x64xf32, #tpu.memory_space<hbm>> -> memref<64x64xf32, #tpu.memory_space<hbm>>
    %dma_wait3A_168 = arith.constant 0 : i32
    %dma_wait3A_169 = arith.constant 64 : i32
    %dma_wait3A_170 = tpu.memref_slice %arg4[%dma_wait3A_159, %add3A, %dma_wait3A_168, %dma_wait3A_169] : memref<200x32x64x128xf32, #tpu.memory_space<hbm>> -> memref<1x1x64x64xf32, #tpu.memory_space<hbm>>
    %dma_wait3A_171 = tpu.memref_squeeze %dma_wait3A_170 : memref<1x1x64x64xf32, #tpu.memory_space<hbm>> -> memref<64x64xf32, #tpu.memory_space<hbm>>
    %dma_wait3A_172 = arith.constant 0 : i32
    %dma_wait3A_173 = arith.constant 0 : i32
    %dma_wait3A_174 = tpu.memref_slice %arg6[%dma_wait3A_157, %dma_wait3A_158, %dma_wait3A_172, %dma_wait3A_173] : memref<4x2x64x64xf32, #tpu.memory_space<vmem>> -> memref<1x1x64x64xf32, #tpu.memory_space<vmem>>
    %dma_wait3A_175 = tpu.memref_squeeze %dma_wait3A_174 : memref<1x1x64x64xf32, #tpu.memory_space<vmem>> -> memref<64x64xf32, #tpu.memory_space<vmem>>
    tpu.wait_dma2 semaphore(%arg13 : memref<!tpu.dma_semaphore, #tpu.memory_space<semaphore_mem>>) src(%dma_wait3A_175 : memref<64x64xf32, #tpu.memory_space<vmem>>) dst(%dma_wait3A_171 : memref<64x64xf32, #tpu.memory_space<hbm>>)
    %dma_wait3A_176 = arith.constant 3 : i32
    %dma_wait3A_177 = arith.constant 0 : i32
    %dma_wait3A_178 = arith.constant 199 : i32
    %dma_wait3A_179 = arith.constant 0 : i32
    %dma_wait3A_180 = arith.constant 0 : i32
    %dma_wait3A_181 = tpu.memref_slice %arg6[%dma_wait3A_176, %dma_wait3A_177, %dma_wait3A_179, %dma_wait3A_180] : memref<4x2x64x64xf32, #tpu.memory_space<vmem>> -> memref<1x1x64x64xf32, #tpu.memory_space<vmem>>
    %dma_wait3A_182 = tpu.memref_squeeze %dma_wait3A_181 : memref<1x1x64x64xf32, #tpu.memory_space<vmem>> -> memref<64x64xf32, #tpu.memory_space<vmem>>
    %dma_wait3A_183 = arith.constant 0 : i32
    %dma_wait3A_184 = arith.constant 0 : i32
    %dma_wait3A_185 = tpu.memref_slice %arg4[%dma_wait3A_178, %add3A, %dma_wait3A_183, %dma_wait3A_184] : memref<200x32x64x128xf32, #tpu.memory_space<hbm>> -> memref<1x1x64x64xf32, #tpu.memory_space<hbm>>
    %dma_wait3A_186 = tpu.memref_squeeze %dma_wait3A_185 : memref<1x1x64x64xf32, #tpu.memory_space<hbm>> -> memref<64x64xf32, #tpu.memory_space<hbm>>
    %dma_wait3A_187 = arith.constant 0 : i32
    %dma_wait3A_188 = arith.constant 0 : i32
    %dma_wait3A_189 = tpu.memref_slice %arg4[%dma_wait3A_178, %add3A, %dma_wait3A_187, %dma_wait3A_188] : memref<200x32x64x128xf32, #tpu.memory_space<hbm>> -> memref<1x1x64x64xf32, #tpu.memory_space<hbm>>
    %dma_wait3A_190 = tpu.memref_squeeze %dma_wait3A_189 : memref<1x1x64x64xf32, #tpu.memory_space<hbm>> -> memref<64x64xf32, #tpu.memory_space<hbm>>
    %dma_wait3A_191 = arith.constant 0 : i32
    %dma_wait3A_192 = arith.constant 0 : i32
    %dma_wait3A_193 = tpu.memref_slice %arg6[%dma_wait3A_176, %dma_wait3A_177, %dma_wait3A_191, %dma_wait3A_192] : memref<4x2x64x64xf32, #tpu.memory_space<vmem>> -> memref<1x1x64x64xf32, #tpu.memory_space<vmem>>
    %dma_wait3A_194 = tpu.memref_squeeze %dma_wait3A_193 : memref<1x1x64x64xf32, #tpu.memory_space<vmem>> -> memref<64x64xf32, #tpu.memory_space<vmem>>
    tpu.wait_dma2 semaphore(%arg14 : memref<!tpu.dma_semaphore, #tpu.memory_space<semaphore_mem>>) src(%dma_wait3A_194 : memref<64x64xf32, #tpu.memory_space<vmem>>) dst(%dma_wait3A_190 : memref<64x64xf32, #tpu.memory_space<hbm>>)
    %dma_wait3A_195 = arith.constant 3 : i32
    %dma_wait3A_196 = arith.constant 1 : i32
    %dma_wait3A_197 = arith.constant 199 : i32
    %dma_wait3A_198 = arith.constant 0 : i32
    %dma_wait3A_199 = arith.constant 0 : i32
    %dma_wait3A_200 = tpu.memref_slice %arg6[%dma_wait3A_195, %dma_wait3A_196, %dma_wait3A_198, %dma_wait3A_199] : memref<4x2x64x64xf32, #tpu.memory_space<vmem>> -> memref<1x1x64x64xf32, #tpu.memory_space<vmem>>
    %dma_wait3A_201 = tpu.memref_squeeze %dma_wait3A_200 : memref<1x1x64x64xf32, #tpu.memory_space<vmem>> -> memref<64x64xf32, #tpu.memory_space<vmem>>
    %dma_wait3A_202 = arith.constant 0 : i32
    %dma_wait3A_203 = arith.constant 64 : i32
    %dma_wait3A_204 = tpu.memref_slice %arg4[%dma_wait3A_197, %add3A, %dma_wait3A_202, %dma_wait3A_203] : memref<200x32x64x128xf32, #tpu.memory_space<hbm>> -> memref<1x1x64x64xf32, #tpu.memory_space<hbm>>
    %dma_wait3A_205 = tpu.memref_squeeze %dma_wait3A_204 : memref<1x1x64x64xf32, #tpu.memory_space<hbm>> -> memref<64x64xf32, #tpu.memory_space<hbm>>
    %dma_wait3A_206 = arith.constant 0 : i32
    %dma_wait3A_207 = arith.constant 64 : i32
    %dma_wait3A_208 = tpu.memref_slice %arg4[%dma_wait3A_197, %add3A, %dma_wait3A_206, %dma_wait3A_207] : memref<200x32x64x128xf32, #tpu.memory_space<hbm>> -> memref<1x1x64x64xf32, #tpu.memory_space<hbm>>
    %dma_wait3A_209 = tpu.memref_squeeze %dma_wait3A_208 : memref<1x1x64x64xf32, #tpu.memory_space<hbm>> -> memref<64x64xf32, #tpu.memory_space<hbm>>
    %dma_wait3A_210 = arith.constant 0 : i32
    %dma_wait3A_211 = arith.constant 0 : i32
    %dma_wait3A_212 = tpu.memref_slice %arg6[%dma_wait3A_195, %dma_wait3A_196, %dma_wait3A_210, %dma_wait3A_211] : memref<4x2x64x64xf32, #tpu.memory_space<vmem>> -> memref<1x1x64x64xf32, #tpu.memory_space<vmem>>
    %dma_wait3A_213 = tpu.memref_squeeze %dma_wait3A_212 : memref<1x1x64x64xf32, #tpu.memory_space<vmem>> -> memref<64x64xf32, #tpu.memory_space<vmem>>
    tpu.wait_dma2 semaphore(%arg14 : memref<!tpu.dma_semaphore, #tpu.memory_space<semaphore_mem>>) src(%dma_wait3A_213 : memref<64x64xf32, #tpu.memory_space<vmem>>) dst(%dma_wait3A_209 : memref<64x64xf32, #tpu.memory_space<hbm>>)
    return
  }
}

module attributes {stable_mosaic.version = 14 : i64} {
  func.func @_detile_kernel(%arg0: i32, %arg1: memref<64x2048xf32, #tpu.memory_space<vmem>>, %arg2: memref<64x2048xf32, #tpu.memory_space<vmem>>, %arg3: memref<2048x128xf32, #tpu.memory_space<vmem>>) attributes {dimension_semantics = [#tpu.dimension_semantics<arbitrary>], iteration_bounds = array<i64: 245>, scalar_prefetch = 0 : i64, scratch_operands = 0 : i64, tpu.core_type = #tpu.core_type<tc>, window_params = [{transform_indices = @transform_0, window_bounds = array<i64: 64, 2048>}, {transform_indices = @transform_1, window_bounds = array<i64: 64, 2048>}, {transform_indices = @transform_2, window_bounds = array<i64: 2048, 128>}]} {
    %get3A = arith.constant 0 : index
    %get3A_0 = arith.constant 0 : index
    %get3A_1 = vector.load %arg1[%get3A, %get3A_0] : memref<64x2048xf32, #tpu.memory_space<vmem>>, vector<64x2048xf32>
    %transpose3A = tpu.transpose %get3A_1, [1, 0] : vector<64x2048xf32> -> vector<2048x64xf32>
    %swap3A = arith.constant 0 : index
    %swap3A_2 = arith.constant 0 : index
    %swap3A_3 = vector.load %arg3[%swap3A, %swap3A_2] : memref<2048x128xf32, #tpu.memory_space<vmem>>, vector<2048x64xf32>
    tpu.vector_store %arg3[%swap3A, %swap3A_2], %transpose3A {strides = array<i32>} : memref<2048x128xf32, #tpu.memory_space<vmem>>, vector<2048x64xf32>,
    %get3A_4 = arith.constant 0 : index
    %get3A_5 = arith.constant 0 : index
    %get3A_6 = vector.load %arg2[%get3A_4, %get3A_5] : memref<64x2048xf32, #tpu.memory_space<vmem>>, vector<64x2048xf32>
    %transpose3A_7 = tpu.transpose %get3A_6, [1, 0] : vector<64x2048xf32> -> vector<2048x64xf32>
    %swap3A_8 = arith.constant 0 : index
    %swap3A_9 = arith.constant 64 : index
    %swap3A_10 = vector.load %arg3[%swap3A_8, %swap3A_9] : memref<2048x128xf32, #tpu.memory_space<vmem>>, vector<2048x64xf32>
    tpu.vector_store %arg3[%swap3A_8, %swap3A_9], %transpose3A_7 {strides = array<i32>} : memref<2048x128xf32, #tpu.memory_space<vmem>>, vector<2048x64xf32>,
    return
  }
  func.func @transform_0(%arg0: i32) -> (i32, i32) {
    %c0_i32 = arith.constant 0 : i32
    %c0_i32_0 = arith.constant 0 : i32
    return %c0_i32, %arg0 : i32, i32
  }
  func.func @transform_1(%arg0: i32) -> (i32, i32) {
    %add3A = arith.constant 244 : i32
    %add3A_0 = arith.addi %arg0, %add3A : i32
    %c0_i32 = arith.constant 0 : i32
    %c0_i32_1 = arith.constant 0 : i32
    return %c0_i32, %add3A_0 : i32, i32
  }
  func.func @transform_2(%arg0: i32) -> (i32, i32) {
    %c0_i32 = arith.constant 0 : i32
    %c0_i32_0 = arith.constant 0 : i32
    return %arg0, %c0_i32 : i32, i32
  }
}

module attributes {stable_mosaic.version = 14 : i64} {
  func.func @_fmt_kernel(%arg0: i32, %arg1: memref<1x32x64x128xf32, #tpu.memory_space<vmem>>, %arg2: memref<1x8x32x8x128xf32, #tpu.memory_space<vmem>>) attributes {dimension_semantics = [#tpu.dimension_semantics<arbitrary>], iteration_bounds = array<i64: 200>, scalar_prefetch = 0 : i64, scratch_operands = 0 : i64, tpu.core_type = #tpu.core_type<tc>, window_params = [{transform_indices = @transform_0, window_bounds = array<i64: 1, 32, 64, 128>}, {transform_indices = @transform_1, window_bounds = array<i64: 1, 8, 32, 8, 128>}]} {
    %get3A = arith.constant 0 : index
    %get3A_0 = arith.constant 0 : index
    %get3A_1 = arith.constant 0 : index
    %get3A_2 = arith.constant 0 : index
    %get3A_3 = vector.load %arg1[%get3A, %get3A_0, %get3A_1, %get3A_2] : memref<1x32x64x128xf32, #tpu.memory_space<vmem>>, vector<1x1x64x128xf32>
    %get3A_4 = vector.shape_cast %get3A_3 : vector<1x1x64x128xf32> to vector<64x128xf32>
    %slice3A = vector.extract_strided_slice %get3A_4 {offsets = [0, 0], sizes = [64, 64], strides = [1, 1]} : vector<64x128xf32> to vector<64x64xf32>
    %transpose3A = tpu.transpose %slice3A, [1, 0] : vector<64x64xf32> -> vector<64x64xf32>
    %reshape3A = vector.shape_cast %transpose3A : vector<64x64xf32> to vector<8x8x64xf32>
    %swap3A = arith.constant 0 : index
    %swap3A_5 = arith.constant 0 : index
    %swap3A_6 = arith.constant 0 : index
    %swap3A_7 = arith.constant 0 : index
    %swap3A_8 = arith.constant 0 : index
    %swap3A_9 = vector.load %arg2[%swap3A, %swap3A_5, %swap3A_6, %swap3A_7, %swap3A_8] : memref<1x8x32x8x128xf32, #tpu.memory_space<vmem>>, vector<1x8x1x8x64xf32>
    %swap3A_10 = vector.shape_cast %swap3A_9 : vector<1x8x1x8x64xf32> to vector<8x8x64xf32>
    %swap3A_11 = vector.shape_cast %reshape3A : vector<8x8x64xf32> to vector<1x8x1x8x64xf32>
    tpu.vector_store %arg2[%swap3A, %swap3A_5, %swap3A_6, %swap3A_7, %swap3A_8], %swap3A_11 {strides = array<i32>} : memref<1x8x32x8x128xf32, #tpu.memory_space<vmem>>, vector<1x8x1x8x64xf32>,
    %slice3A_12 = vector.extract_strided_slice %get3A_4 {offsets = [0, 64], sizes = [64, 64], strides = [1, 1]} : vector<64x128xf32> to vector<64x64xf32>
    %transpose3A_13 = tpu.transpose %slice3A_12, [1, 0] : vector<64x64xf32> -> vector<64x64xf32>
    %reshape3A_14 = vector.shape_cast %transpose3A_13 : vector<64x64xf32> to vector<8x8x64xf32>
    %swap3A_15 = arith.constant 0 : index
    %swap3A_16 = arith.constant 0 : index
    %swap3A_17 = arith.constant 0 : index
    %swap3A_18 = arith.constant 0 : index
    %swap3A_19 = arith.constant 64 : index
    %swap3A_20 = vector.load %arg2[%swap3A_15, %swap3A_16, %swap3A_17, %swap3A_18, %swap3A_19] : memref<1x8x32x8x128xf32, #tpu.memory_space<vmem>>, vector<1x8x1x8x64xf32>
    %swap3A_21 = vector.shape_cast %swap3A_20 : vector<1x8x1x8x64xf32> to vector<8x8x64xf32>
    %swap3A_22 = vector.shape_cast %reshape3A_14 : vector<8x8x64xf32> to vector<1x8x1x8x64xf32>
    tpu.vector_store %arg2[%swap3A_15, %swap3A_16, %swap3A_17, %swap3A_18, %swap3A_19], %swap3A_22 {strides = array<i32>} : memref<1x8x32x8x128xf32, #tpu.memory_space<vmem>>, vector<1x8x1x8x64xf32>,
    %get3A_23 = arith.constant 0 : index
    %get3A_24 = arith.constant 1 : index
    %get3A_25 = arith.constant 0 : index
    %get3A_26 = arith.constant 0 : index
    %get3A_27 = vector.load %arg1[%get3A_23, %get3A_24, %get3A_25, %get3A_26] : memref<1x32x64x128xf32, #tpu.memory_space<vmem>>, vector<1x1x64x128xf32>
    %get3A_28 = vector.shape_cast %get3A_27 : vector<1x1x64x128xf32> to vector<64x128xf32>
    %slice3A_29 = vector.extract_strided_slice %get3A_28 {offsets = [0, 0], sizes = [64, 64], strides = [1, 1]} : vector<64x128xf32> to vector<64x64xf32>
    %transpose3A_30 = tpu.transpose %slice3A_29, [1, 0] : vector<64x64xf32> -> vector<64x64xf32>
    %reshape3A_31 = vector.shape_cast %transpose3A_30 : vector<64x64xf32> to vector<8x8x64xf32>
    %swap3A_32 = arith.constant 0 : index
    %swap3A_33 = arith.constant 0 : index
    %swap3A_34 = arith.constant 1 : index
    %swap3A_35 = arith.constant 0 : index
    %swap3A_36 = arith.constant 0 : index
    %swap3A_37 = vector.load %arg2[%swap3A_32, %swap3A_33, %swap3A_34, %swap3A_35, %swap3A_36] : memref<1x8x32x8x128xf32, #tpu.memory_space<vmem>>, vector<1x8x1x8x64xf32>
    %swap3A_38 = vector.shape_cast %swap3A_37 : vector<1x8x1x8x64xf32> to vector<8x8x64xf32>
    %swap3A_39 = vector.shape_cast %reshape3A_31 : vector<8x8x64xf32> to vector<1x8x1x8x64xf32>
    tpu.vector_store %arg2[%swap3A_32, %swap3A_33, %swap3A_34, %swap3A_35, %swap3A_36], %swap3A_39 {strides = array<i32>} : memref<1x8x32x8x128xf32, #tpu.memory_space<vmem>>, vector<1x8x1x8x64xf32>,
    %slice3A_40 = vector.extract_strided_slice %get3A_28 {offsets = [0, 64], sizes = [64, 64], strides = [1, 1]} : vector<64x128xf32> to vector<64x64xf32>
    %transpose3A_41 = tpu.transpose %slice3A_40, [1, 0] : vector<64x64xf32> -> vector<64x64xf32>
    %reshape3A_42 = vector.shape_cast %transpose3A_41 : vector<64x64xf32> to vector<8x8x64xf32>
    %swap3A_43 = arith.constant 0 : index
    %swap3A_44 = arith.constant 0 : index
    %swap3A_45 = arith.constant 1 : index
    %swap3A_46 = arith.constant 0 : index
    %swap3A_47 = arith.constant 64 : index
    %swap3A_48 = vector.load %arg2[%swap3A_43, %swap3A_44, %swap3A_45, %swap3A_46, %swap3A_47] : memref<1x8x32x8x128xf32, #tpu.memory_space<vmem>>, vector<1x8x1x8x64xf32>
    %swap3A_49 = vector.shape_cast %swap3A_48 : vector<1x8x1x8x64xf32> to vector<8x8x64xf32>
    %swap3A_50 = vector.shape_cast %reshape3A_42 : vector<8x8x64xf32> to vector<1x8x1x8x64xf32>
    tpu.vector_store %arg2[%swap3A_43, %swap3A_44, %swap3A_45, %swap3A_46, %swap3A_47], %swap3A_50 {strides = array<i32>} : memref<1x8x32x8x128xf32, #tpu.memory_space<vmem>>, vector<1x8x1x8x64xf32>,
    %get3A_51 = arith.constant 0 : index
    %get3A_52 = arith.constant 2 : index
    %get3A_53 = arith.constant 0 : index
    %get3A_54 = arith.constant 0 : index
    %get3A_55 = vector.load %arg1[%get3A_51, %get3A_52, %get3A_53, %get3A_54] : memref<1x32x64x128xf32, #tpu.memory_space<vmem>>, vector<1x1x64x128xf32>
    %get3A_56 = vector.shape_cast %get3A_55 : vector<1x1x64x128xf32> to vector<64x128xf32>
    %slice3A_57 = vector.extract_strided_slice %get3A_56 {offsets = [0, 0], sizes = [64, 64], strides = [1, 1]} : vector<64x128xf32> to vector<64x64xf32>
    %transpose3A_58 = tpu.transpose %slice3A_57, [1, 0] : vector<64x64xf32> -> vector<64x64xf32>
    %reshape3A_59 = vector.shape_cast %transpose3A_58 : vector<64x64xf32> to vector<8x8x64xf32>
    %swap3A_60 = arith.constant 0 : index
    %swap3A_61 = arith.constant 0 : index
    %swap3A_62 = arith.constant 2 : index
    %swap3A_63 = arith.constant 0 : index
    %swap3A_64 = arith.constant 0 : index
    %swap3A_65 = vector.load %arg2[%swap3A_60, %swap3A_61, %swap3A_62, %swap3A_63, %swap3A_64] : memref<1x8x32x8x128xf32, #tpu.memory_space<vmem>>, vector<1x8x1x8x64xf32>
    %swap3A_66 = vector.shape_cast %swap3A_65 : vector<1x8x1x8x64xf32> to vector<8x8x64xf32>
    %swap3A_67 = vector.shape_cast %reshape3A_59 : vector<8x8x64xf32> to vector<1x8x1x8x64xf32>
    tpu.vector_store %arg2[%swap3A_60, %swap3A_61, %swap3A_62, %swap3A_63, %swap3A_64], %swap3A_67 {strides = array<i32>} : memref<1x8x32x8x128xf32, #tpu.memory_space<vmem>>, vector<1x8x1x8x64xf32>,
    %slice3A_68 = vector.extract_strided_slice %get3A_56 {offsets = [0, 64], sizes = [64, 64], strides = [1, 1]} : vector<64x128xf32> to vector<64x64xf32>
    %transpose3A_69 = tpu.transpose %slice3A_68, [1, 0] : vector<64x64xf32> -> vector<64x64xf32>
    %reshape3A_70 = vector.shape_cast %transpose3A_69 : vector<64x64xf32> to vector<8x8x64xf32>
    %swap3A_71 = arith.constant 0 : index
    %swap3A_72 = arith.constant 0 : index
    %swap3A_73 = arith.constant 2 : index
    %swap3A_74 = arith.constant 0 : index
    %swap3A_75 = arith.constant 64 : index
    %swap3A_76 = vector.load %arg2[%swap3A_71, %swap3A_72, %swap3A_73, %swap3A_74, %swap3A_75] : memref<1x8x32x8x128xf32, #tpu.memory_space<vmem>>, vector<1x8x1x8x64xf32>
    %swap3A_77 = vector.shape_cast %swap3A_76 : vector<1x8x1x8x64xf32> to vector<8x8x64xf32>
    %swap3A_78 = vector.shape_cast %reshape3A_70 : vector<8x8x64xf32> to vector<1x8x1x8x64xf32>
    tpu.vector_store %arg2[%swap3A_71, %swap3A_72, %swap3A_73, %swap3A_74, %swap3A_75], %swap3A_78 {strides = array<i32>} : memref<1x8x32x8x128xf32, #tpu.memory_space<vmem>>, vector<1x8x1x8x64xf32>,
    %get3A_79 = arith.constant 0 : index
    %get3A_80 = arith.constant 3 : index
    %get3A_81 = arith.constant 0 : index
    %get3A_82 = arith.constant 0 : index
    %get3A_83 = vector.load %arg1[%get3A_79, %get3A_80, %get3A_81, %get3A_82] : memref<1x32x64x128xf32, #tpu.memory_space<vmem>>, vector<1x1x64x128xf32>
    %get3A_84 = vector.shape_cast %get3A_83 : vector<1x1x64x128xf32> to vector<64x128xf32>
    %slice3A_85 = vector.extract_strided_slice %get3A_84 {offsets = [0, 0], sizes = [64, 64], strides = [1, 1]} : vector<64x128xf32> to vector<64x64xf32>
    %transpose3A_86 = tpu.transpose %slice3A_85, [1, 0] : vector<64x64xf32> -> vector<64x64xf32>
    %reshape3A_87 = vector.shape_cast %transpose3A_86 : vector<64x64xf32> to vector<8x8x64xf32>
    %swap3A_88 = arith.constant 0 : index
    %swap3A_89 = arith.constant 0 : index
    %swap3A_90 = arith.constant 3 : index
    %swap3A_91 = arith.constant 0 : index
    %swap3A_92 = arith.constant 0 : index
    %swap3A_93 = vector.load %arg2[%swap3A_88, %swap3A_89, %swap3A_90, %swap3A_91, %swap3A_92] : memref<1x8x32x8x128xf32, #tpu.memory_space<vmem>>, vector<1x8x1x8x64xf32>
    %swap3A_94 = vector.shape_cast %swap3A_93 : vector<1x8x1x8x64xf32> to vector<8x8x64xf32>
    %swap3A_95 = vector.shape_cast %reshape3A_87 : vector<8x8x64xf32> to vector<1x8x1x8x64xf32>
    tpu.vector_store %arg2[%swap3A_88, %swap3A_89, %swap3A_90, %swap3A_91, %swap3A_92], %swap3A_95 {strides = array<i32>} : memref<1x8x32x8x128xf32, #tpu.memory_space<vmem>>, vector<1x8x1x8x64xf32>,
    %slice3A_96 = vector.extract_strided_slice %get3A_84 {offsets = [0, 64], sizes = [64, 64], strides = [1, 1]} : vector<64x128xf32> to vector<64x64xf32>
    %transpose3A_97 = tpu.transpose %slice3A_96, [1, 0] : vector<64x64xf32> -> vector<64x64xf32>
    %reshape3A_98 = vector.shape_cast %transpose3A_97 : vector<64x64xf32> to vector<8x8x64xf32>
    %swap3A_99 = arith.constant 0 : index
    %swap3A_100 = arith.constant 0 : index
    %swap3A_101 = arith.constant 3 : index
    %swap3A_102 = arith.constant 0 : index
    %swap3A_103 = arith.constant 64 : index
    %swap3A_104 = vector.load %arg2[%swap3A_99, %swap3A_100, %swap3A_101, %swap3A_102, %swap3A_103] : memref<1x8x32x8x128xf32, #tpu.memory_space<vmem>>, vector<1x8x1x8x64xf32>
    %swap3A_105 = vector.shape_cast %swap3A_104 : vector<1x8x1x8x64xf32> to vector<8x8x64xf32>
    %swap3A_106 = vector.shape_cast %reshape3A_98 : vector<8x8x64xf32> to vector<1x8x1x8x64xf32>
    tpu.vector_store %arg2[%swap3A_99, %swap3A_100, %swap3A_101, %swap3A_102, %swap3A_103], %swap3A_106 {strides = array<i32>} : memref<1x8x32x8x128xf32, #tpu.memory_space<vmem>>, vector<1x8x1x8x64xf32>,
    %get3A_107 = arith.constant 0 : index
    %get3A_108 = arith.constant 4 : index
    %get3A_109 = arith.constant 0 : index
    %get3A_110 = arith.constant 0 : index
    %get3A_111 = vector.load %arg1[%get3A_107, %get3A_108, %get3A_109, %get3A_110] : memref<1x32x64x128xf32, #tpu.memory_space<vmem>>, vector<1x1x64x128xf32>
    %get3A_112 = vector.shape_cast %get3A_111 : vector<1x1x64x128xf32> to vector<64x128xf32>
    %slice3A_113 = vector.extract_strided_slice %get3A_112 {offsets = [0, 0], sizes = [64, 64], strides = [1, 1]} : vector<64x128xf32> to vector<64x64xf32>
    %transpose3A_114 = tpu.transpose %slice3A_113, [1, 0] : vector<64x64xf32> -> vector<64x64xf32>
    %reshape3A_115 = vector.shape_cast %transpose3A_114 : vector<64x64xf32> to vector<8x8x64xf32>
    %swap3A_116 = arith.constant 0 : index
    %swap3A_117 = arith.constant 0 : index
    %swap3A_118 = arith.constant 4 : index
    %swap3A_119 = arith.constant 0 : index
    %swap3A_120 = arith.constant 0 : index
    %swap3A_121 = vector.load %arg2[%swap3A_116, %swap3A_117, %swap3A_118, %swap3A_119, %swap3A_120] : memref<1x8x32x8x128xf32, #tpu.memory_space<vmem>>, vector<1x8x1x8x64xf32>
    %swap3A_122 = vector.shape_cast %swap3A_121 : vector<1x8x1x8x64xf32> to vector<8x8x64xf32>
    %swap3A_123 = vector.shape_cast %reshape3A_115 : vector<8x8x64xf32> to vector<1x8x1x8x64xf32>
    tpu.vector_store %arg2[%swap3A_116, %swap3A_117, %swap3A_118, %swap3A_119, %swap3A_120], %swap3A_123 {strides = array<i32>} : memref<1x8x32x8x128xf32, #tpu.memory_space<vmem>>, vector<1x8x1x8x64xf32>,
    %slice3A_124 = vector.extract_strided_slice %get3A_112 {offsets = [0, 64], sizes = [64, 64], strides = [1, 1]} : vector<64x128xf32> to vector<64x64xf32>
    %transpose3A_125 = tpu.transpose %slice3A_124, [1, 0] : vector<64x64xf32> -> vector<64x64xf32>
    %reshape3A_126 = vector.shape_cast %transpose3A_125 : vector<64x64xf32> to vector<8x8x64xf32>
    %swap3A_127 = arith.constant 0 : index
    %swap3A_128 = arith.constant 0 : index
    %swap3A_129 = arith.constant 4 : index
    %swap3A_130 = arith.constant 0 : index
    %swap3A_131 = arith.constant 64 : index
    %swap3A_132 = vector.load %arg2[%swap3A_127, %swap3A_128, %swap3A_129, %swap3A_130, %swap3A_131] : memref<1x8x32x8x128xf32, #tpu.memory_space<vmem>>, vector<1x8x1x8x64xf32>
    %swap3A_133 = vector.shape_cast %swap3A_132 : vector<1x8x1x8x64xf32> to vector<8x8x64xf32>
    %swap3A_134 = vector.shape_cast %reshape3A_126 : vector<8x8x64xf32> to vector<1x8x1x8x64xf32>
    tpu.vector_store %arg2[%swap3A_127, %swap3A_128, %swap3A_129, %swap3A_130, %swap3A_131], %swap3A_134 {strides = array<i32>} : memref<1x8x32x8x128xf32, #tpu.memory_space<vmem>>, vector<1x8x1x8x64xf32>,
    %get3A_135 = arith.constant 0 : index
    %get3A_136 = arith.constant 5 : index
    %get3A_137 = arith.constant 0 : index
    %get3A_138 = arith.constant 0 : index
    %get3A_139 = vector.load %arg1[%get3A_135, %get3A_136, %get3A_137, %get3A_138] : memref<1x32x64x128xf32, #tpu.memory_space<vmem>>, vector<1x1x64x128xf32>
    %get3A_140 = vector.shape_cast %get3A_139 : vector<1x1x64x128xf32> to vector<64x128xf32>
    %slice3A_141 = vector.extract_strided_slice %get3A_140 {offsets = [0, 0], sizes = [64, 64], strides = [1, 1]} : vector<64x128xf32> to vector<64x64xf32>
    %transpose3A_142 = tpu.transpose %slice3A_141, [1, 0] : vector<64x64xf32> -> vector<64x64xf32>
    %reshape3A_143 = vector.shape_cast %transpose3A_142 : vector<64x64xf32> to vector<8x8x64xf32>
    %swap3A_144 = arith.constant 0 : index
    %swap3A_145 = arith.constant 0 : index
    %swap3A_146 = arith.constant 5 : index
    %swap3A_147 = arith.constant 0 : index
    %swap3A_148 = arith.constant 0 : index
    %swap3A_149 = vector.load %arg2[%swap3A_144, %swap3A_145, %swap3A_146, %swap3A_147, %swap3A_148] : memref<1x8x32x8x128xf32, #tpu.memory_space<vmem>>, vector<1x8x1x8x64xf32>
    %swap3A_150 = vector.shape_cast %swap3A_149 : vector<1x8x1x8x64xf32> to vector<8x8x64xf32>
    %swap3A_151 = vector.shape_cast %reshape3A_143 : vector<8x8x64xf32> to vector<1x8x1x8x64xf32>
    tpu.vector_store %arg2[%swap3A_144, %swap3A_145, %swap3A_146, %swap3A_147, %swap3A_148], %swap3A_151 {strides = array<i32>} : memref<1x8x32x8x128xf32, #tpu.memory_space<vmem>>, vector<1x8x1x8x64xf32>,
    %slice3A_152 = vector.extract_strided_slice %get3A_140 {offsets = [0, 64], sizes = [64, 64], strides = [1, 1]} : vector<64x128xf32> to vector<64x64xf32>
    %transpose3A_153 = tpu.transpose %slice3A_152, [1, 0] : vector<64x64xf32> -> vector<64x64xf32>
    %reshape3A_154 = vector.shape_cast %transpose3A_153 : vector<64x64xf32> to vector<8x8x64xf32>
    %swap3A_155 = arith.constant 0 : index
    %swap3A_156 = arith.constant 0 : index
    %swap3A_157 = arith.constant 5 : index
    %swap3A_158 = arith.constant 0 : index
    %swap3A_159 = arith.constant 64 : index
    %swap3A_160 = vector.load %arg2[%swap3A_155, %swap3A_156, %swap3A_157, %swap3A_158, %swap3A_159] : memref<1x8x32x8x128xf32, #tpu.memory_space<vmem>>, vector<1x8x1x8x64xf32>
    %swap3A_161 = vector.shape_cast %swap3A_160 : vector<1x8x1x8x64xf32> to vector<8x8x64xf32>
    %swap3A_162 = vector.shape_cast %reshape3A_154 : vector<8x8x64xf32> to vector<1x8x1x8x64xf32>
    tpu.vector_store %arg2[%swap3A_155, %swap3A_156, %swap3A_157, %swap3A_158, %swap3A_159], %swap3A_162 {strides = array<i32>} : memref<1x8x32x8x128xf32, #tpu.memory_space<vmem>>, vector<1x8x1x8x64xf32>,
    %get3A_163 = arith.constant 0 : index
    %get3A_164 = arith.constant 6 : index
    %get3A_165 = arith.constant 0 : index
    %get3A_166 = arith.constant 0 : index
    %get3A_167 = vector.load %arg1[%get3A_163, %get3A_164, %get3A_165, %get3A_166] : memref<1x32x64x128xf32, #tpu.memory_space<vmem>>, vector<1x1x64x128xf32>
    %get3A_168 = vector.shape_cast %get3A_167 : vector<1x1x64x128xf32> to vector<64x128xf32>
    %slice3A_169 = vector.extract_strided_slice %get3A_168 {offsets = [0, 0], sizes = [64, 64], strides = [1, 1]} : vector<64x128xf32> to vector<64x64xf32>
    %transpose3A_170 = tpu.transpose %slice3A_169, [1, 0] : vector<64x64xf32> -> vector<64x64xf32>
    %reshape3A_171 = vector.shape_cast %transpose3A_170 : vector<64x64xf32> to vector<8x8x64xf32>
    %swap3A_172 = arith.constant 0 : index
    %swap3A_173 = arith.constant 0 : index
    %swap3A_174 = arith.constant 6 : index
    %swap3A_175 = arith.constant 0 : index
    %swap3A_176 = arith.constant 0 : index
    %swap3A_177 = vector.load %arg2[%swap3A_172, %swap3A_173, %swap3A_174, %swap3A_175, %swap3A_176] : memref<1x8x32x8x128xf32, #tpu.memory_space<vmem>>, vector<1x8x1x8x64xf32>
    %swap3A_178 = vector.shape_cast %swap3A_177 : vector<1x8x1x8x64xf32> to vector<8x8x64xf32>
    %swap3A_179 = vector.shape_cast %reshape3A_171 : vector<8x8x64xf32> to vector<1x8x1x8x64xf32>
    tpu.vector_store %arg2[%swap3A_172, %swap3A_173, %swap3A_174, %swap3A_175, %swap3A_176], %swap3A_179 {strides = array<i32>} : memref<1x8x32x8x128xf32, #tpu.memory_space<vmem>>, vector<1x8x1x8x64xf32>,
    %slice3A_180 = vector.extract_strided_slice %get3A_168 {offsets = [0, 64], sizes = [64, 64], strides = [1, 1]} : vector<64x128xf32> to vector<64x64xf32>
    %transpose3A_181 = tpu.transpose %slice3A_180, [1, 0] : vector<64x64xf32> -> vector<64x64xf32>
    %reshape3A_182 = vector.shape_cast %transpose3A_181 : vector<64x64xf32> to vector<8x8x64xf32>
    %swap3A_183 = arith.constant 0 : index
    %swap3A_184 = arith.constant 0 : index
    %swap3A_185 = arith.constant 6 : index
    %swap3A_186 = arith.constant 0 : index
    %swap3A_187 = arith.constant 64 : index
    %swap3A_188 = vector.load %arg2[%swap3A_183, %swap3A_184, %swap3A_185, %swap3A_186, %swap3A_187] : memref<1x8x32x8x128xf32, #tpu.memory_space<vmem>>, vector<1x8x1x8x64xf32>
    %swap3A_189 = vector.shape_cast %swap3A_188 : vector<1x8x1x8x64xf32> to vector<8x8x64xf32>
    %swap3A_190 = vector.shape_cast %reshape3A_182 : vector<8x8x64xf32> to vector<1x8x1x8x64xf32>
    tpu.vector_store %arg2[%swap3A_183, %swap3A_184, %swap3A_185, %swap3A_186, %swap3A_187], %swap3A_190 {strides = array<i32>} : memref<1x8x32x8x128xf32, #tpu.memory_space<vmem>>, vector<1x8x1x8x64xf32>,
    %get3A_191 = arith.constant 0 : index
    %get3A_192 = arith.constant 7 : index
    %get3A_193 = arith.constant 0 : index
    %get3A_194 = arith.constant 0 : index
    %get3A_195 = vector.load %arg1[%get3A_191, %get3A_192, %get3A_193, %get3A_194] : memref<1x32x64x128xf32, #tpu.memory_space<vmem>>, vector<1x1x64x128xf32>
    %get3A_196 = vector.shape_cast %get3A_195 : vector<1x1x64x128xf32> to vector<64x128xf32>
    %slice3A_197 = vector.extract_strided_slice %get3A_196 {offsets = [0, 0], sizes = [64, 64], strides = [1, 1]} : vector<64x128xf32> to vector<64x64xf32>
    %transpose3A_198 = tpu.transpose %slice3A_197, [1, 0] : vector<64x64xf32> -> vector<64x64xf32>
    %reshape3A_199 = vector.shape_cast %transpose3A_198 : vector<64x64xf32> to vector<8x8x64xf32>
    %swap3A_200 = arith.constant 0 : index
    %swap3A_201 = arith.constant 0 : index
    %swap3A_202 = arith.constant 7 : index
    %swap3A_203 = arith.constant 0 : index
    %swap3A_204 = arith.constant 0 : index
    %swap3A_205 = vector.load %arg2[%swap3A_200, %swap3A_201, %swap3A_202, %swap3A_203, %swap3A_204] : memref<1x8x32x8x128xf32, #tpu.memory_space<vmem>>, vector<1x8x1x8x64xf32>
    %swap3A_206 = vector.shape_cast %swap3A_205 : vector<1x8x1x8x64xf32> to vector<8x8x64xf32>
    %swap3A_207 = vector.shape_cast %reshape3A_199 : vector<8x8x64xf32> to vector<1x8x1x8x64xf32>
    tpu.vector_store %arg2[%swap3A_200, %swap3A_201, %swap3A_202, %swap3A_203, %swap3A_204], %swap3A_207 {strides = array<i32>} : memref<1x8x32x8x128xf32, #tpu.memory_space<vmem>>, vector<1x8x1x8x64xf32>,
    %slice3A_208 = vector.extract_strided_slice %get3A_196 {offsets = [0, 64], sizes = [64, 64], strides = [1, 1]} : vector<64x128xf32> to vector<64x64xf32>
    %transpose3A_209 = tpu.transpose %slice3A_208, [1, 0] : vector<64x64xf32> -> vector<64x64xf32>
    %reshape3A_210 = vector.shape_cast %transpose3A_209 : vector<64x64xf32> to vector<8x8x64xf32>
    %swap3A_211 = arith.constant 0 : index
    %swap3A_212 = arith.constant 0 : index
    %swap3A_213 = arith.constant 7 : index
    %swap3A_214 = arith.constant 0 : index
    %swap3A_215 = arith.constant 64 : index
    %swap3A_216 = vector.load %arg2[%swap3A_211, %swap3A_212, %swap3A_213, %swap3A_214, %swap3A_215] : memref<1x8x32x8x128xf32, #tpu.memory_space<vmem>>, vector<1x8x1x8x64xf32>
    %swap3A_217 = vector.shape_cast %swap3A_216 : vector<1x8x1x8x64xf32> to vector<8x8x64xf32>
    %swap3A_218 = vector.shape_cast %reshape3A_210 : vector<8x8x64xf32> to vector<1x8x1x8x64xf32>
    tpu.vector_store %arg2[%swap3A_211, %swap3A_212, %swap3A_213, %swap3A_214, %swap3A_215], %swap3A_218 {strides = array<i32>} : memref<1x8x32x8x128xf32, #tpu.memory_space<vmem>>, vector<1x8x1x8x64xf32>,
    %get3A_219 = arith.constant 0 : index
    %get3A_220 = arith.constant 8 : index
    %get3A_221 = arith.constant 0 : index
    %get3A_222 = arith.constant 0 : index
    %get3A_223 = vector.load %arg1[%get3A_219, %get3A_220, %get3A_221, %get3A_222] : memref<1x32x64x128xf32, #tpu.memory_space<vmem>>, vector<1x1x64x128xf32>
    %get3A_224 = vector.shape_cast %get3A_223 : vector<1x1x64x128xf32> to vector<64x128xf32>
    %slice3A_225 = vector.extract_strided_slice %get3A_224 {offsets = [0, 0], sizes = [64, 64], strides = [1, 1]} : vector<64x128xf32> to vector<64x64xf32>
    %transpose3A_226 = tpu.transpose %slice3A_225, [1, 0] : vector<64x64xf32> -> vector<64x64xf32>
    %reshape3A_227 = vector.shape_cast %transpose3A_226 : vector<64x64xf32> to vector<8x8x64xf32>
    %swap3A_228 = arith.constant 0 : index
    %swap3A_229 = arith.constant 0 : index
    %swap3A_230 = arith.constant 8 : index
    %swap3A_231 = arith.constant 0 : index
    %swap3A_232 = arith.constant 0 : index
    %swap3A_233 = vector.load %arg2[%swap3A_228, %swap3A_229, %swap3A_230, %swap3A_231, %swap3A_232] : memref<1x8x32x8x128xf32, #tpu.memory_space<vmem>>, vector<1x8x1x8x64xf32>
    %swap3A_234 = vector.shape_cast %swap3A_233 : vector<1x8x1x8x64xf32> to vector<8x8x64xf32>
    %swap3A_235 = vector.shape_cast %reshape3A_227 : vector<8x8x64xf32> to vector<1x8x1x8x64xf32>
    tpu.vector_store %arg2[%swap3A_228, %swap3A_229, %swap3A_230, %swap3A_231, %swap3A_232], %swap3A_235 {strides = array<i32>} : memref<1x8x32x8x128xf32, #tpu.memory_space<vmem>>, vector<1x8x1x8x64xf32>,
    %slice3A_236 = vector.extract_strided_slice %get3A_224 {offsets = [0, 64], sizes = [64, 64], strides = [1, 1]} : vector<64x128xf32> to vector<64x64xf32>
    %transpose3A_237 = tpu.transpose %slice3A_236, [1, 0] : vector<64x64xf32> -> vector<64x64xf32>
    %reshape3A_238 = vector.shape_cast %transpose3A_237 : vector<64x64xf32> to vector<8x8x64xf32>
    %swap3A_239 = arith.constant 0 : index
    %swap3A_240 = arith.constant 0 : index
    %swap3A_241 = arith.constant 8 : index
    %swap3A_242 = arith.constant 0 : index
    %swap3A_243 = arith.constant 64 : index
    %swap3A_244 = vector.load %arg2[%swap3A_239, %swap3A_240, %swap3A_241, %swap3A_242, %swap3A_243] : memref<1x8x32x8x128xf32, #tpu.memory_space<vmem>>, vector<1x8x1x8x64xf32>
    %swap3A_245 = vector.shape_cast %swap3A_244 : vector<1x8x1x8x64xf32> to vector<8x8x64xf32>
    %swap3A_246 = vector.shape_cast %reshape3A_238 : vector<8x8x64xf32> to vector<1x8x1x8x64xf32>
    tpu.vector_store %arg2[%swap3A_239, %swap3A_240, %swap3A_241, %swap3A_242, %swap3A_243], %swap3A_246 {strides = array<i32>} : memref<1x8x32x8x128xf32, #tpu.memory_space<vmem>>, vector<1x8x1x8x64xf32>,
    %get3A_247 = arith.constant 0 : index
    %get3A_248 = arith.constant 9 : index
    %get3A_249 = arith.constant 0 : index
    %get3A_250 = arith.constant 0 : index
    %get3A_251 = vector.load %arg1[%get3A_247, %get3A_248, %get3A_249, %get3A_250] : memref<1x32x64x128xf32, #tpu.memory_space<vmem>>, vector<1x1x64x128xf32>
    %get3A_252 = vector.shape_cast %get3A_251 : vector<1x1x64x128xf32> to vector<64x128xf32>
    %slice3A_253 = vector.extract_strided_slice %get3A_252 {offsets = [0, 0], sizes = [64, 64], strides = [1, 1]} : vector<64x128xf32> to vector<64x64xf32>
    %transpose3A_254 = tpu.transpose %slice3A_253, [1, 0] : vector<64x64xf32> -> vector<64x64xf32>
    %reshape3A_255 = vector.shape_cast %transpose3A_254 : vector<64x64xf32> to vector<8x8x64xf32>
    %swap3A_256 = arith.constant 0 : index
    %swap3A_257 = arith.constant 0 : index
    %swap3A_258 = arith.constant 9 : index
    %swap3A_259 = arith.constant 0 : index
    %swap3A_260 = arith.constant 0 : index
    %swap3A_261 = vector.load %arg2[%swap3A_256, %swap3A_257, %swap3A_258, %swap3A_259, %swap3A_260] : memref<1x8x32x8x128xf32, #tpu.memory_space<vmem>>, vector<1x8x1x8x64xf32>
    %swap3A_262 = vector.shape_cast %swap3A_261 : vector<1x8x1x8x64xf32> to vector<8x8x64xf32>
    %swap3A_263 = vector.shape_cast %reshape3A_255 : vector<8x8x64xf32> to vector<1x8x1x8x64xf32>
    tpu.vector_store %arg2[%swap3A_256, %swap3A_257, %swap3A_258, %swap3A_259, %swap3A_260], %swap3A_263 {strides = array<i32>} : memref<1x8x32x8x128xf32, #tpu.memory_space<vmem>>, vector<1x8x1x8x64xf32>,
    %slice3A_264 = vector.extract_strided_slice %get3A_252 {offsets = [0, 64], sizes = [64, 64], strides = [1, 1]} : vector<64x128xf32> to vector<64x64xf32>
    %transpose3A_265 = tpu.transpose %slice3A_264, [1, 0] : vector<64x64xf32> -> vector<64x64xf32>
    %reshape3A_266 = vector.shape_cast %transpose3A_265 : vector<64x64xf32> to vector<8x8x64xf32>
    %swap3A_267 = arith.constant 0 : index
    %swap3A_268 = arith.constant 0 : index
    %swap3A_269 = arith.constant 9 : index
    %swap3A_270 = arith.constant 0 : index
    %swap3A_271 = arith.constant 64 : index
    %swap3A_272 = vector.load %arg2[%swap3A_267, %swap3A_268, %swap3A_269, %swap3A_270, %swap3A_271] : memref<1x8x32x8x128xf32, #tpu.memory_space<vmem>>, vector<1x8x1x8x64xf32>
    %swap3A_273 = vector.shape_cast %swap3A_272 : vector<1x8x1x8x64xf32> to vector<8x8x64xf32>
    %swap3A_274 = vector.shape_cast %reshape3A_266 : vector<8x8x64xf32> to vector<1x8x1x8x64xf32>
    tpu.vector_store %arg2[%swap3A_267, %swap3A_268, %swap3A_269, %swap3A_270, %swap3A_271], %swap3A_274 {strides = array<i32>} : memref<1x8x32x8x128xf32, #tpu.memory_space<vmem>>, vector<1x8x1x8x64xf32>,
    %get3A_275 = arith.constant 0 : index
    %get3A_276 = arith.constant 10 : index
    %get3A_277 = arith.constant 0 : index
    %get3A_278 = arith.constant 0 : index
    %get3A_279 = vector.load %arg1[%get3A_275, %get3A_276, %get3A_277, %get3A_278] : memref<1x32x64x128xf32, #tpu.memory_space<vmem>>, vector<1x1x64x128xf32>
    %get3A_280 = vector.shape_cast %get3A_279 : vector<1x1x64x128xf32> to vector<64x128xf32>
    %slice3A_281 = vector.extract_strided_slice %get3A_280 {offsets = [0, 0], sizes = [64, 64], strides = [1, 1]} : vector<64x128xf32> to vector<64x64xf32>
    %transpose3A_282 = tpu.transpose %slice3A_281, [1, 0] : vector<64x64xf32> -> vector<64x64xf32>
    %reshape3A_283 = vector.shape_cast %transpose3A_282 : vector<64x64xf32> to vector<8x8x64xf32>
    %swap3A_284 = arith.constant 0 : index
    %swap3A_285 = arith.constant 0 : index
    %swap3A_286 = arith.constant 10 : index
    %swap3A_287 = arith.constant 0 : index
    %swap3A_288 = arith.constant 0 : index
    %swap3A_289 = vector.load %arg2[%swap3A_284, %swap3A_285, %swap3A_286, %swap3A_287, %swap3A_288] : memref<1x8x32x8x128xf32, #tpu.memory_space<vmem>>, vector<1x8x1x8x64xf32>
    %swap3A_290 = vector.shape_cast %swap3A_289 : vector<1x8x1x8x64xf32> to vector<8x8x64xf32>
    %swap3A_291 = vector.shape_cast %reshape3A_283 : vector<8x8x64xf32> to vector<1x8x1x8x64xf32>
    tpu.vector_store %arg2[%swap3A_284, %swap3A_285, %swap3A_286, %swap3A_287, %swap3A_288], %swap3A_291 {strides = array<i32>} : memref<1x8x32x8x128xf32, #tpu.memory_space<vmem>>, vector<1x8x1x8x64xf32>,
    %slice3A_292 = vector.extract_strided_slice %get3A_280 {offsets = [0, 64], sizes = [64, 64], strides = [1, 1]} : vector<64x128xf32> to vector<64x64xf32>
    %transpose3A_293 = tpu.transpose %slice3A_292, [1, 0] : vector<64x64xf32> -> vector<64x64xf32>
    %reshape3A_294 = vector.shape_cast %transpose3A_293 : vector<64x64xf32> to vector<8x8x64xf32>
    %swap3A_295 = arith.constant 0 : index
    %swap3A_296 = arith.constant 0 : index
    %swap3A_297 = arith.constant 10 : index
    %swap3A_298 = arith.constant 0 : index
    %swap3A_299 = arith.constant 64 : index
    %swap3A_300 = vector.load %arg2[%swap3A_295, %swap3A_296, %swap3A_297, %swap3A_298, %swap3A_299] : memref<1x8x32x8x128xf32, #tpu.memory_space<vmem>>, vector<1x8x1x8x64xf32>
    %swap3A_301 = vector.shape_cast %swap3A_300 : vector<1x8x1x8x64xf32> to vector<8x8x64xf32>
    %swap3A_302 = vector.shape_cast %reshape3A_294 : vector<8x8x64xf32> to vector<1x8x1x8x64xf32>
    tpu.vector_store %arg2[%swap3A_295, %swap3A_296, %swap3A_297, %swap3A_298, %swap3A_299], %swap3A_302 {strides = array<i32>} : memref<1x8x32x8x128xf32, #tpu.memory_space<vmem>>, vector<1x8x1x8x64xf32>,
    %get3A_303 = arith.constant 0 : index
    %get3A_304 = arith.constant 11 : index
    %get3A_305 = arith.constant 0 : index
    %get3A_306 = arith.constant 0 : index
    %get3A_307 = vector.load %arg1[%get3A_303, %get3A_304, %get3A_305, %get3A_306] : memref<1x32x64x128xf32, #tpu.memory_space<vmem>>, vector<1x1x64x128xf32>
    %get3A_308 = vector.shape_cast %get3A_307 : vector<1x1x64x128xf32> to vector<64x128xf32>
    %slice3A_309 = vector.extract_strided_slice %get3A_308 {offsets = [0, 0], sizes = [64, 64], strides = [1, 1]} : vector<64x128xf32> to vector<64x64xf32>
    %transpose3A_310 = tpu.transpose %slice3A_309, [1, 0] : vector<64x64xf32> -> vector<64x64xf32>
    %reshape3A_311 = vector.shape_cast %transpose3A_310 : vector<64x64xf32> to vector<8x8x64xf32>
    %swap3A_312 = arith.constant 0 : index
    %swap3A_313 = arith.constant 0 : index
    %swap3A_314 = arith.constant 11 : index
    %swap3A_315 = arith.constant 0 : index
    %swap3A_316 = arith.constant 0 : index
    %swap3A_317 = vector.load %arg2[%swap3A_312, %swap3A_313, %swap3A_314, %swap3A_315, %swap3A_316] : memref<1x8x32x8x128xf32, #tpu.memory_space<vmem>>, vector<1x8x1x8x64xf32>
    %swap3A_318 = vector.shape_cast %swap3A_317 : vector<1x8x1x8x64xf32> to vector<8x8x64xf32>
    %swap3A_319 = vector.shape_cast %reshape3A_311 : vector<8x8x64xf32> to vector<1x8x1x8x64xf32>
    tpu.vector_store %arg2[%swap3A_312, %swap3A_313, %swap3A_314, %swap3A_315, %swap3A_316], %swap3A_319 {strides = array<i32>} : memref<1x8x32x8x128xf32, #tpu.memory_space<vmem>>, vector<1x8x1x8x64xf32>,
    %slice3A_320 = vector.extract_strided_slice %get3A_308 {offsets = [0, 64], sizes = [64, 64], strides = [1, 1]} : vector<64x128xf32> to vector<64x64xf32>
    %transpose3A_321 = tpu.transpose %slice3A_320, [1, 0] : vector<64x64xf32> -> vector<64x64xf32>
    %reshape3A_322 = vector.shape_cast %transpose3A_321 : vector<64x64xf32> to vector<8x8x64xf32>
    %swap3A_323 = arith.constant 0 : index
    %swap3A_324 = arith.constant 0 : index
    %swap3A_325 = arith.constant 11 : index
    %swap3A_326 = arith.constant 0 : index
    %swap3A_327 = arith.constant 64 : index
    %swap3A_328 = vector.load %arg2[%swap3A_323, %swap3A_324, %swap3A_325, %swap3A_326, %swap3A_327] : memref<1x8x32x8x128xf32, #tpu.memory_space<vmem>>, vector<1x8x1x8x64xf32>
    %swap3A_329 = vector.shape_cast %swap3A_328 : vector<1x8x1x8x64xf32> to vector<8x8x64xf32>
    %swap3A_330 = vector.shape_cast %reshape3A_322 : vector<8x8x64xf32> to vector<1x8x1x8x64xf32>
    tpu.vector_store %arg2[%swap3A_323, %swap3A_324, %swap3A_325, %swap3A_326, %swap3A_327], %swap3A_330 {strides = array<i32>} : memref<1x8x32x8x128xf32, #tpu.memory_space<vmem>>, vector<1x8x1x8x64xf32>,
    %get3A_331 = arith.constant 0 : index
    %get3A_332 = arith.constant 12 : index
    %get3A_333 = arith.constant 0 : index
    %get3A_334 = arith.constant 0 : index
    %get3A_335 = vector.load %arg1[%get3A_331, %get3A_332, %get3A_333, %get3A_334] : memref<1x32x64x128xf32, #tpu.memory_space<vmem>>, vector<1x1x64x128xf32>
    %get3A_336 = vector.shape_cast %get3A_335 : vector<1x1x64x128xf32> to vector<64x128xf32>
    %slice3A_337 = vector.extract_strided_slice %get3A_336 {offsets = [0, 0], sizes = [64, 64], strides = [1, 1]} : vector<64x128xf32> to vector<64x64xf32>
    %transpose3A_338 = tpu.transpose %slice3A_337, [1, 0] : vector<64x64xf32> -> vector<64x64xf32>
    %reshape3A_339 = vector.shape_cast %transpose3A_338 : vector<64x64xf32> to vector<8x8x64xf32>
    %swap3A_340 = arith.constant 0 : index
    %swap3A_341 = arith.constant 0 : index
    %swap3A_342 = arith.constant 12 : index
    %swap3A_343 = arith.constant 0 : index
    %swap3A_344 = arith.constant 0 : index
    %swap3A_345 = vector.load %arg2[%swap3A_340, %swap3A_341, %swap3A_342, %swap3A_343, %swap3A_344] : memref<1x8x32x8x128xf32, #tpu.memory_space<vmem>>, vector<1x8x1x8x64xf32>
    %swap3A_346 = vector.shape_cast %swap3A_345 : vector<1x8x1x8x64xf32> to vector<8x8x64xf32>
    %swap3A_347 = vector.shape_cast %reshape3A_339 : vector<8x8x64xf32> to vector<1x8x1x8x64xf32>
    tpu.vector_store %arg2[%swap3A_340, %swap3A_341, %swap3A_342, %swap3A_343, %swap3A_344], %swap3A_347 {strides = array<i32>} : memref<1x8x32x8x128xf32, #tpu.memory_space<vmem>>, vector<1x8x1x8x64xf32>,
    %slice3A_348 = vector.extract_strided_slice %get3A_336 {offsets = [0, 64], sizes = [64, 64], strides = [1, 1]} : vector<64x128xf32> to vector<64x64xf32>
    %transpose3A_349 = tpu.transpose %slice3A_348, [1, 0] : vector<64x64xf32> -> vector<64x64xf32>
    %reshape3A_350 = vector.shape_cast %transpose3A_349 : vector<64x64xf32> to vector<8x8x64xf32>
    %swap3A_351 = arith.constant 0 : index
    %swap3A_352 = arith.constant 0 : index
    %swap3A_353 = arith.constant 12 : index
    %swap3A_354 = arith.constant 0 : index
    %swap3A_355 = arith.constant 64 : index
    %swap3A_356 = vector.load %arg2[%swap3A_351, %swap3A_352, %swap3A_353, %swap3A_354, %swap3A_355] : memref<1x8x32x8x128xf32, #tpu.memory_space<vmem>>, vector<1x8x1x8x64xf32>
    %swap3A_357 = vector.shape_cast %swap3A_356 : vector<1x8x1x8x64xf32> to vector<8x8x64xf32>
    %swap3A_358 = vector.shape_cast %reshape3A_350 : vector<8x8x64xf32> to vector<1x8x1x8x64xf32>
    tpu.vector_store %arg2[%swap3A_351, %swap3A_352, %swap3A_353, %swap3A_354, %swap3A_355], %swap3A_358 {strides = array<i32>} : memref<1x8x32x8x128xf32, #tpu.memory_space<vmem>>, vector<1x8x1x8x64xf32>,
    %get3A_359 = arith.constant 0 : index
    %get3A_360 = arith.constant 13 : index
    %get3A_361 = arith.constant 0 : index
    %get3A_362 = arith.constant 0 : index
    %get3A_363 = vector.load %arg1[%get3A_359, %get3A_360, %get3A_361, %get3A_362] : memref<1x32x64x128xf32, #tpu.memory_space<vmem>>, vector<1x1x64x128xf32>
    %get3A_364 = vector.shape_cast %get3A_363 : vector<1x1x64x128xf32> to vector<64x128xf32>
    %slice3A_365 = vector.extract_strided_slice %get3A_364 {offsets = [0, 0], sizes = [64, 64], strides = [1, 1]} : vector<64x128xf32> to vector<64x64xf32>
    %transpose3A_366 = tpu.transpose %slice3A_365, [1, 0] : vector<64x64xf32> -> vector<64x64xf32>
    %reshape3A_367 = vector.shape_cast %transpose3A_366 : vector<64x64xf32> to vector<8x8x64xf32>
    %swap3A_368 = arith.constant 0 : index
    %swap3A_369 = arith.constant 0 : index
    %swap3A_370 = arith.constant 13 : index
    %swap3A_371 = arith.constant 0 : index
    %swap3A_372 = arith.constant 0 : index
    %swap3A_373 = vector.load %arg2[%swap3A_368, %swap3A_369, %swap3A_370, %swap3A_371, %swap3A_372] : memref<1x8x32x8x128xf32, #tpu.memory_space<vmem>>, vector<1x8x1x8x64xf32>
    %swap3A_374 = vector.shape_cast %swap3A_373 : vector<1x8x1x8x64xf32> to vector<8x8x64xf32>
    %swap3A_375 = vector.shape_cast %reshape3A_367 : vector<8x8x64xf32> to vector<1x8x1x8x64xf32>
    tpu.vector_store %arg2[%swap3A_368, %swap3A_369, %swap3A_370, %swap3A_371, %swap3A_372], %swap3A_375 {strides = array<i32>} : memref<1x8x32x8x128xf32, #tpu.memory_space<vmem>>, vector<1x8x1x8x64xf32>,
    %slice3A_376 = vector.extract_strided_slice %get3A_364 {offsets = [0, 64], sizes = [64, 64], strides = [1, 1]} : vector<64x128xf32> to vector<64x64xf32>
    %transpose3A_377 = tpu.transpose %slice3A_376, [1, 0] : vector<64x64xf32> -> vector<64x64xf32>
    %reshape3A_378 = vector.shape_cast %transpose3A_377 : vector<64x64xf32> to vector<8x8x64xf32>
    %swap3A_379 = arith.constant 0 : index
    %swap3A_380 = arith.constant 0 : index
    %swap3A_381 = arith.constant 13 : index
    %swap3A_382 = arith.constant 0 : index
    %swap3A_383 = arith.constant 64 : index
    %swap3A_384 = vector.load %arg2[%swap3A_379, %swap3A_380, %swap3A_381, %swap3A_382, %swap3A_383] : memref<1x8x32x8x128xf32, #tpu.memory_space<vmem>>, vector<1x8x1x8x64xf32>
    %swap3A_385 = vector.shape_cast %swap3A_384 : vector<1x8x1x8x64xf32> to vector<8x8x64xf32>
    %swap3A_386 = vector.shape_cast %reshape3A_378 : vector<8x8x64xf32> to vector<1x8x1x8x64xf32>
    tpu.vector_store %arg2[%swap3A_379, %swap3A_380, %swap3A_381, %swap3A_382, %swap3A_383], %swap3A_386 {strides = array<i32>} : memref<1x8x32x8x128xf32, #tpu.memory_space<vmem>>, vector<1x8x1x8x64xf32>,
    %get3A_387 = arith.constant 0 : index
    %get3A_388 = arith.constant 14 : index
    %get3A_389 = arith.constant 0 : index
    %get3A_390 = arith.constant 0 : index
    %get3A_391 = vector.load %arg1[%get3A_387, %get3A_388, %get3A_389, %get3A_390] : memref<1x32x64x128xf32, #tpu.memory_space<vmem>>, vector<1x1x64x128xf32>
    %get3A_392 = vector.shape_cast %get3A_391 : vector<1x1x64x128xf32> to vector<64x128xf32>
    %slice3A_393 = vector.extract_strided_slice %get3A_392 {offsets = [0, 0], sizes = [64, 64], strides = [1, 1]} : vector<64x128xf32> to vector<64x64xf32>
    %transpose3A_394 = tpu.transpose %slice3A_393, [1, 0] : vector<64x64xf32> -> vector<64x64xf32>
    %reshape3A_395 = vector.shape_cast %transpose3A_394 : vector<64x64xf32> to vector<8x8x64xf32>
    %swap3A_396 = arith.constant 0 : index
    %swap3A_397 = arith.constant 0 : index
    %swap3A_398 = arith.constant 14 : index
    %swap3A_399 = arith.constant 0 : index
    %swap3A_400 = arith.constant 0 : index
    %swap3A_401 = vector.load %arg2[%swap3A_396, %swap3A_397, %swap3A_398, %swap3A_399, %swap3A_400] : memref<1x8x32x8x128xf32, #tpu.memory_space<vmem>>, vector<1x8x1x8x64xf32>
    %swap3A_402 = vector.shape_cast %swap3A_401 : vector<1x8x1x8x64xf32> to vector<8x8x64xf32>
    %swap3A_403 = vector.shape_cast %reshape3A_395 : vector<8x8x64xf32> to vector<1x8x1x8x64xf32>
    tpu.vector_store %arg2[%swap3A_396, %swap3A_397, %swap3A_398, %swap3A_399, %swap3A_400], %swap3A_403 {strides = array<i32>} : memref<1x8x32x8x128xf32, #tpu.memory_space<vmem>>, vector<1x8x1x8x64xf32>,
    %slice3A_404 = vector.extract_strided_slice %get3A_392 {offsets = [0, 64], sizes = [64, 64], strides = [1, 1]} : vector<64x128xf32> to vector<64x64xf32>
    %transpose3A_405 = tpu.transpose %slice3A_404, [1, 0] : vector<64x64xf32> -> vector<64x64xf32>
    %reshape3A_406 = vector.shape_cast %transpose3A_405 : vector<64x64xf32> to vector<8x8x64xf32>
    %swap3A_407 = arith.constant 0 : index
    %swap3A_408 = arith.constant 0 : index
    %swap3A_409 = arith.constant 14 : index
    %swap3A_410 = arith.constant 0 : index
    %swap3A_411 = arith.constant 64 : index
    %swap3A_412 = vector.load %arg2[%swap3A_407, %swap3A_408, %swap3A_409, %swap3A_410, %swap3A_411] : memref<1x8x32x8x128xf32, #tpu.memory_space<vmem>>, vector<1x8x1x8x64xf32>
    %swap3A_413 = vector.shape_cast %swap3A_412 : vector<1x8x1x8x64xf32> to vector<8x8x64xf32>
    %swap3A_414 = vector.shape_cast %reshape3A_406 : vector<8x8x64xf32> to vector<1x8x1x8x64xf32>
    tpu.vector_store %arg2[%swap3A_407, %swap3A_408, %swap3A_409, %swap3A_410, %swap3A_411], %swap3A_414 {strides = array<i32>} : memref<1x8x32x8x128xf32, #tpu.memory_space<vmem>>, vector<1x8x1x8x64xf32>,
    %get3A_415 = arith.constant 0 : index
    %get3A_416 = arith.constant 15 : index
    %get3A_417 = arith.constant 0 : index
    %get3A_418 = arith.constant 0 : index
    %get3A_419 = vector.load %arg1[%get3A_415, %get3A_416, %get3A_417, %get3A_418] : memref<1x32x64x128xf32, #tpu.memory_space<vmem>>, vector<1x1x64x128xf32>
    %get3A_420 = vector.shape_cast %get3A_419 : vector<1x1x64x128xf32> to vector<64x128xf32>
    %slice3A_421 = vector.extract_strided_slice %get3A_420 {offsets = [0, 0], sizes = [64, 64], strides = [1, 1]} : vector<64x128xf32> to vector<64x64xf32>
    %transpose3A_422 = tpu.transpose %slice3A_421, [1, 0] : vector<64x64xf32> -> vector<64x64xf32>
    %reshape3A_423 = vector.shape_cast %transpose3A_422 : vector<64x64xf32> to vector<8x8x64xf32>
    %swap3A_424 = arith.constant 0 : index
    %swap3A_425 = arith.constant 0 : index
    %swap3A_426 = arith.constant 15 : index
    %swap3A_427 = arith.constant 0 : index
    %swap3A_428 = arith.constant 0 : index
    %swap3A_429 = vector.load %arg2[%swap3A_424, %swap3A_425, %swap3A_426, %swap3A_427, %swap3A_428] : memref<1x8x32x8x128xf32, #tpu.memory_space<vmem>>, vector<1x8x1x8x64xf32>
    %swap3A_430 = vector.shape_cast %swap3A_429 : vector<1x8x1x8x64xf32> to vector<8x8x64xf32>
    %swap3A_431 = vector.shape_cast %reshape3A_423 : vector<8x8x64xf32> to vector<1x8x1x8x64xf32>
    tpu.vector_store %arg2[%swap3A_424, %swap3A_425, %swap3A_426, %swap3A_427, %swap3A_428], %swap3A_431 {strides = array<i32>} : memref<1x8x32x8x128xf32, #tpu.memory_space<vmem>>, vector<1x8x1x8x64xf32>,
    %slice3A_432 = vector.extract_strided_slice %get3A_420 {offsets = [0, 64], sizes = [64, 64], strides = [1, 1]} : vector<64x128xf32> to vector<64x64xf32>
    %transpose3A_433 = tpu.transpose %slice3A_432, [1, 0] : vector<64x64xf32> -> vector<64x64xf32>
    %reshape3A_434 = vector.shape_cast %transpose3A_433 : vector<64x64xf32> to vector<8x8x64xf32>
    %swap3A_435 = arith.constant 0 : index
    %swap3A_436 = arith.constant 0 : index
    %swap3A_437 = arith.constant 15 : index
    %swap3A_438 = arith.constant 0 : index
    %swap3A_439 = arith.constant 64 : index
    %swap3A_440 = vector.load %arg2[%swap3A_435, %swap3A_436, %swap3A_437, %swap3A_438, %swap3A_439] : memref<1x8x32x8x128xf32, #tpu.memory_space<vmem>>, vector<1x8x1x8x64xf32>
    %swap3A_441 = vector.shape_cast %swap3A_440 : vector<1x8x1x8x64xf32> to vector<8x8x64xf32>
    %swap3A_442 = vector.shape_cast %reshape3A_434 : vector<8x8x64xf32> to vector<1x8x1x8x64xf32>
    tpu.vector_store %arg2[%swap3A_435, %swap3A_436, %swap3A_437, %swap3A_438, %swap3A_439], %swap3A_442 {strides = array<i32>} : memref<1x8x32x8x128xf32, #tpu.memory_space<vmem>>, vector<1x8x1x8x64xf32>,
    %get3A_443 = arith.constant 0 : index
    %get3A_444 = arith.constant 16 : index
    %get3A_445 = arith.constant 0 : index
    %get3A_446 = arith.constant 0 : index
    %get3A_447 = vector.load %arg1[%get3A_443, %get3A_444, %get3A_445, %get3A_446] : memref<1x32x64x128xf32, #tpu.memory_space<vmem>>, vector<1x1x64x128xf32>
    %get3A_448 = vector.shape_cast %get3A_447 : vector<1x1x64x128xf32> to vector<64x128xf32>
    %slice3A_449 = vector.extract_strided_slice %get3A_448 {offsets = [0, 0], sizes = [64, 64], strides = [1, 1]} : vector<64x128xf32> to vector<64x64xf32>
    %transpose3A_450 = tpu.transpose %slice3A_449, [1, 0] : vector<64x64xf32> -> vector<64x64xf32>
    %reshape3A_451 = vector.shape_cast %transpose3A_450 : vector<64x64xf32> to vector<8x8x64xf32>
    %swap3A_452 = arith.constant 0 : index
    %swap3A_453 = arith.constant 0 : index
    %swap3A_454 = arith.constant 16 : index
    %swap3A_455 = arith.constant 0 : index
    %swap3A_456 = arith.constant 0 : index
    %swap3A_457 = vector.load %arg2[%swap3A_452, %swap3A_453, %swap3A_454, %swap3A_455, %swap3A_456] : memref<1x8x32x8x128xf32, #tpu.memory_space<vmem>>, vector<1x8x1x8x64xf32>
    %swap3A_458 = vector.shape_cast %swap3A_457 : vector<1x8x1x8x64xf32> to vector<8x8x64xf32>
    %swap3A_459 = vector.shape_cast %reshape3A_451 : vector<8x8x64xf32> to vector<1x8x1x8x64xf32>
    tpu.vector_store %arg2[%swap3A_452, %swap3A_453, %swap3A_454, %swap3A_455, %swap3A_456], %swap3A_459 {strides = array<i32>} : memref<1x8x32x8x128xf32, #tpu.memory_space<vmem>>, vector<1x8x1x8x64xf32>,
    %slice3A_460 = vector.extract_strided_slice %get3A_448 {offsets = [0, 64], sizes = [64, 64], strides = [1, 1]} : vector<64x128xf32> to vector<64x64xf32>
    %transpose3A_461 = tpu.transpose %slice3A_460, [1, 0] : vector<64x64xf32> -> vector<64x64xf32>
    %reshape3A_462 = vector.shape_cast %transpose3A_461 : vector<64x64xf32> to vector<8x8x64xf32>
    %swap3A_463 = arith.constant 0 : index
    %swap3A_464 = arith.constant 0 : index
    %swap3A_465 = arith.constant 16 : index
    %swap3A_466 = arith.constant 0 : index
    %swap3A_467 = arith.constant 64 : index
    %swap3A_468 = vector.load %arg2[%swap3A_463, %swap3A_464, %swap3A_465, %swap3A_466, %swap3A_467] : memref<1x8x32x8x128xf32, #tpu.memory_space<vmem>>, vector<1x8x1x8x64xf32>
    %swap3A_469 = vector.shape_cast %swap3A_468 : vector<1x8x1x8x64xf32> to vector<8x8x64xf32>
    %swap3A_470 = vector.shape_cast %reshape3A_462 : vector<8x8x64xf32> to vector<1x8x1x8x64xf32>
    tpu.vector_store %arg2[%swap3A_463, %swap3A_464, %swap3A_465, %swap3A_466, %swap3A_467], %swap3A_470 {strides = array<i32>} : memref<1x8x32x8x128xf32, #tpu.memory_space<vmem>>, vector<1x8x1x8x64xf32>,
    %get3A_471 = arith.constant 0 : index
    %get3A_472 = arith.constant 17 : index
    %get3A_473 = arith.constant 0 : index
    %get3A_474 = arith.constant 0 : index
    %get3A_475 = vector.load %arg1[%get3A_471, %get3A_472, %get3A_473, %get3A_474] : memref<1x32x64x128xf32, #tpu.memory_space<vmem>>, vector<1x1x64x128xf32>
    %get3A_476 = vector.shape_cast %get3A_475 : vector<1x1x64x128xf32> to vector<64x128xf32>
    %slice3A_477 = vector.extract_strided_slice %get3A_476 {offsets = [0, 0], sizes = [64, 64], strides = [1, 1]} : vector<64x128xf32> to vector<64x64xf32>
    %transpose3A_478 = tpu.transpose %slice3A_477, [1, 0] : vector<64x64xf32> -> vector<64x64xf32>
    %reshape3A_479 = vector.shape_cast %transpose3A_478 : vector<64x64xf32> to vector<8x8x64xf32>
    %swap3A_480 = arith.constant 0 : index
    %swap3A_481 = arith.constant 0 : index
    %swap3A_482 = arith.constant 17 : index
    %swap3A_483 = arith.constant 0 : index
    %swap3A_484 = arith.constant 0 : index
    %swap3A_485 = vector.load %arg2[%swap3A_480, %swap3A_481, %swap3A_482, %swap3A_483, %swap3A_484] : memref<1x8x32x8x128xf32, #tpu.memory_space<vmem>>, vector<1x8x1x8x64xf32>
    %swap3A_486 = vector.shape_cast %swap3A_485 : vector<1x8x1x8x64xf32> to vector<8x8x64xf32>
    %swap3A_487 = vector.shape_cast %reshape3A_479 : vector<8x8x64xf32> to vector<1x8x1x8x64xf32>
    tpu.vector_store %arg2[%swap3A_480, %swap3A_481, %swap3A_482, %swap3A_483, %swap3A_484], %swap3A_487 {strides = array<i32>} : memref<1x8x32x8x128xf32, #tpu.memory_space<vmem>>, vector<1x8x1x8x64xf32>,
    %slice3A_488 = vector.extract_strided_slice %get3A_476 {offsets = [0, 64], sizes = [64, 64], strides = [1, 1]} : vector<64x128xf32> to vector<64x64xf32>
    %transpose3A_489 = tpu.transpose %slice3A_488, [1, 0] : vector<64x64xf32> -> vector<64x64xf32>
    %reshape3A_490 = vector.shape_cast %transpose3A_489 : vector<64x64xf32> to vector<8x8x64xf32>
    %swap3A_491 = arith.constant 0 : index
    %swap3A_492 = arith.constant 0 : index
    %swap3A_493 = arith.constant 17 : index
    %swap3A_494 = arith.constant 0 : index
    %swap3A_495 = arith.constant 64 : index
    %swap3A_496 = vector.load %arg2[%swap3A_491, %swap3A_492, %swap3A_493, %swap3A_494, %swap3A_495] : memref<1x8x32x8x128xf32, #tpu.memory_space<vmem>>, vector<1x8x1x8x64xf32>
    %swap3A_497 = vector.shape_cast %swap3A_496 : vector<1x8x1x8x64xf32> to vector<8x8x64xf32>
    %swap3A_498 = vector.shape_cast %reshape3A_490 : vector<8x8x64xf32> to vector<1x8x1x8x64xf32>
    tpu.vector_store %arg2[%swap3A_491, %swap3A_492, %swap3A_493, %swap3A_494, %swap3A_495], %swap3A_498 {strides = array<i32>} : memref<1x8x32x8x128xf32, #tpu.memory_space<vmem>>, vector<1x8x1x8x64xf32>,
    %get3A_499 = arith.constant 0 : index
    %get3A_500 = arith.constant 18 : index
    %get3A_501 = arith.constant 0 : index
    %get3A_502 = arith.constant 0 : index
    %get3A_503 = vector.load %arg1[%get3A_499, %get3A_500, %get3A_501, %get3A_502] : memref<1x32x64x128xf32, #tpu.memory_space<vmem>>, vector<1x1x64x128xf32>
    %get3A_504 = vector.shape_cast %get3A_503 : vector<1x1x64x128xf32> to vector<64x128xf32>
    %slice3A_505 = vector.extract_strided_slice %get3A_504 {offsets = [0, 0], sizes = [64, 64], strides = [1, 1]} : vector<64x128xf32> to vector<64x64xf32>
    %transpose3A_506 = tpu.transpose %slice3A_505, [1, 0] : vector<64x64xf32> -> vector<64x64xf32>
    %reshape3A_507 = vector.shape_cast %transpose3A_506 : vector<64x64xf32> to vector<8x8x64xf32>
    %swap3A_508 = arith.constant 0 : index
    %swap3A_509 = arith.constant 0 : index
    %swap3A_510 = arith.constant 18 : index
    %swap3A_511 = arith.constant 0 : index
    %swap3A_512 = arith.constant 0 : index
    %swap3A_513 = vector.load %arg2[%swap3A_508, %swap3A_509, %swap3A_510, %swap3A_511, %swap3A_512] : memref<1x8x32x8x128xf32, #tpu.memory_space<vmem>>, vector<1x8x1x8x64xf32>
    %swap3A_514 = vector.shape_cast %swap3A_513 : vector<1x8x1x8x64xf32> to vector<8x8x64xf32>
    %swap3A_515 = vector.shape_cast %reshape3A_507 : vector<8x8x64xf32> to vector<1x8x1x8x64xf32>
    tpu.vector_store %arg2[%swap3A_508, %swap3A_509, %swap3A_510, %swap3A_511, %swap3A_512], %swap3A_515 {strides = array<i32>} : memref<1x8x32x8x128xf32, #tpu.memory_space<vmem>>, vector<1x8x1x8x64xf32>,
    %slice3A_516 = vector.extract_strided_slice %get3A_504 {offsets = [0, 64], sizes = [64, 64], strides = [1, 1]} : vector<64x128xf32> to vector<64x64xf32>
    %transpose3A_517 = tpu.transpose %slice3A_516, [1, 0] : vector<64x64xf32> -> vector<64x64xf32>
    %reshape3A_518 = vector.shape_cast %transpose3A_517 : vector<64x64xf32> to vector<8x8x64xf32>
    %swap3A_519 = arith.constant 0 : index
    %swap3A_520 = arith.constant 0 : index
    %swap3A_521 = arith.constant 18 : index
    %swap3A_522 = arith.constant 0 : index
    %swap3A_523 = arith.constant 64 : index
    %swap3A_524 = vector.load %arg2[%swap3A_519, %swap3A_520, %swap3A_521, %swap3A_522, %swap3A_523] : memref<1x8x32x8x128xf32, #tpu.memory_space<vmem>>, vector<1x8x1x8x64xf32>
    %swap3A_525 = vector.shape_cast %swap3A_524 : vector<1x8x1x8x64xf32> to vector<8x8x64xf32>
    %swap3A_526 = vector.shape_cast %reshape3A_518 : vector<8x8x64xf32> to vector<1x8x1x8x64xf32>
    tpu.vector_store %arg2[%swap3A_519, %swap3A_520, %swap3A_521, %swap3A_522, %swap3A_523], %swap3A_526 {strides = array<i32>} : memref<1x8x32x8x128xf32, #tpu.memory_space<vmem>>, vector<1x8x1x8x64xf32>,
    %get3A_527 = arith.constant 0 : index
    %get3A_528 = arith.constant 19 : index
    %get3A_529 = arith.constant 0 : index
    %get3A_530 = arith.constant 0 : index
    %get3A_531 = vector.load %arg1[%get3A_527, %get3A_528, %get3A_529, %get3A_530] : memref<1x32x64x128xf32, #tpu.memory_space<vmem>>, vector<1x1x64x128xf32>
    %get3A_532 = vector.shape_cast %get3A_531 : vector<1x1x64x128xf32> to vector<64x128xf32>
    %slice3A_533 = vector.extract_strided_slice %get3A_532 {offsets = [0, 0], sizes = [64, 64], strides = [1, 1]} : vector<64x128xf32> to vector<64x64xf32>
    %transpose3A_534 = tpu.transpose %slice3A_533, [1, 0] : vector<64x64xf32> -> vector<64x64xf32>
    %reshape3A_535 = vector.shape_cast %transpose3A_534 : vector<64x64xf32> to vector<8x8x64xf32>
    %swap3A_536 = arith.constant 0 : index
    %swap3A_537 = arith.constant 0 : index
    %swap3A_538 = arith.constant 19 : index
    %swap3A_539 = arith.constant 0 : index
    %swap3A_540 = arith.constant 0 : index
    %swap3A_541 = vector.load %arg2[%swap3A_536, %swap3A_537, %swap3A_538, %swap3A_539, %swap3A_540] : memref<1x8x32x8x128xf32, #tpu.memory_space<vmem>>, vector<1x8x1x8x64xf32>
    %swap3A_542 = vector.shape_cast %swap3A_541 : vector<1x8x1x8x64xf32> to vector<8x8x64xf32>
    %swap3A_543 = vector.shape_cast %reshape3A_535 : vector<8x8x64xf32> to vector<1x8x1x8x64xf32>
    tpu.vector_store %arg2[%swap3A_536, %swap3A_537, %swap3A_538, %swap3A_539, %swap3A_540], %swap3A_543 {strides = array<i32>} : memref<1x8x32x8x128xf32, #tpu.memory_space<vmem>>, vector<1x8x1x8x64xf32>,
    %slice3A_544 = vector.extract_strided_slice %get3A_532 {offsets = [0, 64], sizes = [64, 64], strides = [1, 1]} : vector<64x128xf32> to vector<64x64xf32>
    %transpose3A_545 = tpu.transpose %slice3A_544, [1, 0] : vector<64x64xf32> -> vector<64x64xf32>
    %reshape3A_546 = vector.shape_cast %transpose3A_545 : vector<64x64xf32> to vector<8x8x64xf32>
    %swap3A_547 = arith.constant 0 : index
    %swap3A_548 = arith.constant 0 : index
    %swap3A_549 = arith.constant 19 : index
    %swap3A_550 = arith.constant 0 : index
    %swap3A_551 = arith.constant 64 : index
    %swap3A_552 = vector.load %arg2[%swap3A_547, %swap3A_548, %swap3A_549, %swap3A_550, %swap3A_551] : memref<1x8x32x8x128xf32, #tpu.memory_space<vmem>>, vector<1x8x1x8x64xf32>
    %swap3A_553 = vector.shape_cast %swap3A_552 : vector<1x8x1x8x64xf32> to vector<8x8x64xf32>
    %swap3A_554 = vector.shape_cast %reshape3A_546 : vector<8x8x64xf32> to vector<1x8x1x8x64xf32>
    tpu.vector_store %arg2[%swap3A_547, %swap3A_548, %swap3A_549, %swap3A_550, %swap3A_551], %swap3A_554 {strides = array<i32>} : memref<1x8x32x8x128xf32, #tpu.memory_space<vmem>>, vector<1x8x1x8x64xf32>,
    %get3A_555 = arith.constant 0 : index
    %get3A_556 = arith.constant 20 : index
    %get3A_557 = arith.constant 0 : index
    %get3A_558 = arith.constant 0 : index
    %get3A_559 = vector.load %arg1[%get3A_555, %get3A_556, %get3A_557, %get3A_558] : memref<1x32x64x128xf32, #tpu.memory_space<vmem>>, vector<1x1x64x128xf32>
    %get3A_560 = vector.shape_cast %get3A_559 : vector<1x1x64x128xf32> to vector<64x128xf32>
    %slice3A_561 = vector.extract_strided_slice %get3A_560 {offsets = [0, 0], sizes = [64, 64], strides = [1, 1]} : vector<64x128xf32> to vector<64x64xf32>
    %transpose3A_562 = tpu.transpose %slice3A_561, [1, 0] : vector<64x64xf32> -> vector<64x64xf32>
    %reshape3A_563 = vector.shape_cast %transpose3A_562 : vector<64x64xf32> to vector<8x8x64xf32>
    %swap3A_564 = arith.constant 0 : index
    %swap3A_565 = arith.constant 0 : index
    %swap3A_566 = arith.constant 20 : index
    %swap3A_567 = arith.constant 0 : index
    %swap3A_568 = arith.constant 0 : index
    %swap3A_569 = vector.load %arg2[%swap3A_564, %swap3A_565, %swap3A_566, %swap3A_567, %swap3A_568] : memref<1x8x32x8x128xf32, #tpu.memory_space<vmem>>, vector<1x8x1x8x64xf32>
    %swap3A_570 = vector.shape_cast %swap3A_569 : vector<1x8x1x8x64xf32> to vector<8x8x64xf32>
    %swap3A_571 = vector.shape_cast %reshape3A_563 : vector<8x8x64xf32> to vector<1x8x1x8x64xf32>
    tpu.vector_store %arg2[%swap3A_564, %swap3A_565, %swap3A_566, %swap3A_567, %swap3A_568], %swap3A_571 {strides = array<i32>} : memref<1x8x32x8x128xf32, #tpu.memory_space<vmem>>, vector<1x8x1x8x64xf32>,
    %slice3A_572 = vector.extract_strided_slice %get3A_560 {offsets = [0, 64], sizes = [64, 64], strides = [1, 1]} : vector<64x128xf32> to vector<64x64xf32>
    %transpose3A_573 = tpu.transpose %slice3A_572, [1, 0] : vector<64x64xf32> -> vector<64x64xf32>
    %reshape3A_574 = vector.shape_cast %transpose3A_573 : vector<64x64xf32> to vector<8x8x64xf32>
    %swap3A_575 = arith.constant 0 : index
    %swap3A_576 = arith.constant 0 : index
    %swap3A_577 = arith.constant 20 : index
    %swap3A_578 = arith.constant 0 : index
    %swap3A_579 = arith.constant 64 : index
    %swap3A_580 = vector.load %arg2[%swap3A_575, %swap3A_576, %swap3A_577, %swap3A_578, %swap3A_579] : memref<1x8x32x8x128xf32, #tpu.memory_space<vmem>>, vector<1x8x1x8x64xf32>
    %swap3A_581 = vector.shape_cast %swap3A_580 : vector<1x8x1x8x64xf32> to vector<8x8x64xf32>
    %swap3A_582 = vector.shape_cast %reshape3A_574 : vector<8x8x64xf32> to vector<1x8x1x8x64xf32>
    tpu.vector_store %arg2[%swap3A_575, %swap3A_576, %swap3A_577, %swap3A_578, %swap3A_579], %swap3A_582 {strides = array<i32>} : memref<1x8x32x8x128xf32, #tpu.memory_space<vmem>>, vector<1x8x1x8x64xf32>,
    %get3A_583 = arith.constant 0 : index
    %get3A_584 = arith.constant 21 : index
    %get3A_585 = arith.constant 0 : index
    %get3A_586 = arith.constant 0 : index
    %get3A_587 = vector.load %arg1[%get3A_583, %get3A_584, %get3A_585, %get3A_586] : memref<1x32x64x128xf32, #tpu.memory_space<vmem>>, vector<1x1x64x128xf32>
    %get3A_588 = vector.shape_cast %get3A_587 : vector<1x1x64x128xf32> to vector<64x128xf32>
    %slice3A_589 = vector.extract_strided_slice %get3A_588 {offsets = [0, 0], sizes = [64, 64], strides = [1, 1]} : vector<64x128xf32> to vector<64x64xf32>
    %transpose3A_590 = tpu.transpose %slice3A_589, [1, 0] : vector<64x64xf32> -> vector<64x64xf32>
    %reshape3A_591 = vector.shape_cast %transpose3A_590 : vector<64x64xf32> to vector<8x8x64xf32>
    %swap3A_592 = arith.constant 0 : index
    %swap3A_593 = arith.constant 0 : index
    %swap3A_594 = arith.constant 21 : index
    %swap3A_595 = arith.constant 0 : index
    %swap3A_596 = arith.constant 0 : index
    %swap3A_597 = vector.load %arg2[%swap3A_592, %swap3A_593, %swap3A_594, %swap3A_595, %swap3A_596] : memref<1x8x32x8x128xf32, #tpu.memory_space<vmem>>, vector<1x8x1x8x64xf32>
    %swap3A_598 = vector.shape_cast %swap3A_597 : vector<1x8x1x8x64xf32> to vector<8x8x64xf32>
    %swap3A_599 = vector.shape_cast %reshape3A_591 : vector<8x8x64xf32> to vector<1x8x1x8x64xf32>
    tpu.vector_store %arg2[%swap3A_592, %swap3A_593, %swap3A_594, %swap3A_595, %swap3A_596], %swap3A_599 {strides = array<i32>} : memref<1x8x32x8x128xf32, #tpu.memory_space<vmem>>, vector<1x8x1x8x64xf32>,
    %slice3A_600 = vector.extract_strided_slice %get3A_588 {offsets = [0, 64], sizes = [64, 64], strides = [1, 1]} : vector<64x128xf32> to vector<64x64xf32>
    %transpose3A_601 = tpu.transpose %slice3A_600, [1, 0] : vector<64x64xf32> -> vector<64x64xf32>
    %reshape3A_602 = vector.shape_cast %transpose3A_601 : vector<64x64xf32> to vector<8x8x64xf32>
    %swap3A_603 = arith.constant 0 : index
    %swap3A_604 = arith.constant 0 : index
    %swap3A_605 = arith.constant 21 : index
    %swap3A_606 = arith.constant 0 : index
    %swap3A_607 = arith.constant 64 : index
    %swap3A_608 = vector.load %arg2[%swap3A_603, %swap3A_604, %swap3A_605, %swap3A_606, %swap3A_607] : memref<1x8x32x8x128xf32, #tpu.memory_space<vmem>>, vector<1x8x1x8x64xf32>
    %swap3A_609 = vector.shape_cast %swap3A_608 : vector<1x8x1x8x64xf32> to vector<8x8x64xf32>
    %swap3A_610 = vector.shape_cast %reshape3A_602 : vector<8x8x64xf32> to vector<1x8x1x8x64xf32>
    tpu.vector_store %arg2[%swap3A_603, %swap3A_604, %swap3A_605, %swap3A_606, %swap3A_607], %swap3A_610 {strides = array<i32>} : memref<1x8x32x8x128xf32, #tpu.memory_space<vmem>>, vector<1x8x1x8x64xf32>,
    %get3A_611 = arith.constant 0 : index
    %get3A_612 = arith.constant 22 : index
    %get3A_613 = arith.constant 0 : index
    %get3A_614 = arith.constant 0 : index
    %get3A_615 = vector.load %arg1[%get3A_611, %get3A_612, %get3A_613, %get3A_614] : memref<1x32x64x128xf32, #tpu.memory_space<vmem>>, vector<1x1x64x128xf32>
    %get3A_616 = vector.shape_cast %get3A_615 : vector<1x1x64x128xf32> to vector<64x128xf32>
    %slice3A_617 = vector.extract_strided_slice %get3A_616 {offsets = [0, 0], sizes = [64, 64], strides = [1, 1]} : vector<64x128xf32> to vector<64x64xf32>
    %transpose3A_618 = tpu.transpose %slice3A_617, [1, 0] : vector<64x64xf32> -> vector<64x64xf32>
    %reshape3A_619 = vector.shape_cast %transpose3A_618 : vector<64x64xf32> to vector<8x8x64xf32>
    %swap3A_620 = arith.constant 0 : index
    %swap3A_621 = arith.constant 0 : index
    %swap3A_622 = arith.constant 22 : index
    %swap3A_623 = arith.constant 0 : index
    %swap3A_624 = arith.constant 0 : index
    %swap3A_625 = vector.load %arg2[%swap3A_620, %swap3A_621, %swap3A_622, %swap3A_623, %swap3A_624] : memref<1x8x32x8x128xf32, #tpu.memory_space<vmem>>, vector<1x8x1x8x64xf32>
    %swap3A_626 = vector.shape_cast %swap3A_625 : vector<1x8x1x8x64xf32> to vector<8x8x64xf32>
    %swap3A_627 = vector.shape_cast %reshape3A_619 : vector<8x8x64xf32> to vector<1x8x1x8x64xf32>
    tpu.vector_store %arg2[%swap3A_620, %swap3A_621, %swap3A_622, %swap3A_623, %swap3A_624], %swap3A_627 {strides = array<i32>} : memref<1x8x32x8x128xf32, #tpu.memory_space<vmem>>, vector<1x8x1x8x64xf32>,
    %slice3A_628 = vector.extract_strided_slice %get3A_616 {offsets = [0, 64], sizes = [64, 64], strides = [1, 1]} : vector<64x128xf32> to vector<64x64xf32>
    %transpose3A_629 = tpu.transpose %slice3A_628, [1, 0] : vector<64x64xf32> -> vector<64x64xf32>
    %reshape3A_630 = vector.shape_cast %transpose3A_629 : vector<64x64xf32> to vector<8x8x64xf32>
    %swap3A_631 = arith.constant 0 : index
    %swap3A_632 = arith.constant 0 : index
    %swap3A_633 = arith.constant 22 : index
    %swap3A_634 = arith.constant 0 : index
    %swap3A_635 = arith.constant 64 : index
    %swap3A_636 = vector.load %arg2[%swap3A_631, %swap3A_632, %swap3A_633, %swap3A_634, %swap3A_635] : memref<1x8x32x8x128xf32, #tpu.memory_space<vmem>>, vector<1x8x1x8x64xf32>
    %swap3A_637 = vector.shape_cast %swap3A_636 : vector<1x8x1x8x64xf32> to vector<8x8x64xf32>
    %swap3A_638 = vector.shape_cast %reshape3A_630 : vector<8x8x64xf32> to vector<1x8x1x8x64xf32>
    tpu.vector_store %arg2[%swap3A_631, %swap3A_632, %swap3A_633, %swap3A_634, %swap3A_635], %swap3A_638 {strides = array<i32>} : memref<1x8x32x8x128xf32, #tpu.memory_space<vmem>>, vector<1x8x1x8x64xf32>,
    %get3A_639 = arith.constant 0 : index
    %get3A_640 = arith.constant 23 : index
    %get3A_641 = arith.constant 0 : index
    %get3A_642 = arith.constant 0 : index
    %get3A_643 = vector.load %arg1[%get3A_639, %get3A_640, %get3A_641, %get3A_642] : memref<1x32x64x128xf32, #tpu.memory_space<vmem>>, vector<1x1x64x128xf32>
    %get3A_644 = vector.shape_cast %get3A_643 : vector<1x1x64x128xf32> to vector<64x128xf32>
    %slice3A_645 = vector.extract_strided_slice %get3A_644 {offsets = [0, 0], sizes = [64, 64], strides = [1, 1]} : vector<64x128xf32> to vector<64x64xf32>
    %transpose3A_646 = tpu.transpose %slice3A_645, [1, 0] : vector<64x64xf32> -> vector<64x64xf32>
    %reshape3A_647 = vector.shape_cast %transpose3A_646 : vector<64x64xf32> to vector<8x8x64xf32>
    %swap3A_648 = arith.constant 0 : index
    %swap3A_649 = arith.constant 0 : index
    %swap3A_650 = arith.constant 23 : index
    %swap3A_651 = arith.constant 0 : index
    %swap3A_652 = arith.constant 0 : index
    %swap3A_653 = vector.load %arg2[%swap3A_648, %swap3A_649, %swap3A_650, %swap3A_651, %swap3A_652] : memref<1x8x32x8x128xf32, #tpu.memory_space<vmem>>, vector<1x8x1x8x64xf32>
    %swap3A_654 = vector.shape_cast %swap3A_653 : vector<1x8x1x8x64xf32> to vector<8x8x64xf32>
    %swap3A_655 = vector.shape_cast %reshape3A_647 : vector<8x8x64xf32> to vector<1x8x1x8x64xf32>
    tpu.vector_store %arg2[%swap3A_648, %swap3A_649, %swap3A_650, %swap3A_651, %swap3A_652], %swap3A_655 {strides = array<i32>} : memref<1x8x32x8x128xf32, #tpu.memory_space<vmem>>, vector<1x8x1x8x64xf32>,
    %slice3A_656 = vector.extract_strided_slice %get3A_644 {offsets = [0, 64], sizes = [64, 64], strides = [1, 1]} : vector<64x128xf32> to vector<64x64xf32>
    %transpose3A_657 = tpu.transpose %slice3A_656, [1, 0] : vector<64x64xf32> -> vector<64x64xf32>
    %reshape3A_658 = vector.shape_cast %transpose3A_657 : vector<64x64xf32> to vector<8x8x64xf32>
    %swap3A_659 = arith.constant 0 : index
    %swap3A_660 = arith.constant 0 : index
    %swap3A_661 = arith.constant 23 : index
    %swap3A_662 = arith.constant 0 : index
    %swap3A_663 = arith.constant 64 : index
    %swap3A_664 = vector.load %arg2[%swap3A_659, %swap3A_660, %swap3A_661, %swap3A_662, %swap3A_663] : memref<1x8x32x8x128xf32, #tpu.memory_space<vmem>>, vector<1x8x1x8x64xf32>
    %swap3A_665 = vector.shape_cast %swap3A_664 : vector<1x8x1x8x64xf32> to vector<8x8x64xf32>
    %swap3A_666 = vector.shape_cast %reshape3A_658 : vector<8x8x64xf32> to vector<1x8x1x8x64xf32>
    tpu.vector_store %arg2[%swap3A_659, %swap3A_660, %swap3A_661, %swap3A_662, %swap3A_663], %swap3A_666 {strides = array<i32>} : memref<1x8x32x8x128xf32, #tpu.memory_space<vmem>>, vector<1x8x1x8x64xf32>,
    %get3A_667 = arith.constant 0 : index
    %get3A_668 = arith.constant 24 : index
    %get3A_669 = arith.constant 0 : index
    %get3A_670 = arith.constant 0 : index
    %get3A_671 = vector.load %arg1[%get3A_667, %get3A_668, %get3A_669, %get3A_670] : memref<1x32x64x128xf32, #tpu.memory_space<vmem>>, vector<1x1x64x128xf32>
    %get3A_672 = vector.shape_cast %get3A_671 : vector<1x1x64x128xf32> to vector<64x128xf32>
    %slice3A_673 = vector.extract_strided_slice %get3A_672 {offsets = [0, 0], sizes = [64, 64], strides = [1, 1]} : vector<64x128xf32> to vector<64x64xf32>
    %transpose3A_674 = tpu.transpose %slice3A_673, [1, 0] : vector<64x64xf32> -> vector<64x64xf32>
    %reshape3A_675 = vector.shape_cast %transpose3A_674 : vector<64x64xf32> to vector<8x8x64xf32>
    %swap3A_676 = arith.constant 0 : index
    %swap3A_677 = arith.constant 0 : index
    %swap3A_678 = arith.constant 24 : index
    %swap3A_679 = arith.constant 0 : index
    %swap3A_680 = arith.constant 0 : index
    %swap3A_681 = vector.load %arg2[%swap3A_676, %swap3A_677, %swap3A_678, %swap3A_679, %swap3A_680] : memref<1x8x32x8x128xf32, #tpu.memory_space<vmem>>, vector<1x8x1x8x64xf32>
    %swap3A_682 = vector.shape_cast %swap3A_681 : vector<1x8x1x8x64xf32> to vector<8x8x64xf32>
    %swap3A_683 = vector.shape_cast %reshape3A_675 : vector<8x8x64xf32> to vector<1x8x1x8x64xf32>
    tpu.vector_store %arg2[%swap3A_676, %swap3A_677, %swap3A_678, %swap3A_679, %swap3A_680], %swap3A_683 {strides = array<i32>} : memref<1x8x32x8x128xf32, #tpu.memory_space<vmem>>, vector<1x8x1x8x64xf32>,
    %slice3A_684 = vector.extract_strided_slice %get3A_672 {offsets = [0, 64], sizes = [64, 64], strides = [1, 1]} : vector<64x128xf32> to vector<64x64xf32>
    %transpose3A_685 = tpu.transpose %slice3A_684, [1, 0] : vector<64x64xf32> -> vector<64x64xf32>
    %reshape3A_686 = vector.shape_cast %transpose3A_685 : vector<64x64xf32> to vector<8x8x64xf32>
    %swap3A_687 = arith.constant 0 : index
    %swap3A_688 = arith.constant 0 : index
    %swap3A_689 = arith.constant 24 : index
    %swap3A_690 = arith.constant 0 : index
    %swap3A_691 = arith.constant 64 : index
    %swap3A_692 = vector.load %arg2[%swap3A_687, %swap3A_688, %swap3A_689, %swap3A_690, %swap3A_691] : memref<1x8x32x8x128xf32, #tpu.memory_space<vmem>>, vector<1x8x1x8x64xf32>
    %swap3A_693 = vector.shape_cast %swap3A_692 : vector<1x8x1x8x64xf32> to vector<8x8x64xf32>
    %swap3A_694 = vector.shape_cast %reshape3A_686 : vector<8x8x64xf32> to vector<1x8x1x8x64xf32>
    tpu.vector_store %arg2[%swap3A_687, %swap3A_688, %swap3A_689, %swap3A_690, %swap3A_691], %swap3A_694 {strides = array<i32>} : memref<1x8x32x8x128xf32, #tpu.memory_space<vmem>>, vector<1x8x1x8x64xf32>,
    %get3A_695 = arith.constant 0 : index
    %get3A_696 = arith.constant 25 : index
    %get3A_697 = arith.constant 0 : index
    %get3A_698 = arith.constant 0 : index
    %get3A_699 = vector.load %arg1[%get3A_695, %get3A_696, %get3A_697, %get3A_698] : memref<1x32x64x128xf32, #tpu.memory_space<vmem>>, vector<1x1x64x128xf32>
    %get3A_700 = vector.shape_cast %get3A_699 : vector<1x1x64x128xf32> to vector<64x128xf32>
    %slice3A_701 = vector.extract_strided_slice %get3A_700 {offsets = [0, 0], sizes = [64, 64], strides = [1, 1]} : vector<64x128xf32> to vector<64x64xf32>
    %transpose3A_702 = tpu.transpose %slice3A_701, [1, 0] : vector<64x64xf32> -> vector<64x64xf32>
    %reshape3A_703 = vector.shape_cast %transpose3A_702 : vector<64x64xf32> to vector<8x8x64xf32>
    %swap3A_704 = arith.constant 0 : index
    %swap3A_705 = arith.constant 0 : index
    %swap3A_706 = arith.constant 25 : index
    %swap3A_707 = arith.constant 0 : index
    %swap3A_708 = arith.constant 0 : index
    %swap3A_709 = vector.load %arg2[%swap3A_704, %swap3A_705, %swap3A_706, %swap3A_707, %swap3A_708] : memref<1x8x32x8x128xf32, #tpu.memory_space<vmem>>, vector<1x8x1x8x64xf32>
    %swap3A_710 = vector.shape_cast %swap3A_709 : vector<1x8x1x8x64xf32> to vector<8x8x64xf32>
    %swap3A_711 = vector.shape_cast %reshape3A_703 : vector<8x8x64xf32> to vector<1x8x1x8x64xf32>
    tpu.vector_store %arg2[%swap3A_704, %swap3A_705, %swap3A_706, %swap3A_707, %swap3A_708], %swap3A_711 {strides = array<i32>} : memref<1x8x32x8x128xf32, #tpu.memory_space<vmem>>, vector<1x8x1x8x64xf32>,
    %slice3A_712 = vector.extract_strided_slice %get3A_700 {offsets = [0, 64], sizes = [64, 64], strides = [1, 1]} : vector<64x128xf32> to vector<64x64xf32>
    %transpose3A_713 = tpu.transpose %slice3A_712, [1, 0] : vector<64x64xf32> -> vector<64x64xf32>
    %reshape3A_714 = vector.shape_cast %transpose3A_713 : vector<64x64xf32> to vector<8x8x64xf32>
    %swap3A_715 = arith.constant 0 : index
    %swap3A_716 = arith.constant 0 : index
    %swap3A_717 = arith.constant 25 : index
    %swap3A_718 = arith.constant 0 : index
    %swap3A_719 = arith.constant 64 : index
    %swap3A_720 = vector.load %arg2[%swap3A_715, %swap3A_716, %swap3A_717, %swap3A_718, %swap3A_719] : memref<1x8x32x8x128xf32, #tpu.memory_space<vmem>>, vector<1x8x1x8x64xf32>
    %swap3A_721 = vector.shape_cast %swap3A_720 : vector<1x8x1x8x64xf32> to vector<8x8x64xf32>
    %swap3A_722 = vector.shape_cast %reshape3A_714 : vector<8x8x64xf32> to vector<1x8x1x8x64xf32>
    tpu.vector_store %arg2[%swap3A_715, %swap3A_716, %swap3A_717, %swap3A_718, %swap3A_719], %swap3A_722 {strides = array<i32>} : memref<1x8x32x8x128xf32, #tpu.memory_space<vmem>>, vector<1x8x1x8x64xf32>,
    %get3A_723 = arith.constant 0 : index
    %get3A_724 = arith.constant 26 : index
    %get3A_725 = arith.constant 0 : index
    %get3A_726 = arith.constant 0 : index
    %get3A_727 = vector.load %arg1[%get3A_723, %get3A_724, %get3A_725, %get3A_726] : memref<1x32x64x128xf32, #tpu.memory_space<vmem>>, vector<1x1x64x128xf32>
    %get3A_728 = vector.shape_cast %get3A_727 : vector<1x1x64x128xf32> to vector<64x128xf32>
    %slice3A_729 = vector.extract_strided_slice %get3A_728 {offsets = [0, 0], sizes = [64, 64], strides = [1, 1]} : vector<64x128xf32> to vector<64x64xf32>
    %transpose3A_730 = tpu.transpose %slice3A_729, [1, 0] : vector<64x64xf32> -> vector<64x64xf32>
    %reshape3A_731 = vector.shape_cast %transpose3A_730 : vector<64x64xf32> to vector<8x8x64xf32>
    %swap3A_732 = arith.constant 0 : index
    %swap3A_733 = arith.constant 0 : index
    %swap3A_734 = arith.constant 26 : index
    %swap3A_735 = arith.constant 0 : index
    %swap3A_736 = arith.constant 0 : index
    %swap3A_737 = vector.load %arg2[%swap3A_732, %swap3A_733, %swap3A_734, %swap3A_735, %swap3A_736] : memref<1x8x32x8x128xf32, #tpu.memory_space<vmem>>, vector<1x8x1x8x64xf32>
    %swap3A_738 = vector.shape_cast %swap3A_737 : vector<1x8x1x8x64xf32> to vector<8x8x64xf32>
    %swap3A_739 = vector.shape_cast %reshape3A_731 : vector<8x8x64xf32> to vector<1x8x1x8x64xf32>
    tpu.vector_store %arg2[%swap3A_732, %swap3A_733, %swap3A_734, %swap3A_735, %swap3A_736], %swap3A_739 {strides = array<i32>} : memref<1x8x32x8x128xf32, #tpu.memory_space<vmem>>, vector<1x8x1x8x64xf32>,
    %slice3A_740 = vector.extract_strided_slice %get3A_728 {offsets = [0, 64], sizes = [64, 64], strides = [1, 1]} : vector<64x128xf32> to vector<64x64xf32>
    %transpose3A_741 = tpu.transpose %slice3A_740, [1, 0] : vector<64x64xf32> -> vector<64x64xf32>
    %reshape3A_742 = vector.shape_cast %transpose3A_741 : vector<64x64xf32> to vector<8x8x64xf32>
    %swap3A_743 = arith.constant 0 : index
    %swap3A_744 = arith.constant 0 : index
    %swap3A_745 = arith.constant 26 : index
    %swap3A_746 = arith.constant 0 : index
    %swap3A_747 = arith.constant 64 : index
    %swap3A_748 = vector.load %arg2[%swap3A_743, %swap3A_744, %swap3A_745, %swap3A_746, %swap3A_747] : memref<1x8x32x8x128xf32, #tpu.memory_space<vmem>>, vector<1x8x1x8x64xf32>
    %swap3A_749 = vector.shape_cast %swap3A_748 : vector<1x8x1x8x64xf32> to vector<8x8x64xf32>
    %swap3A_750 = vector.shape_cast %reshape3A_742 : vector<8x8x64xf32> to vector<1x8x1x8x64xf32>
    tpu.vector_store %arg2[%swap3A_743, %swap3A_744, %swap3A_745, %swap3A_746, %swap3A_747], %swap3A_750 {strides = array<i32>} : memref<1x8x32x8x128xf32, #tpu.memory_space<vmem>>, vector<1x8x1x8x64xf32>,
    %get3A_751 = arith.constant 0 : index
    %get3A_752 = arith.constant 27 : index
    %get3A_753 = arith.constant 0 : index
    %get3A_754 = arith.constant 0 : index
    %get3A_755 = vector.load %arg1[%get3A_751, %get3A_752, %get3A_753, %get3A_754] : memref<1x32x64x128xf32, #tpu.memory_space<vmem>>, vector<1x1x64x128xf32>
    %get3A_756 = vector.shape_cast %get3A_755 : vector<1x1x64x128xf32> to vector<64x128xf32>
    %slice3A_757 = vector.extract_strided_slice %get3A_756 {offsets = [0, 0], sizes = [64, 64], strides = [1, 1]} : vector<64x128xf32> to vector<64x64xf32>
    %transpose3A_758 = tpu.transpose %slice3A_757, [1, 0] : vector<64x64xf32> -> vector<64x64xf32>
    %reshape3A_759 = vector.shape_cast %transpose3A_758 : vector<64x64xf32> to vector<8x8x64xf32>
    %swap3A_760 = arith.constant 0 : index
    %swap3A_761 = arith.constant 0 : index
    %swap3A_762 = arith.constant 27 : index
    %swap3A_763 = arith.constant 0 : index
    %swap3A_764 = arith.constant 0 : index
    %swap3A_765 = vector.load %arg2[%swap3A_760, %swap3A_761, %swap3A_762, %swap3A_763, %swap3A_764] : memref<1x8x32x8x128xf32, #tpu.memory_space<vmem>>, vector<1x8x1x8x64xf32>
    %swap3A_766 = vector.shape_cast %swap3A_765 : vector<1x8x1x8x64xf32> to vector<8x8x64xf32>
    %swap3A_767 = vector.shape_cast %reshape3A_759 : vector<8x8x64xf32> to vector<1x8x1x8x64xf32>
    tpu.vector_store %arg2[%swap3A_760, %swap3A_761, %swap3A_762, %swap3A_763, %swap3A_764], %swap3A_767 {strides = array<i32>} : memref<1x8x32x8x128xf32, #tpu.memory_space<vmem>>, vector<1x8x1x8x64xf32>,
    %slice3A_768 = vector.extract_strided_slice %get3A_756 {offsets = [0, 64], sizes = [64, 64], strides = [1, 1]} : vector<64x128xf32> to vector<64x64xf32>
    %transpose3A_769 = tpu.transpose %slice3A_768, [1, 0] : vector<64x64xf32> -> vector<64x64xf32>
    %reshape3A_770 = vector.shape_cast %transpose3A_769 : vector<64x64xf32> to vector<8x8x64xf32>
    %swap3A_771 = arith.constant 0 : index
    %swap3A_772 = arith.constant 0 : index
    %swap3A_773 = arith.constant 27 : index
    %swap3A_774 = arith.constant 0 : index
    %swap3A_775 = arith.constant 64 : index
    %swap3A_776 = vector.load %arg2[%swap3A_771, %swap3A_772, %swap3A_773, %swap3A_774, %swap3A_775] : memref<1x8x32x8x128xf32, #tpu.memory_space<vmem>>, vector<1x8x1x8x64xf32>
    %swap3A_777 = vector.shape_cast %swap3A_776 : vector<1x8x1x8x64xf32> to vector<8x8x64xf32>
    %swap3A_778 = vector.shape_cast %reshape3A_770 : vector<8x8x64xf32> to vector<1x8x1x8x64xf32>
    tpu.vector_store %arg2[%swap3A_771, %swap3A_772, %swap3A_773, %swap3A_774, %swap3A_775], %swap3A_778 {strides = array<i32>} : memref<1x8x32x8x128xf32, #tpu.memory_space<vmem>>, vector<1x8x1x8x64xf32>,
    %get3A_779 = arith.constant 0 : index
    %get3A_780 = arith.constant 28 : index
    %get3A_781 = arith.constant 0 : index
    %get3A_782 = arith.constant 0 : index
    %get3A_783 = vector.load %arg1[%get3A_779, %get3A_780, %get3A_781, %get3A_782] : memref<1x32x64x128xf32, #tpu.memory_space<vmem>>, vector<1x1x64x128xf32>
    %get3A_784 = vector.shape_cast %get3A_783 : vector<1x1x64x128xf32> to vector<64x128xf32>
    %slice3A_785 = vector.extract_strided_slice %get3A_784 {offsets = [0, 0], sizes = [64, 64], strides = [1, 1]} : vector<64x128xf32> to vector<64x64xf32>
    %transpose3A_786 = tpu.transpose %slice3A_785, [1, 0] : vector<64x64xf32> -> vector<64x64xf32>
    %reshape3A_787 = vector.shape_cast %transpose3A_786 : vector<64x64xf32> to vector<8x8x64xf32>
    %swap3A_788 = arith.constant 0 : index
    %swap3A_789 = arith.constant 0 : index
    %swap3A_790 = arith.constant 28 : index
    %swap3A_791 = arith.constant 0 : index
    %swap3A_792 = arith.constant 0 : index
    %swap3A_793 = vector.load %arg2[%swap3A_788, %swap3A_789, %swap3A_790, %swap3A_791, %swap3A_792] : memref<1x8x32x8x128xf32, #tpu.memory_space<vmem>>, vector<1x8x1x8x64xf32>
    %swap3A_794 = vector.shape_cast %swap3A_793 : vector<1x8x1x8x64xf32> to vector<8x8x64xf32>
    %swap3A_795 = vector.shape_cast %reshape3A_787 : vector<8x8x64xf32> to vector<1x8x1x8x64xf32>
    tpu.vector_store %arg2[%swap3A_788, %swap3A_789, %swap3A_790, %swap3A_791, %swap3A_792], %swap3A_795 {strides = array<i32>} : memref<1x8x32x8x128xf32, #tpu.memory_space<vmem>>, vector<1x8x1x8x64xf32>,
    %slice3A_796 = vector.extract_strided_slice %get3A_784 {offsets = [0, 64], sizes = [64, 64], strides = [1, 1]} : vector<64x128xf32> to vector<64x64xf32>
    %transpose3A_797 = tpu.transpose %slice3A_796, [1, 0] : vector<64x64xf32> -> vector<64x64xf32>
    %reshape3A_798 = vector.shape_cast %transpose3A_797 : vector<64x64xf32> to vector<8x8x64xf32>
    %swap3A_799 = arith.constant 0 : index
    %swap3A_800 = arith.constant 0 : index
    %swap3A_801 = arith.constant 28 : index
    %swap3A_802 = arith.constant 0 : index
    %swap3A_803 = arith.constant 64 : index
    %swap3A_804 = vector.load %arg2[%swap3A_799, %swap3A_800, %swap3A_801, %swap3A_802, %swap3A_803] : memref<1x8x32x8x128xf32, #tpu.memory_space<vmem>>, vector<1x8x1x8x64xf32>
    %swap3A_805 = vector.shape_cast %swap3A_804 : vector<1x8x1x8x64xf32> to vector<8x8x64xf32>
    %swap3A_806 = vector.shape_cast %reshape3A_798 : vector<8x8x64xf32> to vector<1x8x1x8x64xf32>
    tpu.vector_store %arg2[%swap3A_799, %swap3A_800, %swap3A_801, %swap3A_802, %swap3A_803], %swap3A_806 {strides = array<i32>} : memref<1x8x32x8x128xf32, #tpu.memory_space<vmem>>, vector<1x8x1x8x64xf32>,
    %get3A_807 = arith.constant 0 : index
    %get3A_808 = arith.constant 29 : index
    %get3A_809 = arith.constant 0 : index
    %get3A_810 = arith.constant 0 : index
    %get3A_811 = vector.load %arg1[%get3A_807, %get3A_808, %get3A_809, %get3A_810] : memref<1x32x64x128xf32, #tpu.memory_space<vmem>>, vector<1x1x64x128xf32>
    %get3A_812 = vector.shape_cast %get3A_811 : vector<1x1x64x128xf32> to vector<64x128xf32>
    %slice3A_813 = vector.extract_strided_slice %get3A_812 {offsets = [0, 0], sizes = [64, 64], strides = [1, 1]} : vector<64x128xf32> to vector<64x64xf32>
    %transpose3A_814 = tpu.transpose %slice3A_813, [1, 0] : vector<64x64xf32> -> vector<64x64xf32>
    %reshape3A_815 = vector.shape_cast %transpose3A_814 : vector<64x64xf32> to vector<8x8x64xf32>
    %swap3A_816 = arith.constant 0 : index
    %swap3A_817 = arith.constant 0 : index
    %swap3A_818 = arith.constant 29 : index
    %swap3A_819 = arith.constant 0 : index
    %swap3A_820 = arith.constant 0 : index
    %swap3A_821 = vector.load %arg2[%swap3A_816, %swap3A_817, %swap3A_818, %swap3A_819, %swap3A_820] : memref<1x8x32x8x128xf32, #tpu.memory_space<vmem>>, vector<1x8x1x8x64xf32>
    %swap3A_822 = vector.shape_cast %swap3A_821 : vector<1x8x1x8x64xf32> to vector<8x8x64xf32>
    %swap3A_823 = vector.shape_cast %reshape3A_815 : vector<8x8x64xf32> to vector<1x8x1x8x64xf32>
    tpu.vector_store %arg2[%swap3A_816, %swap3A_817, %swap3A_818, %swap3A_819, %swap3A_820], %swap3A_823 {strides = array<i32>} : memref<1x8x32x8x128xf32, #tpu.memory_space<vmem>>, vector<1x8x1x8x64xf32>,
    %slice3A_824 = vector.extract_strided_slice %get3A_812 {offsets = [0, 64], sizes = [64, 64], strides = [1, 1]} : vector<64x128xf32> to vector<64x64xf32>
    %transpose3A_825 = tpu.transpose %slice3A_824, [1, 0] : vector<64x64xf32> -> vector<64x64xf32>
    %reshape3A_826 = vector.shape_cast %transpose3A_825 : vector<64x64xf32> to vector<8x8x64xf32>
    %swap3A_827 = arith.constant 0 : index
    %swap3A_828 = arith.constant 0 : index
    %swap3A_829 = arith.constant 29 : index
    %swap3A_830 = arith.constant 0 : index
    %swap3A_831 = arith.constant 64 : index
    %swap3A_832 = vector.load %arg2[%swap3A_827, %swap3A_828, %swap3A_829, %swap3A_830, %swap3A_831] : memref<1x8x32x8x128xf32, #tpu.memory_space<vmem>>, vector<1x8x1x8x64xf32>
    %swap3A_833 = vector.shape_cast %swap3A_832 : vector<1x8x1x8x64xf32> to vector<8x8x64xf32>
    %swap3A_834 = vector.shape_cast %reshape3A_826 : vector<8x8x64xf32> to vector<1x8x1x8x64xf32>
    tpu.vector_store %arg2[%swap3A_827, %swap3A_828, %swap3A_829, %swap3A_830, %swap3A_831], %swap3A_834 {strides = array<i32>} : memref<1x8x32x8x128xf32, #tpu.memory_space<vmem>>, vector<1x8x1x8x64xf32>,
    %get3A_835 = arith.constant 0 : index
    %get3A_836 = arith.constant 30 : index
    %get3A_837 = arith.constant 0 : index
    %get3A_838 = arith.constant 0 : index
    %get3A_839 = vector.load %arg1[%get3A_835, %get3A_836, %get3A_837, %get3A_838] : memref<1x32x64x128xf32, #tpu.memory_space<vmem>>, vector<1x1x64x128xf32>
    %get3A_840 = vector.shape_cast %get3A_839 : vector<1x1x64x128xf32> to vector<64x128xf32>
    %slice3A_841 = vector.extract_strided_slice %get3A_840 {offsets = [0, 0], sizes = [64, 64], strides = [1, 1]} : vector<64x128xf32> to vector<64x64xf32>
    %transpose3A_842 = tpu.transpose %slice3A_841, [1, 0] : vector<64x64xf32> -> vector<64x64xf32>
    %reshape3A_843 = vector.shape_cast %transpose3A_842 : vector<64x64xf32> to vector<8x8x64xf32>
    %swap3A_844 = arith.constant 0 : index
    %swap3A_845 = arith.constant 0 : index
    %swap3A_846 = arith.constant 30 : index
    %swap3A_847 = arith.constant 0 : index
    %swap3A_848 = arith.constant 0 : index
    %swap3A_849 = vector.load %arg2[%swap3A_844, %swap3A_845, %swap3A_846, %swap3A_847, %swap3A_848] : memref<1x8x32x8x128xf32, #tpu.memory_space<vmem>>, vector<1x8x1x8x64xf32>
    %swap3A_850 = vector.shape_cast %swap3A_849 : vector<1x8x1x8x64xf32> to vector<8x8x64xf32>
    %swap3A_851 = vector.shape_cast %reshape3A_843 : vector<8x8x64xf32> to vector<1x8x1x8x64xf32>
    tpu.vector_store %arg2[%swap3A_844, %swap3A_845, %swap3A_846, %swap3A_847, %swap3A_848], %swap3A_851 {strides = array<i32>} : memref<1x8x32x8x128xf32, #tpu.memory_space<vmem>>, vector<1x8x1x8x64xf32>,
    %slice3A_852 = vector.extract_strided_slice %get3A_840 {offsets = [0, 64], sizes = [64, 64], strides = [1, 1]} : vector<64x128xf32> to vector<64x64xf32>
    %transpose3A_853 = tpu.transpose %slice3A_852, [1, 0] : vector<64x64xf32> -> vector<64x64xf32>
    %reshape3A_854 = vector.shape_cast %transpose3A_853 : vector<64x64xf32> to vector<8x8x64xf32>
    %swap3A_855 = arith.constant 0 : index
    %swap3A_856 = arith.constant 0 : index
    %swap3A_857 = arith.constant 30 : index
    %swap3A_858 = arith.constant 0 : index
    %swap3A_859 = arith.constant 64 : index
    %swap3A_860 = vector.load %arg2[%swap3A_855, %swap3A_856, %swap3A_857, %swap3A_858, %swap3A_859] : memref<1x8x32x8x128xf32, #tpu.memory_space<vmem>>, vector<1x8x1x8x64xf32>
    %swap3A_861 = vector.shape_cast %swap3A_860 : vector<1x8x1x8x64xf32> to vector<8x8x64xf32>
    %swap3A_862 = vector.shape_cast %reshape3A_854 : vector<8x8x64xf32> to vector<1x8x1x8x64xf32>
    tpu.vector_store %arg2[%swap3A_855, %swap3A_856, %swap3A_857, %swap3A_858, %swap3A_859], %swap3A_862 {strides = array<i32>} : memref<1x8x32x8x128xf32, #tpu.memory_space<vmem>>, vector<1x8x1x8x64xf32>,
    %get3A_863 = arith.constant 0 : index
    %get3A_864 = arith.constant 31 : index
    %get3A_865 = arith.constant 0 : index
    %get3A_866 = arith.constant 0 : index
    %get3A_867 = vector.load %arg1[%get3A_863, %get3A_864, %get3A_865, %get3A_866] : memref<1x32x64x128xf32, #tpu.memory_space<vmem>>, vector<1x1x64x128xf32>
    %get3A_868 = vector.shape_cast %get3A_867 : vector<1x1x64x128xf32> to vector<64x128xf32>
    %slice3A_869 = vector.extract_strided_slice %get3A_868 {offsets = [0, 0], sizes = [64, 64], strides = [1, 1]} : vector<64x128xf32> to vector<64x64xf32>
    %transpose3A_870 = tpu.transpose %slice3A_869, [1, 0] : vector<64x64xf32> -> vector<64x64xf32>
    %reshape3A_871 = vector.shape_cast %transpose3A_870 : vector<64x64xf32> to vector<8x8x64xf32>
    %swap3A_872 = arith.constant 0 : index
    %swap3A_873 = arith.constant 0 : index
    %swap3A_874 = arith.constant 31 : index
    %swap3A_875 = arith.constant 0 : index
    %swap3A_876 = arith.constant 0 : index
    %swap3A_877 = vector.load %arg2[%swap3A_872, %swap3A_873, %swap3A_874, %swap3A_875, %swap3A_876] : memref<1x8x32x8x128xf32, #tpu.memory_space<vmem>>, vector<1x8x1x8x64xf32>
    %swap3A_878 = vector.shape_cast %swap3A_877 : vector<1x8x1x8x64xf32> to vector<8x8x64xf32>
    %swap3A_879 = vector.shape_cast %reshape3A_871 : vector<8x8x64xf32> to vector<1x8x1x8x64xf32>
    tpu.vector_store %arg2[%swap3A_872, %swap3A_873, %swap3A_874, %swap3A_875, %swap3A_876], %swap3A_879 {strides = array<i32>} : memref<1x8x32x8x128xf32, #tpu.memory_space<vmem>>, vector<1x8x1x8x64xf32>,
    %slice3A_880 = vector.extract_strided_slice %get3A_868 {offsets = [0, 64], sizes = [64, 64], strides = [1, 1]} : vector<64x128xf32> to vector<64x64xf32>
    %transpose3A_881 = tpu.transpose %slice3A_880, [1, 0] : vector<64x64xf32> -> vector<64x64xf32>
    %reshape3A_882 = vector.shape_cast %transpose3A_881 : vector<64x64xf32> to vector<8x8x64xf32>
    %swap3A_883 = arith.constant 0 : index
    %swap3A_884 = arith.constant 0 : index
    %swap3A_885 = arith.constant 31 : index
    %swap3A_886 = arith.constant 0 : index
    %swap3A_887 = arith.constant 64 : index
    %swap3A_888 = vector.load %arg2[%swap3A_883, %swap3A_884, %swap3A_885, %swap3A_886, %swap3A_887] : memref<1x8x32x8x128xf32, #tpu.memory_space<vmem>>, vector<1x8x1x8x64xf32>
    %swap3A_889 = vector.shape_cast %swap3A_888 : vector<1x8x1x8x64xf32> to vector<8x8x64xf32>
    %swap3A_890 = vector.shape_cast %reshape3A_882 : vector<8x8x64xf32> to vector<1x8x1x8x64xf32>
    tpu.vector_store %arg2[%swap3A_883, %swap3A_884, %swap3A_885, %swap3A_886, %swap3A_887], %swap3A_890 {strides = array<i32>} : memref<1x8x32x8x128xf32, #tpu.memory_space<vmem>>, vector<1x8x1x8x64xf32>,
    return
  }
  func.func @transform_0(%arg0: i32) -> (i32, i32, i32, i32) {
    %c0_i32 = arith.constant 0 : i32
    %c0_i32_0 = arith.constant 0 : i32
    %c0_i32_1 = arith.constant 0 : i32
    %c0_i32_2 = arith.constant 0 : i32
    return %arg0, %c0_i32, %c0_i32_0, %c0_i32_1 : i32, i32, i32, i32
  }
  func.func @transform_1(%arg0: i32) -> (i32, i32, i32, i32, i32) {
    %c0_i32 = arith.constant 0 : i32
    %c0_i32_0 = arith.constant 0 : i32
    %c0_i32_1 = arith.constant 0 : i32
    %c0_i32_2 = arith.constant 0 : i32
    %c0_i32_3 = arith.constant 0 : i32
    return %arg0, %c0_i32, %c0_i32_0, %c0_i32_1, %c0_i32_2 : i32, i32, i32, i32, i32
  }
}

</mosaic_0001>

<sc_bundles>
// kernel: kernel.5.cloned.1.call-start
scs
__scs_entry_jumppad:
0x0: {  	(pc) =	sbr.rel $0x88, $3  }
0x1: {  	(tag) =	ssettag $0x0;
	lr =	simm.s32 $0x1  }
0x2: {  	[smem:$0x3F9F] =	sst lr;
	_ =	strace $0xD0000000  }
0x3: {  	_ = 	snop  }
0x4: {  	_ = 	snop  }
0x5: {  	_ = 	snop  }
0x6: {  	_ = 	snop  }
0x7: {  	_ = 	snop  }
__scs_overlays_trampoline_lowered:
0x8: {  	[smem:$0x3FAE] =	sst s0  }
0x9: {  	[smem:$0x3FAF] =	sst s1  }
0xa: {  	[smem:$0x3FB0] =	sst s2  }
0xb: {  	[smem:$0x3FB1] =	sst s3  }
0xc: {  	[smem:$0x3FB2] =	sst s4  }
0xd: {  	[smem:$0x3FB3] =	sst s5  }
0xe: {  	[smem:$0x3FB4] =	sst s6  }
0xf: {  	[smem:$0x3FB5] =	sst s7  }
0x10: {  	[smem:$0x3FB6] =	sst s8  }
0x11: {  	[smem:$0x3FB7] =	sst s9;
	s0 =	simm.s32 @!p0 $0x0  }
0x12: {  	s1 =	sld [smem:$0x3F9D];
	s0 =	simm.s32 @p0 $0x1  }
0x13: {  	[smem:$0x3FB8] =	sst s0;
	s0 =	simm.s32 @!p1 $0x0  }
0x14: {  	s2 =	sld [smem:$0x3F9C];
	s0 =	simm.s32 @p1 $0x1  }
0x15: {  	[smem:$0x3FB9] =	sst s0;
	s0 =	simm.s32 @!p2 $0x0  }
0x16: {  	s3 =	sld [smem:$0x3FDB];
	s0 =	simm.s32 @p2 $0x1  }
0x17: {  	s4 =	simm.s32 $0x1BF5;
	[smem:$0x3FBB] =	sst s0  }
0x18: {  	s0 =	sld [smem:$0x3F9E];
	_ =	swait.ge [sflag:s4], $0x0  }
0x19: {  	s7 =	sld [smem:$0x3F9F]  }
0x1a: {  	s8 =	sadd.s32 $0xFFFFE003, lr  }
0x1b: {  	s9 =	sadd.s32 $0xFFFFFEF7, lr;
	s5 =	simm.s32 $0xFFFFFFFF;
	p2 =	slt.u32 s8, $0xFFFFF086  }
0x1c: {  	p1 =	slt.u32 s9, $0xF7A;
	s5 =	simm.s32 @!p2 $0x0  }
0x1d: {  	s5 =	simm.s32 @p1 $0x1;
	p0 =	seq.s32 s7, s2  }
0x1e: {  	s7 =	smul.u32 @!p0 $0xF7A, s2;
	p2 =	seq.s32 @!p0 s5, $0x0  }
0x1f: {  	s9 =	smul.u32 $0xF7A, s1;
	s8 =	simm.s32 @!p0 $0x1BF5;
	p2 =	por !p2, p0  }
0x20: {  	[sflag:s8] =	ssyncset.s32 @!p0 $0xFFFFF086;
	s6 =	sadd.s32 @!p0 s3, s7;
	s7 =	simm.s32 @!p0 $0x108  }
0x21: {  	s3 =	sadd.s32 s3, s9;
	s6 =	sadd.s32 @!p0 $0x88, s6;
	s7 =	simm.s32 @p2 $0x1082  }
0x22: {  	[simem:s7], [sflag:s8] =	dma.local @!p0 [hbm:s6], $0xF7A  }
0x23: {  	s9 =	sor.u32 $0xD0000000, s2;
	s6 =	simm.s32 $0x108;
	_ =	swait.ge @!p0 [sflag:s8], $0x0  }
0x24: {  	s3 =	sadd.s32 $0x88, s3;
	s6 =	simm.s32 @!p1 $0x1082;
	[sflag:s4] =	ssyncset.s32 $0xFFFFF086  }
0x25: {  	[simem:s6], [sflag:s4] =	dma.local [hbm:s3], $0xF7A  }
0x26: {  	[smem:$0x3F9F] =	sst s1;
	(tag) =	ssettag s2;
	_ =	strace s9  }
0x27: {  	s1 =	sld [smem:$0x3FAF]  }
0x28: {  	s2 =	sld [smem:$0x3FB0]  }
0x29: {  	s4 =	sld [smem:$0x3FB2]  }
0x2a: {  	p0 =	seq.s32 s5, $0x0;
	s5 =	sld [smem:$0x3FB3]  }
0x2b: {  	s6 =	sld [smem:$0x3FB4]  }
0x2c: {  	s7 =	sld [smem:$0x3FB5]  }
0x2d: {  	s3 =	simm.s32 $0x108;
	s8 =	sld [smem:$0x3FB6]  }
0x2e: {  	s3 =	simm.s32 @!p0 $0x1082;
	s9 =	sld [smem:$0x3FB7]  }
0x2f: {  	lr =	sadd.s32 s0, s3;
	s0 =	sld [smem:$0x3FAE]  }
0x30: {  	s3 =	sld [smem:$0x3FB1]  }
0x31: {  	[smem:$0x3FBA] =	sst s10  }
0x32: {  	s10 =	sld [smem:$0x3FB8];
	_ =	sdelay $0x3  }
0x33: {  	p0 =	seq.s32 s10, $0x1;
	s10 =	sld [smem:$0x3FBA];
	_ =	sdelay $0x3  }
0x34: {  	[smem:$0x3FBA] =	sst s10  }
0x35: {  	s10 =	sld [smem:$0x3FB9];
	_ =	sdelay $0x3  }
0x36: {  	p1 =	seq.s32 s10, $0x1;
	s10 =	sld [smem:$0x3FBA];
	_ =	sdelay $0x3  }
0x37: {  	[smem:$0x3FBA] =	sst s10  }
0x38: {  	s10 =	sld [smem:$0x3FBB]  }
0x39: {  	_ = 	snop;
	(pc) =	sbr.ind lr, $3  }
0x3a: {  	_ = 	snop  }
0x3b: {  	_ = 	snop  }
0x3c: {  	p2 =	seq.s32 s10, $0x1;
	s10 =	sld [smem:$0x3FBA]  }
0x3d: {  	_ =	shalt  }
0x3e: {  	_ =	shalt  }
0x3f: {  	_ =	shalt  }
0x40: {  	_ =	shalt  }
0x41: {  	_ =	shalt  }
0x42: {  	_ =	shalt  }
0x43: {  	_ =	shalt  }
0x44: {  	_ =	shalt  }
0x45: {  	_ =	shalt  }
0x46: {  	_ =	shalt  }
0x47: {  	_ =	shalt  }
0x48: {  	_ =	shalt  }
0x49: {  	_ =	shalt  }
0x4a: {  	_ =	shalt  }
0x4b: {  	_ =	shalt  }
0x4c: {  	_ =	shalt  }
0x4d: {  	_ =	shalt  }
0x4e: {  	_ =	shalt  }
0x4f: {  	_ =	shalt  }
0x50: {  	_ =	shalt  }
0x51: {  	_ =	shalt  }
0x52: {  	_ =	shalt  }
0x53: {  	_ =	shalt  }
0x54: {  	_ =	shalt  }
0x55: {  	_ =	shalt  }
0x56: {  	_ =	shalt  }
0x57: {  	_ =	shalt  }
0x58: {  	_ =	shalt  }
0x59: {  	_ =	shalt  }
0x5a: {  	_ =	shalt  }
0x5b: {  	_ =	shalt  }
0x5c: {  	_ =	shalt  }
0x5d: {  	_ =	shalt  }
0x5e: {  	_ =	shalt  }
0x5f: {  	_ =	shalt  }
0x60: {  	_ =	shalt  }
0x61: {  	_ =	shalt  }
0x62: {  	_ =	shalt  }
0x63: {  	_ =	shalt  }
0x64: {  	_ =	shalt  }
0x65: {  	_ =	shalt  }
0x66: {  	_ =	shalt  }
0x67: {  	_ =	shalt  }
0x68: {  	_ =	shalt  }
0x69: {  	_ =	shalt  }
0x6a: {  	_ =	shalt  }
0x6b: {  	_ =	shalt  }
0x6c: {  	_ =	shalt  }
0x6d: {  	_ =	shalt  }
0x6e: {  	_ =	shalt  }
0x6f: {  	_ =	shalt  }
0x70: {  	_ =	shalt  }
0x71: {  	_ =	shalt  }
0x72: {  	_ =	shalt  }
0x73: {  	_ =	shalt  }
0x74: {  	_ =	shalt  }
0x75: {  	_ =	shalt  }
0x76: {  	_ =	shalt  }
0x77: {  	_ =	shalt  }
0x78: {  	_ =	shalt  }
0x79: {  	_ =	shalt  }
0x7a: {  	_ =	shalt  }
0x7b: {  	_ =	shalt  }
0x7c: {  	_ =	shalt  }
0x7d: {  	_ =	shalt  }
0x7e: {  	_ =	shalt  }
0x7f: {  	_ =	shalt  }
0x80: {  	_ =	shalt  }
0x81: {  	_ =	shalt  }
0x82: {  	_ =	shalt  }
0x83: {  	_ =	shalt  }
0x84: {  	_ =	shalt  }
0x85: {  	_ =	shalt  }
0x86: {  	_ =	shalt  }
0x87: {  	_ =	shalt  }
.Lfunc_end0:
.L_simem_size_0:
called_computation_lowered:
.L_overlay_start_0:
0x88: {  	s2 =	sld [smem:$0x3FD9]  }
0x89: {  	s3 =	sld [smem:$0x3FFE];
	_ =	sdelay $0x1  }
0x8a: {  	s1 =	srdreg.scid  }
0x8b: {  	s0 =	sand.u32 $0x1, s1  }
0x8c: {  	s17 =	sshll.u32 s0, $0xA;
	s2 =	sadd.s32 s3, s2  }
0x8d: {  	s2 =	sadd.s32 s2, s17  }
0x8e: {  	[smem:$0x3FC6] =	sst s2  }
0x8f: {  	_ = 	snop  }
0x90: {  	s2 =	sld [smem:$0x3FD0];
	(tm) =	ssettm $0x1  }
0x91: {  	s18 =	sld [smem:$0x3FFB];
	_ =	sdelay $0x3  }
0x92: {  	_ =	strace s18  }
0x93: {  	s3 =	sld [smem:$0x3FFC];
	_ =	sdelay $0x3  }
0x94: {  	_ =	strace s3  }
0x95: {  	s3 =	sld [smem:$0x3FFD];
	_ =	sdelay $0x3  }
0x96: {  	_ =	strace s3  }
0x97: {  	_ =	strace $0x8FFFFFFF  }
0x98: {  	s19 =	sld [smem:$0x3FDB];
	_ =	sdelay $0x1  }
0x99: {  	s4 =	simm.s32 $_scs_section_size  }
0x9a: {  	s5 =	simm.s32 $_size__tile_overlayer_lowered;
	s6 =	simm.s32 $_tile_overlayer_lowered  }
0x9b: {  	s22 =	simm.s32 $0x1BFF;
	s21 =	sshll.u32 s6, $0x1;
	s3 =	sadd.s32 s4, s19  }
0x9c: {  	s7 =	simm.s32 $0x0;
	s20 =	sshll.u32 s5, $0x1;
	s5 =	sadd.s32 s21, s3  }
0x9d: {  	[timem:s7], [sflag:s22] =	dma.local [hbm:s5], s20  }
0x9e: {  	_ =	swait.ge [sflag:s22], s20  }
0x9f: {  	s4 =	ssub.s32 $0x0, s20;
	[sflag:s22] =	ssyncset.done $0x0  }
0xa0: {  	[sflag:s22] =	ssyncadd.s32 s4;
	_ =	sdelay $0x1  }
0xa1: {  	s23 =	simm.s32 $0x1B8B  }
0xa2: {  	_ =	swait.ge [sflag:s23], $0x1  }
0xa3: {  	[sflag:s23] =	ssyncset.done $0x0  }
0xa4: {  	s25 =	simm.s32 $0x1B8E;
	s24 =	sld [smem:$0x3FFE];
	[sflag:s23] =	ssyncadd.s32 $0xFFFFFFFF  }
0xa5: {  	s26 =	simm.s32 $execute0_lowered;
	[smem:$0x3FD2] =	sst s25  }
0xa6: {  	s5 =	sshll.u32 s26, $0x1;
	_ =	strace $0x80000046;
	[dreg:$0x1] =	wrdreg $0xFFFFFFFF  }
0xa7: {  	s28 =	simm.s32 $_size_execute0_lowered;
	s3 =	sadd.s32 s3, s5;
	[dreg:$0x0] =	wrdreg $0x0  }
0xa8: {  	s5 =	sshll.u32 s28, $0x1;
	[dreg:$0x2] =	wrdreg s3  }
0xa9: {  	[dreg:$0x3] =	wrdreg s5  }
0xaa: {  	[dreg:$0x4] =	wrdreg $0xC0  }
0xab: {  	_ =	task [dreg:s7], $0x5FFFF  }
0xac: {  	[dreg:$0x1] =	wrdreg $0xFFFFFFFF  }
0xad: {  	[dreg:$0x0] =	wrdreg $0x60  }
0xae: {  	[dreg:$0x2] =	wrdreg s2  }
0xaf: {  	[dreg:$0x3] =	wrdreg s24  }
0xb0: {  	[dreg:$0x4] =	wrdreg $0x9  }
0xb1: {  	_ =	task.clear_ibuf [dreg:s7], $0x5FFFF;
	_ =	strace $0x90000046  }
0xb2: {  	s29 =	simm.s32 $0x9;
	_ =	strace $0x80000048  }
0xb3: {  	_ =	swait.ge [sflag:s29], $0x1  }
0xb4: {  	[sflag:s29] =	ssyncadd.s32 $0xFFFFFFFF  }
0xb5: {  	_ =	strace $0x90000048  }
0xb6: {  	_ =	sfence  }
0xb7: {  	s30 =	sld [smem:$0x0];
	_ =	sdelay $0x2  }
0xb8: {  	s31 =	sshll.u32 s1, $0xD;
	s1 =	sshrl.u32 s1, $0x2  }
0xb9: {  	s3 =	sand.u32 $0x4000, s31;
	s1 =	sadd.s32 s1, s30  }
0xba: {  	s0 =	sor.u32 s3, s0;
	s1 =	sshll.u32 s1, $0x11  }
0xbb: {  	s0 =	sor.u32 s1, s0  }
0xbc: {  	s0 =	sadd.s32 $0x8F2B, s0  }
0xbd: {  	[sflag:s0] =	ssyncadd.remote.s32 $0x1  }
0xbe: {  	_ =	sfence.sel $0xFFFF  }
0xbf: {  	[dreg:$0x0] =	wrdreg $0xFFFFFFFF;
	(pc) =	sbr.abs _section_cstart, $3  }
0xc0: {  	[dreg:$0x1] =	wrdreg $0xFFFFFFFF  }
0xc1: {  	_ =	task.clear_ibuf [dreg:s7], $0x2FFFF;
	_ =	strace $0x9FFFFFFF  }
0xc2: {  	(tm) =	ssettm $0x7FFFFFFF  }
0xc3: {  	_ =	shalt  }
tec
execute0_lowered:
.L_overlay_start_1:
0x0: {  	(tag) =	ssettag $0x1  }
0x1: {  	s1 =	rddreg [dreg:$0x0]  }
0x2: {  	s0 =	rddreg [dreg:$0x1];
	s3 =	simm.s32 $0x0;
	s2 =	srdreg.scid  }
0x3: {  	s7 =	stileid.u32;
	s10 =	simm.s32 $0x40;
	s11 =	simm.s32 $0x6400  }
0x4: {  	s12 =	simm.s32 $0x7400;
	s13 =	simm.s32 $0x8400;
	s15 =	simm.s32 $0x9400  }
0x5: {  	s16 =	simm.s32 $0x1;
	s17 =	simm.s32 $0xD400;
	s18 =	simm.s32 $0x2  }
0x6: {  	s29 =	simm.s32 $0xA400;
	s19 =	simm.s32 $0x3;
	s30 =	simm.s32 $0xB400  }
0x7: {  	s20 =	simm.s32 $0x4;
	s31 =	simm.s32 $0xC400;
	[smem:$0x7FF] =	sst s3  }
0x8: {  	s2 =	sand.u32 $0x1, s2;
	s3 =	sadd.s32 $0x400, s0;
	s0 =	sadd.s32 $0x7A8400, s0  }
0x9: {  	s22 =	sshll.u32 s7, $0xE;
	_ =	strace $0x80000047;
	[dreg:$0x6] =	wrdreg s29  }
0xa: {  	s7 =	sshll.u32 s7, $0x5;
	s4 =	ssub.s32 $0x2, s2;
	[dreg:$0x7] =	wrdreg s30  }
0xb: {  	s6 =	sshll.u32 s2, $0xD;
	s2 =	sshll.u32 s2, $0x4;
	[dreg:$0x8] =	wrdreg s31  }
0xc: {  	s5 =	sshrl.u32 s4, $0x1;
	s2 =	sor.u32 s2, s7;
	s7 =	simm.s32 $0x80  }
0xd: {  	s4 =	ssub.s32 s4, s5;
	s5 =	sor.u32 s6, s22;
	s1 =	sadd.s32 s1, s2  }
0xe: {  	s22 =	simm.s32 $0x6;
	s6 =	sshrl.u32 s5, $0x3;
	[dreg:$0x9] =	wrdreg s1  }
0xf: {  	s23 =	sor.u32 $0xC0000, s5;
	s28 =	smax.u32 s4, $0x1;
	[dreg:$0x3] =	wrdreg s6  }
0x10: {  	s25 =	sor.u32 $0x80000, s5;
	s24 =	sshrl.u32 s23, $0x3;
	[dreg:$0xa] =	wrdreg s28  }
0x11: {  	s26 =	sshrl.u32 s25, $0x3;
	s23 =	simm.s32 $0x7;
	[dreg:$0x4] =	wrdreg s24  }
0x12: {  	s25 =	simm.s32 $0x0;
	[dreg:$0x5] =	wrdreg s26;
	s24 =	simm.s32 $0x8  }
.LBB2_1:
0x13: {  	s1 =	simm.s32 $0x0  }
0x14: {  	s2 =	rddreg [dreg:$0x9];
	s4 =	simm.s32 $0x1000;
	s31 =	simm.s32 $0x9  }
0x15: {  	[tilespmem:s1], [sflag:$0x9] =	stream.strided.gather [hbm4b:s2+s7], $0x6400, s4, s7, $0x38;
	[tilespmem:$0xE400] =	vst v63  }
0x16: {  	_ =	swait.ge [sflag:s31], $0x6400  }
0x17: {  	[sflag:s31] =	ssyncset.done $0x0  }
0x18: {  	s1 =	simm.s32 $0x0;
	[sflag:s31] =	ssyncadd.s32 $0xFFFF9C00  }
0x19: {  	v1 =	vld [tilespmem:s1+$0x0]  }
0x1a: {  	v2 =	vld [tilespmem:s1+$0x10]  }
0x1b: {  	v7 =	vld [tilespmem:s1+$0x20]  }
0x1c: {  	v3 =	vld [tilespmem:s1+$0x30];
	_ =	sdelay $0x2  }
0x1d: {  	v0 =	vld [tilespmem:s1+$0x40];
	v5 =	vshll.u32 v1, $0x1  }
0x1e: {  	vm0 =	vlt.s32 v1, $0x7A120;
	v4 =	vshll.u32 v2, $0x1;
	v1 =	vld [tilespmem:s1+$0x50];
	vm1 =	vlt.s32 v7, $0x7A120  }
0x1f: {  	v7 =	vshll.u32 v7, $0x1;
	v8 =	vshll.u32 v3, $0x1;
	v6 =	vadd.s32 $0xFFF0C001, v5  }
0x20: {  	s2 =	simm.s32 $0x200;
	v5 =	vsel vm0, v5, v6;
	vm0 =	vlt.s32 v2, $0x7A120;
	v6 =	vadd.s32 $0xFFF0C001, v4;
	v2 =	vld [tilespmem:s1+$0x60]  }
.LBB2_2:
0x21: {  	p0 =	sne.s32 s2, $0x18E00;
	v9 =	vadd.s32 $0xFFF0C001, v7;
	vm2 =	vlt.s32 v3, $0x7A120;
	v3 =	vadd.s32 $0xFFF0C001, v8;
	v10 =	vld [tilespmem:s1+$0x70]  }
0x22: {  	s4 =	sshra.s32 s2, $0x2;
	v4 =	vsel vm0, v4, v6;
	[tilespmem:s1+$0x0] =	vst v5;
	v5 =	vsel vm1, v7, v9;
	v3 =	vsel vm2, v8, v3  }
0x23: {  	vm0 =	vlt.s32 v0, $0x7A120;
	v0 =	vshll.u32 v0, $0x1;
	v6 =	vld [tilespmem:s4+$0x0];
	[tilespmem:s1+$0x10] =	vst v4;
	v4 =	vshll.u32 v1, $0x1  }
0x24: {  	vm1 =	vlt.s32 v1, $0x7A120;
	v7 =	vld [tilespmem:s4+$0x10];
	[tilespmem:s1+$0x20] =	vst v5;
	v5 =	vadd.s32 $0xFFF0C001, v0;
	v1 =	vadd.s32 $0xFFF0C001, v4  }
0x25: {  	v8 =	vld [tilespmem:s4+$0x20];
	[tilespmem:s1+$0x30] =	vst v3;
	v0 =	vsel vm0, v0, v5;
	v1 =	vsel vm1, v4, v1;
	v4 =	vshll.u32 v2, $0x1  }
0x26: {  	vm0 =	vlt.s32 v2, $0x7A120;
	v3 =	vld [tilespmem:s4+$0x30];
	[tilespmem:s1+$0x40] =	vst v0;
	v0 =	vadd.s32 $0xFFF0C001, v4;
	v2 =	vshll.u32 v10, $0x1  }
.Ltmp0:
0x27: {  	[tilespmem:s1+$0x50] =	vst v1;
	v1 =	vsel vm0, v4, v0;
	vm0 =	vlt.s32 v10, $0x7A120;
	v4 =	vadd.s32 $0xFFF0C001, v2;
	(pc) =	sbr.rel @p0 .LBB2_2-.Ltmp0, $4  }
0x28: {  	v5 =	vshll.u32 v6, $0x1;
	v0 =	vld [tilespmem:s4+$0x40];
	[tilespmem:s1+$0x60] =	vst v1;
	v2 =	vsel vm0, v2, v4  }
0x29: {  	vm0 =	vlt.s32 v6, $0x7A120;
	v6 =	vadd.s32 $0xFFF0C001, v5;
	v4 =	vshll.u32 v7, $0x1;
	v1 =	vld [tilespmem:s4+$0x50];
	[tilespmem:s1+$0x70] =	vst v2;
	s1 =	smov.u32 s4  }
0x2a: {  	v5 =	vsel vm0, v5, v6;
	vm0 =	vlt.s32 v7, $0x7A120;
	v6 =	vadd.s32 $0xFFF0C001, v4  }
0x2b: {  	s2 =	sadd.s32 $0x200, s2;
	vm1 =	vlt.s32 v8, $0x7A120;
	v7 =	vshll.u32 v8, $0x1;
	v8 =	vshll.u32 v3, $0x1;
	v2 =	vld [tilespmem:s1+$0x60]  }
0x2c: {  	v9 =	vadd.s32 $0xFFF0C001, v7;
	vm2 =	vlt.s32 v3, $0x7A120;
	v53 =	vadd.s32 $0xFFF0C001, v8;
	v10 =	vld [tilespmem:s1+$0x70]  }
0x2d: {  	[tilespmem:s1+$0x0] =	vst v5;
	v4 =	vsel vm0, v4, v6;
	v54 =	vsel vm1, v7, v9;
	v3 =	vsel vm2, v8, v53  }
0x2e: {  	[tilespmem:s1+$0x10] =	vst v4;
	vm12 =	vlt.s32 v0, $0x7A120;
	v55 =	vshll.u32 v0, $0x1;
	v56 =	vshll.u32 v1, $0x1  }
0x2f: {  	[tilespmem:s1+$0x20] =	vst v54;
	v57 =	vadd.s32 $0xFFF0C001, v55;
	vm13 =	vlt.s32 v1, $0x7A120;
	v58 =	vadd.s32 $0xFFF0C001, v56  }
0x30: {  	[tilespmem:s1+$0x30] =	vst v3;
	v0 =	vsel vm12, v55, v57;
	v1 =	vsel vm13, v56, v58;
	v59 =	vshll.u32 v2, $0x1  }
0x31: {  	[tilespmem:s1+$0x40] =	vst v0;
	vm14 =	vlt.s32 v2, $0x7A120;
	v60 =	vadd.s32 $0xFFF0C001, v59;
	v61 =	vshll.u32 v10, $0x1  }
0x32: {  	[tilespmem:s1+$0x50] =	vst v1;
	vm15 =	vlt.s32 v10, $0x7A120;
	v0 =	vsel vm14, v59, v60;
	v62 =	vadd.s32 $0xFFF0C001, v61  }
0x33: {  	[tilespmem:s1+$0x60] =	vst v0;
	v63 =	vsel vm15, v61, v62  }
0x34: {  	s4 =	simm.s32 $0x0;
	[tilespmem:s1+$0x70] =	vst v63  }
0x35: {  	[tilespmem:s11], [sflag:$0x1] =	stream.indirect.gather [hbm4b:s3+s10], $0x40, s4, s10, $0xb8;
	[tilespmem:$0xE400] =	vst v63  }
0x36: {  	p1 =	por $0x1, $0x1  }
0x37: {  	[tilespmem:s12], [sflag:$0x1] =	stream.indirect.gather [hbm4b:s3+s10], $0x40, s10, s10, $0xb8;
	[tilespmem:$0xE400] =	vst v63  }
0x38: {  	p0 =	por p1, p1  }
0x39: {  	[tilespmem:s13], [sflag:$0x2] =	stream.indirect.gather [hbm4b:s3+s10], $0x40, s7, s10, $0xb8;
	[tilespmem:$0xE400] =	vst v63  }
0x3a: {  	s5 =	simm.s32 $0xC0;
	s1 =	simm.s32 @!p0 $0x7  }
0x3b: {  	[tilespmem:s15], [sflag:$0x2] =	stream.indirect.gather [hbm4b:s3+s10], $0x40, s5, s10, $0xb8;
	[tilespmem:$0xE400] =	vst v63  }
0x3c: {  	_ =	swait.ge @!p0 [sflag:s1], $0x1000  }
0x3d: {  	[sflag:s1] =	ssyncset.done @!p0 $0x0  }
0x3e: {  	[sflag:s1] =	ssyncadd.s32 @!p0 $0xFFFFF000  }
0x3f: {  	_ =	swait.ge @!p0 [sflag:s1], $0x1000  }
0x40: {  	s2 =	simm.s32 @!p1 $0x100;
	[sflag:s1] =	ssyncset.done @!p0 $0x0  }
0x41: {  	s8 =	simm.s32 @!p0 $0xA400;
	s4 =	simm.s32 @!p0 $0x40;
	[sflag:s1] =	ssyncadd.s32 @!p0 $0xFFFFF000  }
0x42: {  	[tilespmem:s8], [sflag:$0x3] =	stream.indirect.gather @!p0 [hbm4b:s3+s4], $0x40, s2, s4, $0xb8;
	[tilespmem:$0xE400] =	vst v63  }
0x43: {  	s1 =	simm.s32 @!p1 $0x140;
	p1 =	por $0x0, $0x0;
	s2 =	simm.s32 @!p0 $0xB400  }
0x44: {  	[tilespmem:s2], [sflag:$0x3] =	stream.indirect.gather @!p0 [hbm4b:s3+s4], $0x40, s1, s4, $0xb8;
	[tilespmem:$0xE400] =	vst v63  }
0x45: {  	s1 =	simm.s32 @!p1 $0x40;
	s2 =	simm.s32 @!p1 $0x100;
	s4 =	simm.s32 @!p1 $0xA400  }
0x46: {  	[tilespmem:s4], [sflag:$0x3] =	stream.indirect.gather @!p1 [hbm4b:s3+s1], $0x40, s2, s1, $0xb8;
	[tilespmem:$0xE400] =	vst v63  }
0x47: {  	s2 =	simm.s32 @!p1 $0x140;
	s4 =	simm.s32 @!p1 $0xB400  }
0x48: {  	[tilespmem:s4], [sflag:$0x3] =	stream.indirect.gather @!p1 [hbm4b:s3+s1], $0x40, s2, s1, $0xb8;
	[tilespmem:$0xE400] =	vst v63  }
0x49: {  	_ =	swait.ge [sflag:s16], $0x1000  }
0x4a: {  	[sflag:s16] =	ssyncset.done $0x0  }
0x4b: {  	[sflag:s16] =	ssyncadd.s32 $0xFFFFF000  }
0x4c: {  	_ =	swait.ge [sflag:s16], $0x1000  }
0x4d: {  	s6 =	rddreg [dreg:$0x3];
	[sflag:s16] =	ssyncset.done $0x0  }
0x4e: {  	p0 =	por $0x1, $0x1;
	[sflag:s16] =	ssyncadd.s32 $0xFFFFF000;
	s1 =	sadd.s32 s0, s6  }
0x4f: {  	[hbm4b:s1+s10] =	stream.strided.scatter [tilespmem:s11], [sflag:$0x5], $0x1000, s7, s10, $0x38;
	[tilespmem:$0xE400] =	vst v63  }
0x50: {  	s26 =	simm.s32 @p0 $0xC400;
	s8 =	sadd.s32 $0x8, s1  }
0x51: {  	[hbm4b:s8+s10] =	stream.strided.scatter [tilespmem:s12], [sflag:$0x5], $0x1000, s7, s10, $0x38;
	[tilespmem:$0xE400] =	vst v63  }
0x52: {  	s4 =	simm.s32 @!p0 $0x8;
	s2 =	simm.s32 @p0 $0x40;
	s8 =	simm.s32 @p0 $0x180  }
0x53: {  	[tilespmem:s26], [sflag:$0x4] =	stream.indirect.gather @p0 [hbm4b:s3+s2], $0x40, s8, s2, $0xb8;
	[tilespmem:$0xE400] =	vst v63  }
0x54: {  	_ =	swait.ge @!p0 [sflag:s4], $0x1000  }
0x55: {  	[sflag:s4] =	ssyncset.done @!p0 $0x0  }
0x56: {  	[sflag:s4] =	ssyncadd.s32 @!p0 $0xFFFFF000  }
0x57: {  	_ =	swait.ge @!p0 [sflag:s4], $0x1000  }
0x58: {  	s28 =	simm.s32 @!p0 $0xC400;
	s2 =	simm.s32 @!p0 $0x180;
	[sflag:s4] =	ssyncset.done @!p0 $0x0  }
0x59: {  	s8 =	simm.s32 @!p0 $0x1C0;
	s26 =	simm.s32 @!p0 $0x40;
	[sflag:s4] =	ssyncadd.s32 @!p0 $0xFFFFF000  }
0x5a: {  	[tilespmem:s28], [sflag:$0x4] =	stream.indirect.gather @!p0 [hbm4b:s3+s26], $0x40, s2, s26, $0xb8;
	[tilespmem:$0xE400] =	vst v63  }
0x5b: {  	s8 =	simm.s32 @p0 $0x1C0  }
0x5c: {  	[tilespmem:s17], [sflag:$0x4] =	stream.indirect.gather [hbm4b:s3+s10], $0x40, s8, s10, $0xb8;
	[tilespmem:$0xE400] =	vst v63  }
0x5d: {  	_ =	swait.ge [sflag:s18], $0x1000  }
0x5e: {  	[sflag:s18] =	ssyncset.done $0x0  }
0x5f: {  	[sflag:s18] =	ssyncadd.s32 $0xFFFFF000  }
0x60: {  	_ =	swait.ge [sflag:s18], $0x1000  }
0x61: {  	[sflag:s18] =	ssyncset.done $0x0  }
0x62: {  	s9 =	sadd.s32 $0x8000, s1;
	[sflag:s18] =	ssyncadd.s32 $0xFFFFF000  }
0x63: {  	[hbm4b:s9+s10] =	stream.strided.scatter [tilespmem:s13], [sflag:$0x6], $0x1000, s7, s10, $0x38;
	[tilespmem:$0xE400] =	vst v63  }
0x64: {  	s1 =	sadd.s32 $0x8008, s1;
	p0 =	por $0x0, $0x0  }
0x65: {  	[hbm4b:s1+s10] =	stream.strided.scatter [tilespmem:s15], [sflag:$0x6], $0x1000, s7, s10, $0x38;
	[tilespmem:$0xE400] =	vst v63  }
0x66: {  	s1 =	simm.s32 @!p0 $0x5  }
0x67: {  	_ =	swait.ge @!p0 [sflag:s1], $0x1000  }
0x68: {  	[sflag:s1] =	ssyncset.done @!p0 $0x0  }
0x69: {  	[sflag:s1] =	ssyncadd.s32 @!p0 $0xFFFFF000  }
0x6a: {  	_ =	swait.ge @!p0 [sflag:s1], $0x1000  }
0x6b: {  	s2 =	simm.s32 @!p0 $0x200;
	[sflag:s1] =	ssyncset.done @!p0 $0x0  }
0x6c: {  	s4 =	simm.s32 @!p0 $0x40;
	s8 =	simm.s32 @!p0 $0x6400;
	[sflag:s1] =	ssyncadd.s32 @!p0 $0xFFFFF000  }
0x6d: {  	[tilespmem:s8], [sflag:$0x1] =	stream.indirect.gather @!p0 [hbm4b:s3+s4], $0x40, s2, s4, $0xb8;
	[tilespmem:$0xE400] =	vst v63  }
0x6e: {  	s1 =	simm.s32 @!p0 $0x240;
	s2 =	simm.s32 @!p0 $0x7400  }
0x6f: {  	[tilespmem:s2], [sflag:$0x1] =	stream.indirect.gather @!p0 [hbm4b:s3+s4], $0x40, s1, s4, $0xb8;
	[tilespmem:$0xE400] =	vst v63  }
0x70: {  	_ =	swait.ge [sflag:s19], $0x1000  }
0x71: {  	[sflag:s19] =	ssyncset.done $0x0  }
0x72: {  	[sflag:s19] =	ssyncadd.s32 $0xFFFFF000  }
0x73: {  	_ =	swait.ge [sflag:s19], $0x1000  }
0x74: {  	s14 =	rddreg [dreg:$0x5];
	[sflag:s19] =	ssyncset.done $0x0  }
0x75: {  	s21 =	rddreg [dreg:$0x6];
	[sflag:s19] =	ssyncadd.s32 $0xFFFFF000;
	s1 =	sadd.s32 s0, s14  }
0x76: {  	[hbm4b:s1+s10] =	stream.strided.scatter [tilespmem:s21], [sflag:$0x7], $0x1000, s7, s10, $0x38;
	[tilespmem:$0xE400] =	vst v63  }
0x77: {  	s2 =	simm.s32 @!p0 $0x6;
	s26 =	rddreg [dreg:$0x7];
	s1 =	sadd.s32 $0x8, s1  }
0x78: {  	[hbm4b:s1+s10] =	stream.strided.scatter [tilespmem:s26], [sflag:$0x7], $0x1000, s7, s10, $0x38;
	[tilespmem:$0xE400] =	vst v63  }
0x79: {  	_ =	swait.ge @!p0 [sflag:s2], $0x1000  }
0x7a: {  	[sflag:s2] =	ssyncset.done @!p0 $0x0  }
0x7b: {  	p1 =	por $0x0, $0x0;
	[sflag:s2] =	ssyncadd.s32 @!p0 $0xFFFFF000  }
0x7c: {  	s31 =	simm.s32 $0x1000;
	s29 =	simm.s32 @!p1 $0x300;
	_ =	swait.ge @!p0 [sflag:s2], $0x1000  }
0x7d: {  	s30 =	simm.s32 @!p1 $0x340;
	s28 =	simm.s32 $0x800;
	[sflag:s2] =	ssyncset.done @!p0 $0x0  }
0x7e: {  	s8 =	simm.s32 @!p0 $0x8400;
	s1 =	simm.s32 @!p0 $0x280;
	[sflag:s2] =	ssyncadd.s32 @!p0 $0xFFFFF000  }
0x7f: {  	[tilespmem:s8], [sflag:$0x2] =	stream.indirect.gather @!p0 [hbm4b:s3+s4], $0x40, s1, s4, $0xb8;
	[tilespmem:$0xE400] =	vst v63  }
0x80: {  	s26 =	sadd.s32 $0x20000, s0;
	s2 =	simm.s32 @!p0 $0x9400;
	s1 =	simm.s32 @!p0 $0x2C0  }
0x81: {  	[tilespmem:s2], [sflag:$0x2] =	stream.indirect.gather @!p0 [hbm4b:s3+s4], $0x40, s1, s4, $0xb8;
	[tilespmem:$0xE400] =	vst v63  }
0x82: {  	p0 =	por p1, p1;
	s2 =	simm.s32 $0x4;
	_ =	swait.ge [sflag:s20], $0x1000  }
0x83: {  	s4 =	smov.u32 s0;
	s8 =	simm.s32 @!p0 $0x7;
	[sflag:s20] =	ssyncset.done $0x0  }
.LBB2_4:
0x84: {  	[sflag:s20] =	ssyncadd.s32 $0xFFFFF000  }
0x85: {  	_ =	swait.ge [sflag:s20], $0x1000  }
0x86: {  	s5 =	rddreg [dreg:$0x4];
	[sflag:s20] =	ssyncset.done $0x0  }
0x87: {  	s9 =	rddreg [dreg:$0x8];
	[sflag:s20] =	ssyncadd.s32 $0xFFFFF000;
	s5 =	sadd.s32 s4, s5  }
0x88: {  	[hbm4b:s5+s10] =	stream.strided.scatter [tilespmem:s9], [sflag:$0x8], $0x1000, s7, s10, $0x38;
	[tilespmem:$0xE400] =	vst v63  }
0x89: {  	s5 =	sadd.s32 $0x8, s5  }
0x8a: {  	[hbm4b:s5+s10] =	stream.strided.scatter [tilespmem:s17], [sflag:$0x8], $0x1000, s7, s10, $0x38;
	[tilespmem:$0xE400] =	vst v63  }
0x8b: {  	_ =	swait.ge @!p0 [sflag:s8], $0x1000  }
0x8c: {  	[sflag:s8] =	ssyncset.done @!p0 $0x0  }
0x8d: {  	p2 =	sgt.u32 s2, $0xC3;
	s1 =	smov.u32 s31;
	[sflag:s8] =	ssyncadd.s32 @!p0 $0xFFFFF000  }
0x8e: {  	s14 =	sshra.s32 @!p2 s1, $0x2;
	_ =	swait.ge @!p0 [sflag:s8], $0x1000  }
0x8f: {  	s6 =	sadd.s32 @!p2 $0x100, s14;
	[sflag:s8] =	ssyncset.done @!p0 $0x0  }
0x90: {  	s9 =	simm.s32 @!p0 $0xA400;
	s5 =	simm.s32 @!p0 $0x40;
	[sflag:s8] =	ssyncadd.s32 @!p0 $0xFFFFF000  }
0x91: {  	[tilespmem:s9], [sflag:$0x3] =	stream.indirect.gather @!p0 [hbm4b:s3+s5], $0x40, s29, s5, $0xb8;
	[tilespmem:$0xE400] =	vst v63  }
0x92: {  	p3 =	sne.s32 s28, $0x0;
	s8 =	simm.s32 @!p0 $0xB400;
	s29 =	smov.u32 s6  }
0x93: {  	[tilespmem:s8], [sflag:$0x3] =	stream.indirect.gather @!p0 [hbm4b:s3+s5], $0x40, s30, s5, $0xb8;
	[tilespmem:$0xE400] =	vst v63  }
0x94: {  	s6 =	simm.s32 @!p3 $0x100;
	s5 =	simm.s32 @!p3 $0x40;
	s8 =	simm.s32 @!p3 $0xA400  }
0x95: {  	[tilespmem:s8], [sflag:$0x3] =	stream.indirect.gather @!p3 [hbm4b:s3+s5], $0x40, s6, s5, $0xb8;
	[tilespmem:$0xE400] =	vst v63  }
0x96: {  	s6 =	simm.s32 @!p3 $0x140;
	s8 =	simm.s32 @!p3 $0xB400  }
0x97: {  	[tilespmem:s8], [sflag:$0x3] =	stream.indirect.gather @!p3 [hbm4b:s3+s5], $0x40, s6, s5, $0xb8;
	[tilespmem:$0xE400] =	vst v63  }
0x98: {  	_ =	swait.ge [sflag:s16], $0x1000  }
0x99: {  	[sflag:s16] =	ssyncset.done $0x0  }
0x9a: {  	[sflag:s16] =	ssyncadd.s32 $0xFFFFF000  }
0x9b: {  	s14 =	sadd.s32 @!p2 $0x140, s14;
	_ =	swait.ge [sflag:s16], $0x1000  }
0x9c: {  	p0 =	por p2, p2;
	s9 =	rddreg [dreg:$0x3];
	[sflag:s16] =	ssyncset.done $0x0  }
0x9d: {  	p2 =	seq.s32 s28, $0x0;
	[sflag:s16] =	ssyncadd.s32 $0xFFFFF000;
	s5 =	sadd.s32 s26, s9  }
0x9e: {  	[hbm4b:s5+s10] =	stream.strided.scatter [tilespmem:s11], [sflag:$0x5], $0x1000, s7, s10, $0x38;
	[tilespmem:$0xE400] =	vst v63  }
0x9f: {  	s30 =	smov.u32 s14;
	s21 =	simm.s32 @p2 $0xC400;
	s14 =	sadd.s32 $0x8, s5  }
0xa0: {  	[hbm4b:s14+s10] =	stream.strided.scatter [tilespmem:s12], [sflag:$0x5], $0x1000, s7, s10, $0x38;
	[tilespmem:$0xE400] =	vst v63  }
0xa1: {  	s8 =	simm.s32 @!p2 $0x8;
	s6 =	simm.s32 @p2 $0x40;
	s14 =	simm.s32 @p2 $0x180  }
0xa2: {  	[tilespmem:s21], [sflag:$0x4] =	stream.indirect.gather @p2 [hbm4b:s3+s6], $0x40, s14, s6, $0xb8;
	[tilespmem:$0xE400] =	vst v63  }
0xa3: {  	_ =	swait.ge @!p2 [sflag:s8], $0x1000  }
0xa4: {  	[sflag:s8] =	ssyncset.done @!p2 $0x0  }
0xa5: {  	[sflag:s8] =	ssyncadd.s32 @!p2 $0xFFFFF000  }
0xa6: {  	s9 =	sshra.s32 @!p2 s28, $0x2;
	_ =	swait.ge @!p2 [sflag:s8], $0x1000  }
0xa7: {  	s6 =	sadd.s32 @!p2 $0x180, s9;
	s9 =	sadd.s32 @!p2 $0x1C0, s9;
	[sflag:s8] =	ssyncset.done @!p2 $0x0  }
0xa8: {  	s14 =	simm.s32 @!p2 $0x40;
	s21 =	simm.s32 @!p2 $0xC400;
	[sflag:s8] =	ssyncadd.s32 @!p2 $0xFFFFF000  }
0xa9: {  	[tilespmem:s21], [sflag:$0x4] =	stream.indirect.gather @!p2 [hbm4b:s3+s14], $0x40, s6, s14, $0xb8;
	[tilespmem:$0xE400] =	vst v63  }
0xaa: {  	s9 =	simm.s32 @p2 $0x1C0  }
0xab: {  	[tilespmem:s17], [sflag:$0x4] =	stream.indirect.gather [hbm4b:s3+s10], $0x40, s9, s10, $0xb8;
	[tilespmem:$0xE400] =	vst v63  }
0xac: {  	_ =	swait.ge [sflag:s18], $0x1000  }
0xad: {  	[sflag:s18] =	ssyncset.done $0x0  }
0xae: {  	[sflag:s18] =	ssyncadd.s32 $0xFFFFF000  }
0xaf: {  	_ =	swait.ge [sflag:s18], $0x1000  }
0xb0: {  	[sflag:s18] =	ssyncset.done $0x0  }
0xb1: {  	s21 =	sadd.s32 $0x8000, s5;
	[sflag:s18] =	ssyncadd.s32 $0xFFFFF000  }
0xb2: {  	[hbm4b:s21+s10] =	stream.strided.scatter [tilespmem:s13], [sflag:$0x6], $0x1000, s7, s10, $0x38;
	[tilespmem:$0xE400] =	vst v63  }
0xb3: {  	s5 =	sadd.s32 $0x8008, s5;
	p2 =	seq.s32 s28, $0x18800  }
0xb4: {  	[hbm4b:s5+s10] =	stream.strided.scatter [tilespmem:s15], [sflag:$0x6], $0x1000, s7, s10, $0x38;
	[tilespmem:$0xE400] =	vst v63  }
0xb5: {  	s5 =	simm.s32 @!p2 $0x5  }
0xb6: {  	_ =	swait.ge @!p2 [sflag:s5], $0x1000  }
0xb7: {  	[sflag:s5] =	ssyncset.done @!p2 $0x0  }
0xb8: {  	[sflag:s5] =	ssyncadd.s32 @!p2 $0xFFFFF000  }
0xb9: {  	s6 =	sshra.s32 @!p2 s28, $0x2;
	_ =	swait.ge @!p2 [sflag:s5], $0x1000  }
0xba: {  	s28 =	smov.u32 s1;
	s14 =	simm.s32 @!p2 $0x40;
	[sflag:s5] =	ssyncset.done @!p2 $0x0  }
0xbb: {  	s1 =	sadd.s32 @!p2 $0x200, s6;
	s21 =	simm.s32 @!p2 $0x6400;
	[sflag:s5] =	ssyncadd.s32 @!p2 $0xFFFFF000  }
0xbc: {  	[tilespmem:s21], [sflag:$0x1] =	stream.indirect.gather @!p2 [hbm4b:s3+s14], $0x40, s1, s14, $0xb8;
	[tilespmem:$0xE400] =	vst v63  }
0xbd: {  	s8 =	sadd.s32 @!p2 $0x240, s6;
	s5 =	simm.s32 @!p2 $0x7400  }
0xbe: {  	[tilespmem:s5], [sflag:$0x1] =	stream.indirect.gather @!p2 [hbm4b:s3+s14], $0x40, s8, s14, $0xb8;
	[tilespmem:$0xE400] =	vst v63  }
0xbf: {  	_ =	swait.ge [sflag:s19], $0x1000  }
0xc0: {  	[sflag:s19] =	ssyncset.done $0x0  }
0xc1: {  	[sflag:s19] =	ssyncadd.s32 $0xFFFFF000  }
0xc2: {  	_ =	swait.ge [sflag:s19], $0x1000  }
0xc3: {  	s5 =	rddreg [dreg:$0x5];
	[sflag:s19] =	ssyncset.done $0x0  }
0xc4: {  	s8 =	rddreg [dreg:$0x6];
	[sflag:s19] =	ssyncadd.s32 $0xFFFFF000;
	s1 =	sadd.s32 s26, s5  }
0xc5: {  	[hbm4b:s1+s10] =	stream.strided.scatter [tilespmem:s8], [sflag:$0x7], $0x1000, s7, s10, $0x38;
	[tilespmem:$0xE400] =	vst v63  }
0xc6: {  	s21 =	rddreg [dreg:$0x7];
	s5 =	simm.s32 @!p2 $0x6;
	s1 =	sadd.s32 $0x8, s1  }
0xc7: {  	[hbm4b:s1+s10] =	stream.strided.scatter [tilespmem:s21], [sflag:$0x7], $0x1000, s7, s10, $0x38;
	[tilespmem:$0xE400] =	vst v63  }
0xc8: {  	_ =	swait.ge @!p2 [sflag:s5], $0x1000  }
0xc9: {  	[sflag:s5] =	ssyncset.done @!p2 $0x0  }
0xca: {  	[sflag:s5] =	ssyncadd.s32 @!p2 $0xFFFFF000  }
0xcb: {  	s31 =	sadd.s32 $0x800, s31;
	_ =	swait.ge @!p2 [sflag:s5], $0x1000  }
0xcc: {  	p1 =	sne.s32 s31, $0x19000;
	[sflag:s5] =	ssyncset.done @!p2 $0x0  }
0xcd: {  	s9 =	sadd.s32 @!p2 $0x280, s6;
	s1 =	simm.s32 @!p2 $0x8400;
	[sflag:s5] =	ssyncadd.s32 @!p2 $0xFFFFF000  }
0xce: {  	[tilespmem:s1], [sflag:$0x2] =	stream.indirect.gather @!p2 [hbm4b:s3+s14], $0x40, s9, s14, $0xb8;
	[tilespmem:$0xE400] =	vst v63  }
.Ltmp1:
0xcf: {  	_ = 	snop;
	(pc) =	sbr.rel @p1 .LBB2_4-.Ltmp1, $4  }
0xd0: {  	s6 =	sadd.s32 @!p2 $0x2C0, s6;
	s5 =	simm.s32 @!p2 $0x9400  }
0xd1: {  	[tilespmem:s5], [sflag:$0x2] =	stream.indirect.gather @!p2 [hbm4b:s3+s14], $0x40, s6, s14, $0xb8;
	[tilespmem:$0xE400] =	vst v63  }
0xd2: {  	s2 =	sadd.s32 $0x4, s2;
	s4 =	smov.u32 s26;
	_ =	swait.ge [sflag:s20], $0x1000  }
0xd3: {  	s26 =	sadd.s32 $0x20000, s26;
	s8 =	simm.s32 @!p0 $0x7;
	[sflag:s20] =	ssyncset.done $0x0  }
0xd4: {  	[sflag:s20] =	ssyncadd.s32 $0xFFFFF000  }
0xd5: {  	_ =	swait.ge [sflag:s20], $0x1000  }
0xd6: {  	s1 =	rddreg [dreg:$0x4];
	[sflag:s20] =	ssyncset.done $0x0  }
0xd7: {  	s2 =	rddreg [dreg:$0x8];
	[sflag:s20] =	ssyncadd.s32 $0xFFFFF000;
	s1 =	sadd.s32 s4, s1  }
0xd8: {  	[hbm4b:s1+s10] =	stream.strided.scatter [tilespmem:s2], [sflag:$0x8], $0x1000, s7, s10, $0x38;
	[tilespmem:$0xE400] =	vst v63  }
0xd9: {  	s1 =	sadd.s32 $0x8, s1  }
0xda: {  	[hbm4b:s1+s10] =	stream.strided.scatter [tilespmem:s17], [sflag:$0x8], $0x1000, s7, s10, $0x38;
	[tilespmem:$0xE400] =	vst v63  }
0xdb: {  	_ =	swait.ge @!p0 [sflag:s8], $0x1000  }
0xdc: {  	[sflag:s8] =	ssyncset.done @!p0 $0x0  }
0xdd: {  	[sflag:s8] =	ssyncadd.s32 @!p0 $0xFFFFF000  }
0xde: {  	_ =	swait.ge @!p0 [sflag:s8], $0x1000  }
0xdf: {  	[sflag:s8] =	ssyncset.done @!p0 $0x0  }
0xe0: {  	s2 =	simm.s32 @!p0 $0xA400;
	s1 =	simm.s32 @!p0 $0x40;
	[sflag:s8] =	ssyncadd.s32 @!p0 $0xFFFFF000  }
0xe1: {  	[tilespmem:s2], [sflag:$0x3] =	stream.indirect.gather @!p0 [hbm4b:s3+s1], $0x40, s29, s1, $0xb8;
	[tilespmem:$0xE400] =	vst v63  }
0xe2: {  	p1 =	sne.s32 s28, $0x0;
	s2 =	simm.s32 @!p0 $0xB400  }
0xe3: {  	[tilespmem:s2], [sflag:$0x3] =	stream.indirect.gather @!p0 [hbm4b:s3+s1], $0x40, s30, s1, $0xb8;
	[tilespmem:$0xE400] =	vst v63  }
0xe4: {  	s4 =	simm.s32 @!p1 $0xA400;
	s1 =	simm.s32 @!p1 $0x40;
	s2 =	simm.s32 @!p1 $0x100  }
0xe5: {  	[tilespmem:s4], [sflag:$0x3] =	stream.indirect.gather @!p1 [hbm4b:s3+s1], $0x40, s2, s1, $0xb8;
	[tilespmem:$0xE400] =	vst v63  }
0xe6: {  	s2 =	simm.s32 @!p1 $0x140;
	s4 =	simm.s32 @!p1 $0xB400  }
0xe7: {  	[tilespmem:s4], [sflag:$0x3] =	stream.indirect.gather @!p1 [hbm4b:s3+s1], $0x40, s2, s1, $0xb8;
	[tilespmem:$0xE400] =	vst v63  }
0xe8: {  	_ =	swait.ge [sflag:s16], $0x1000  }
0xe9: {  	[sflag:s16] =	ssyncset.done $0x0  }
0xea: {  	[sflag:s16] =	ssyncadd.s32 $0xFFFFF000  }
0xeb: {  	_ =	swait.ge [sflag:s16], $0x1000  }
0xec: {  	s5 =	rddreg [dreg:$0x3];
	[sflag:s16] =	ssyncset.done $0x0  }
0xed: {  	p0 =	seq.s32 s28, $0x0;
	[sflag:s16] =	ssyncadd.s32 $0xFFFFF000;
	s1 =	sadd.s32 s26, s5  }
0xee: {  	[hbm4b:s1+s10] =	stream.strided.scatter [tilespmem:s11], [sflag:$0x5], $0x1000, s7, s10, $0x38;
	[tilespmem:$0xE400] =	vst v63  }
0xef: {  	s4 =	simm.s32 @!p0 $0x8;
	s6 =	sadd.s32 $0x8, s1  }
0xf0: {  	[hbm4b:s6+s10] =	stream.strided.scatter [tilespmem:s12], [sflag:$0x5], $0x1000, s7, s10, $0x38;
	[tilespmem:$0xE400] =	vst v63  }
0xf1: {  	s2 =	simm.s32 @p0 $0x40;
	s5 =	simm.s32 @p0 $0x180;
	s6 =	simm.s32 @p0 $0xC400  }
0xf2: {  	[tilespmem:s6], [sflag:$0x4] =	stream.indirect.gather @p0 [hbm4b:s3+s2], $0x40, s5, s2, $0xb8;
	[tilespmem:$0xE400] =	vst v63  }
0xf3: {  	_ =	swait.ge @!p0 [sflag:s4], $0x1000  }
0xf4: {  	[sflag:s4] =	ssyncset.done @!p0 $0x0  }
0xf5: {  	[sflag:s4] =	ssyncadd.s32 @!p0 $0xFFFFF000  }
0xf6: {  	s8 =	simm.s32 @!p0 $0xC400;
	_ =	swait.ge @!p0 [sflag:s4], $0x1000  }
0xf7: {  	s2 =	sshra.s32 @!p0 s28, $0x2;
	s6 =	simm.s32 @!p0 $0x40;
	[sflag:s4] =	ssyncset.done @!p0 $0x0  }
0xf8: {  	s5 =	sadd.s32 @!p0 $0x180, s2;
	s2 =	sadd.s32 @!p0 $0x1C0, s2;
	[sflag:s4] =	ssyncadd.s32 @!p0 $0xFFFFF000  }
0xf9: {  	[tilespmem:s8], [sflag:$0x4] =	stream.indirect.gather @!p0 [hbm4b:s3+s6], $0x40, s5, s6, $0xb8;
	[tilespmem:$0xE400] =	vst v63  }
0xfa: {  	s2 =	simm.s32 @p0 $0x1C0  }
0xfb: {  	[tilespmem:s17], [sflag:$0x4] =	stream.indirect.gather [hbm4b:s3+s10], $0x40, s2, s10, $0xb8;
	[tilespmem:$0xE400] =	vst v63  }
0xfc: {  	_ =	swait.ge [sflag:s18], $0x1000  }
0xfd: {  	[sflag:s18] =	ssyncset.done $0x0  }
0xfe: {  	[sflag:s18] =	ssyncadd.s32 $0xFFFFF000  }
0xff: {  	_ =	swait.ge [sflag:s18], $0x1000  }
0x100: {  	[sflag:s18] =	ssyncset.done $0x0  }
0x101: {  	s8 =	sadd.s32 $0x8000, s1;
	[sflag:s18] =	ssyncadd.s32 $0xFFFFF000  }
0x102: {  	[hbm4b:s8+s10] =	stream.strided.scatter [tilespmem:s13], [sflag:$0x6], $0x1000, s7, s10, $0x38;
	[tilespmem:$0xE400] =	vst v63  }
0x103: {  	s1 =	sadd.s32 $0x8008, s1;
	p0 =	seq.s32 s28, $0x18800  }
0x104: {  	[hbm4b:s1+s10] =	stream.strided.scatter [tilespmem:s15], [sflag:$0x6], $0x1000, s7, s10, $0x38;
	[tilespmem:$0xE400] =	vst v63  }
0x105: {  	s1 =	simm.s32 @!p0 $0x5  }
0x106: {  	_ =	swait.ge @!p0 [sflag:s1], $0x1000  }
0x107: {  	[sflag:s1] =	ssyncset.done @!p0 $0x0  }
0x108: {  	[sflag:s1] =	ssyncadd.s32 @!p0 $0xFFFFF000  }
0x109: {  	_ =	swait.ge @!p0 [sflag:s1], $0x1000  }
0x10a: {  	s5 =	simm.s32 @!p0 $0x40;
	s2 =	sshra.s32 @!p0 s28, $0x2;
	[sflag:s1] =	ssyncset.done @!p0 $0x0  }
0x10b: {  	s6 =	simm.s32 @!p0 $0x6400;
	s4 =	sadd.s32 @!p0 $0x200, s2;
	[sflag:s1] =	ssyncadd.s32 @!p0 $0xFFFFF000  }
0x10c: {  	[tilespmem:s6], [sflag:$0x1] =	stream.indirect.gather @!p0 [hbm4b:s3+s5], $0x40, s4, s5, $0xb8;
	[tilespmem:$0xE400] =	vst v63  }
0x10d: {  	s1 =	sadd.s32 @!p0 $0x240, s2;
	s4 =	simm.s32 @!p0 $0x7400  }
0x10e: {  	[tilespmem:s4], [sflag:$0x1] =	stream.indirect.gather @!p0 [hbm4b:s3+s5], $0x40, s1, s5, $0xb8;
	[tilespmem:$0xE400] =	vst v63  }
0x10f: {  	_ =	swait.ge [sflag:s19], $0x1000  }
0x110: {  	[sflag:s19] =	ssyncset.done $0x0  }
0x111: {  	[sflag:s19] =	ssyncadd.s32 $0xFFFFF000  }
0x112: {  	_ =	swait.ge [sflag:s19], $0x1000  }
0x113: {  	s9 =	rddreg [dreg:$0x5];
	[sflag:s19] =	ssyncset.done $0x0  }
0x114: {  	s14 =	rddreg [dreg:$0x6];
	[sflag:s19] =	ssyncadd.s32 $0xFFFFF000;
	s1 =	sadd.s32 s26, s9  }
0x115: {  	[hbm4b:s1+s10] =	stream.strided.scatter [tilespmem:s14], [sflag:$0x7], $0x1000, s7, s10, $0x38;
	[tilespmem:$0xE400] =	vst v63  }
0x116: {  	s4 =	simm.s32 @!p0 $0x6;
	s21 =	rddreg [dreg:$0x7];
	s1 =	sadd.s32 $0x8, s1  }
0x117: {  	[hbm4b:s1+s10] =	stream.strided.scatter [tilespmem:s21], [sflag:$0x7], $0x1000, s7, s10, $0x38;
	[tilespmem:$0xE400] =	vst v63  }
0x118: {  	_ =	swait.ge @!p0 [sflag:s4], $0x1000  }
0x119: {  	[sflag:s4] =	ssyncset.done @!p0 $0x0  }
0x11a: {  	[sflag:s4] =	ssyncadd.s32 @!p0 $0xFFFFF000  }
0x11b: {  	_ =	swait.ge @!p0 [sflag:s4], $0x1000  }
0x11c: {  	[sflag:s4] =	ssyncset.done @!p0 $0x0  }
0x11d: {  	s6 =	simm.s32 @!p0 $0x8400;
	s1 =	sadd.s32 @!p0 $0x280, s2;
	[sflag:s4] =	ssyncadd.s32 @!p0 $0xFFFFF000  }
0x11e: {  	[tilespmem:s6], [sflag:$0x2] =	stream.indirect.gather @!p0 [hbm4b:s3+s5], $0x40, s1, s5, $0xb8;
	[tilespmem:$0xE400] =	vst v63  }
0x11f: {  	s1 =	sadd.s32 @!p0 $0x2C0, s2;
	s2 =	simm.s32 @!p0 $0x9400  }
0x120: {  	[tilespmem:s2], [sflag:$0x2] =	stream.indirect.gather @!p0 [hbm4b:s3+s5], $0x40, s1, s5, $0xb8;
	[tilespmem:$0xE400] =	vst v63  }
0x121: {  	_ =	swait.ge [sflag:s20], $0x1000  }
0x122: {  	[sflag:s20] =	ssyncset.done $0x0  }
0x123: {  	[sflag:s20] =	ssyncadd.s32 $0xFFFFF000  }
0x124: {  	_ =	swait.ge [sflag:s20], $0x1000  }
0x125: {  	s28 =	rddreg [dreg:$0x4];
	[sflag:s20] =	ssyncset.done $0x0  }
0x126: {  	s29 =	rddreg [dreg:$0x8];
	[sflag:s20] =	ssyncadd.s32 $0xFFFFF000;
	s1 =	sadd.s32 s26, s28  }
0x127: {  	[hbm4b:s1+s10] =	stream.strided.scatter [tilespmem:s29], [sflag:$0x8], $0x1000, s7, s10, $0x38;
	[tilespmem:$0xE400] =	vst v63  }
0x128: {  	s30 =	simm.s32 $0x5;
	s1 =	sadd.s32 $0x8, s1  }
0x129: {  	[hbm4b:s1+s10] =	stream.strided.scatter [tilespmem:s17], [sflag:$0x8], $0x1000, s7, s10, $0x38;
	[tilespmem:$0xE400] =	vst v63  }
0x12a: {  	_ =	swait.ge [sflag:s30], $0x1000  }
0x12b: {  	[sflag:s30] =	ssyncset.done $0x0  }
0x12c: {  	[sflag:s30] =	ssyncadd.s32 $0xFFFFF000  }
0x12d: {  	_ =	swait.ge [sflag:s30], $0x1000  }
0x12e: {  	[sflag:s30] =	ssyncset.done $0x0  }
0x12f: {  	[sflag:s30] =	ssyncadd.s32 $0xFFFFF000  }
0x130: {  	_ =	swait.ge [sflag:s22], $0x1000  }
0x131: {  	[sflag:s22] =	ssyncset.done $0x0  }
0x132: {  	[sflag:s22] =	ssyncadd.s32 $0xFFFFF000  }
0x133: {  	_ =	swait.ge [sflag:s22], $0x1000  }
0x134: {  	[sflag:s22] =	ssyncset.done $0x0  }
0x135: {  	[sflag:s22] =	ssyncadd.s32 $0xFFFFF000  }
0x136: {  	_ =	swait.ge [sflag:s23], $0x1000  }
0x137: {  	[sflag:s23] =	ssyncset.done $0x0  }
0x138: {  	[sflag:s23] =	ssyncadd.s32 $0xFFFFF000  }
0x139: {  	_ =	swait.ge [sflag:s23], $0x1000  }
0x13a: {  	[sflag:s23] =	ssyncset.done $0x0  }
0x13b: {  	[sflag:s23] =	ssyncadd.s32 $0xFFFFF000  }
0x13c: {  	_ =	swait.ge [sflag:s24], $0x1000  }
0x13d: {  	[sflag:s24] =	ssyncset.done $0x0  }
0x13e: {  	[sflag:s24] =	ssyncadd.s32 $0xFFFFF000  }
0x13f: {  	_ =	swait.ge [sflag:s24], $0x1000  }
0x140: {  	s25 =	sadd.s32 $0x1, s25;
	s31 =	rddreg [dreg:$0xa]  }
0x141: {  	p0 =	sne.s32 s25, s31  }
.Ltmp2:
0x142: {  	_ = 	snop;
	(pc) =	sbr.rel @p0 .LBB2_1-.Ltmp2, $3  }
0x143: {  	_ =	sdelay $0x1  }
0x144: {  	[sflag:s24] =	ssyncset.done $0x0  }
0x145: {  	[sflag:s24] =	ssyncadd.s32 $0xFFFFF000  }
0x146: {  	_ =	sfence.sel $0x180000  }
0x147: {  	[bflag:$0x0] =	sbarrier.arrive $0xFFFF  }
0x148: {  	_ =	strace $0x90000047  }
0x149: {  	s0 =	stileid.u32;
	[bflag:$0x2] =	sbarrier.arrive $0xFFFF  }
0x14a: {  	p0 =	sne.s32 s0, $0x0;
	s0 =	rddreg [dreg:$0x2]  }
0x14b: {  	s0 =	sadd.s32 @!p0 $0x100000, s0  }
0x14c: {  	[sflag:s0] =	ssyncadd.tile.s32 @!p0 $0x1;
	_ =	shalt  }
.Lfunc_end2:
_tile_overlayer_lowered:
.L_overlay_start_2:
0x14d: {  	(tag) =	ssettag $0x2  }
0x14e: {  	s0 =	rddreg [dreg:$0x0];
	s2 =	stileid.u32  }
0x14f: {  	s1 =	rddreg [dreg:$0x1];
	p0 =	sne.s32 s2, $0x0  }
0x150: {  	s3 =	rddreg [dreg:$0x2];
	[bflag:$0x3] =	sbarrier.arrive $0xFFFF;
	s2 =	simm.s32 @!p0 $0x1C09  }
0x151: {  	[timem:s3], [sflag:s2] =	dma.local @!p0 [hbm:s0], s1  }
0x152: {  	s0 =	simm.s32 @!p0 $0x9  }
0x153: {  	_ =	swait.ge @!p0 [sflag:s0], s1  }
0x154: {  	s1 =	ssub.s32 @!p0 $0x0, s1;
	[sflag:s0] =	ssyncset.done @!p0 $0x0  }
0x155: {  	[sflag:s0] =	ssyncadd.s32 @!p0 s1  }
0x156: {  	[bflag:$0x3] =	sbarrier.arrive $0xFFFF  }
0x157: {  	_ =	shalt  }

</sc_bundles>
